<compile_context>
chip_gen: v7x
topology: tpu7x:2x2x1
jax: 0.10.2.dev20260603
libtpu: 0.0.44.dev20260713+nightly
codegen_flags: <defaults>
</compile_context>

<pallas_src>
import functools

import jax
import jax.numpy as jnp
from jax import lax
from jax.experimental import pallas as pl
from jax.experimental.pallas import tpu as pltpu
from jax.experimental.pallas import tpu_sc as plsc

NCORES = 2
NSUB = 16
CH = 128


def _sc_mesh():
    return plsc.VectorSubcoreMesh(core_axis_name="c", subcore_axis_name="s")


def _sc_degrees(src_r, dst_r, Np, NCH):
    stripe = Np // NSUB
    half = NCH // 2

    @functools.partial(
        pl.kernel,
        out_type=jax.ShapeDtypeStruct((NCORES, 2, Np), jnp.float32),
        mesh=_sc_mesh(),
        scratch_types=[
            pltpu.VMEM((half, CH), jnp.int32),
            pltpu.VMEM((half, CH), jnp.int32),
            pltpu.VMEM((CH,), jnp.float32),
            pltpu.VMEM((stripe,), jnp.float32),
            pltpu.VMEM_SHARED((Np,), jnp.float32),
            pltpu.VMEM_SHARED((Np,), jnp.float32),
            pltpu.SemaphoreType.DMA,
            pltpu.SemaphoreType.DMA,
            pltpu.SemaphoreType.DMA,
            pltpu.SemaphoreType.DMA,
        ],
    )
    def deg(src_hbm, dst_hbm, out_hbm, src_v, dst_v, ones_v, zer, acc_s, acc_d,
            sa0, sa1, sd0, sd1):
        c = lax.axis_index("c")
        s = lax.axis_index("s")

        def fill_ones(i, carry):
            ones_v[pl.ds(i * 16, 16)] = jnp.ones((16,), jnp.float32)
            return carry

        lax.fori_loop(0, CH // 16, fill_ones, 0)

        def fill_zeros(i, carry):
            zer[pl.ds(i * 16, 16)] = jnp.zeros((16,), jnp.float32)
            return carry

        lax.fori_loop(0, stripe // 16, fill_zeros, 0)

        base = s * stripe
        pltpu.sync_copy(zer, acc_s.at[pl.ds(base, stripe)])
        pltpu.sync_copy(zer, acc_d.at[pl.ds(base, stripe)])
        pltpu.sync_copy(src_hbm.at[s, pl.ds(c * half, half)], src_v)
        pltpu.sync_copy(dst_hbm.at[s, pl.ds(c * half, half)], dst_v)
        plsc.subcore_barrier()

        sas = (sa0, sa1)
        sds = (sd0, sd1)

        def body(g, carry):
            j0 = 2 * g
            for p in range(2):
                j = j0 + p

                @pl.when(j >= 2)
                def _(j=j, p=p):
                    pltpu.make_async_copy(ones_v, acc_s.at[src_v.at[j - 2]], sas[p]).wait()
                    pltpu.make_async_copy(ones_v, acc_d.at[dst_v.at[j - 2]], sds[p]).wait()

                pltpu.async_copy(ones_v, acc_s.at[src_v.at[j]], sas[p], add=True)
                pltpu.async_copy(ones_v, acc_d.at[dst_v.at[j]], sds[p], add=True)
            return carry

        lax.fori_loop(0, half // 2, body, 0)
        for p in range(2):
            j = half - 2 + p
            pltpu.make_async_copy(ones_v, acc_s.at[src_v.at[j]], sas[p]).wait()
            pltpu.make_async_copy(ones_v, acc_d.at[dst_v.at[j]], sds[p]).wait()
        plsc.subcore_barrier()
        pltpu.sync_copy(acc_s.at[pl.ds(base, stripe)], out_hbm.at[c, 0, pl.ds(base, stripe)])
        pltpu.sync_copy(acc_d.at[pl.ds(base, stripe)], out_hbm.at[c, 1, pl.ds(base, stripe)])

    return deg(src_r, dst_r)


def _sc_segsum(h2, src_r, dst_r, Np, Dh, NCH):
    stripe = Np // NSUB
    zch = stripe // CH

    @functools.partial(
        pl.kernel,
        out_type=jax.ShapeDtypeStruct((NCORES, Np, Dh), jnp.float32),
        mesh=_sc_mesh(),
        compiler_params=pltpu.CompilerParams(use_tc_tiling_on_sc=False),
        scratch_types=[
            pltpu.VMEM((NCH, CH), jnp.int32),
            pltpu.VMEM((NCH, CH), jnp.int32),
            pltpu.VMEM((CH, Dh), jnp.float32),
            pltpu.VMEM((CH, Dh), jnp.float32),
            pltpu.VMEM((CH, Dh), jnp.float32),
            pltpu.VMEM((CH, Dh), jnp.float32),
            pltpu.VMEM((CH, Dh), jnp.float32),
            pltpu.VMEM_SHARED((Np, Dh), jnp.float32),
            pltpu.SemaphoreType.DMA,
            pltpu.SemaphoreType.DMA,
            pltpu.SemaphoreType.DMA,
            pltpu.SemaphoreType.DMA,
            pltpu.SemaphoreType.DMA,
            pltpu.SemaphoreType.DMA,
            pltpu.SemaphoreType.DMA,
            pltpu.SemaphoreType.DMA,
        ],
    )
    def seg(h_hbm, src_hbm, dst_hbm, out_hbm, src_v, dst_v,
            buf0, buf1, buf2, buf3, zer, acc,
            gs0, gs1, gs2, gs3, ss0, ss1, ss2, ss3):
        c = lax.axis_index("c")
        s = lax.axis_index("s")

        def zrow(i, carry):
            def zcol(j, carry2):
                zer[i, pl.ds(j * 16, 16)] = jnp.zeros((16,), jnp.float32)
                return carry2

            return lax.fori_loop(0, Dh // 16, zcol, carry)

        lax.fori_loop(0, CH, zrow, 0)

        base = s * stripe

        def zcp(i, carry):
            pltpu.sync_copy(zer, acc.at[pl.ds(base + i * CH, CH)])
            return carry

        lax.fori_loop(0, zch, zcp, 0)
        pltpu.sync_copy(src_hbm.at[s], src_v)
        pltpu.sync_copy(dst_hbm.at[s], dst_v)
        plsc.subcore_barrier()

        hc = h_hbm.at[c]
        bufs = (buf0, buf1, buf2, buf3)
        gsems = (gs0, gs1, gs2, gs3)
        ssems = (ss0, ss1, ss2, ss3)

        for b in range(4):
            pltpu.async_copy(hc.at[src_v.at[b]], bufs[b], gsems[b])

        def body(g, carry):
            j0 = 4 * g
            for b in range(4):
                j = j0 + b
                pltpu.make_async_copy(hc.at[src_v.at[j]], bufs[b], gsems[b]).wait()
                pltpu.async_copy(bufs[b], acc.at[dst_v.at[j]], ssems[b], add=True)
            for b in range(4):
                j = j0 + b

                @pl.when(j + 4 < NCH)
                def _(j=j, b=b):
                    pltpu.make_async_copy(bufs[b], acc.at[dst_v.at[j]], ssems[b]).wait()
                    pltpu.async_copy(hc.at[src_v.at[j + 4]], bufs[b], gsems[b])

            return carry

        lax.fori_loop(0, NCH // 4, body, 0)
        for b in range(4):
            pltpu.make_async_copy(bufs[b], acc.at[dst_v.at[NCH - 4 + b]], ssems[b]).wait()
        plsc.subcore_barrier()
        pltpu.sync_copy(acc.at[pl.ds(base, stripe)], out_hbm.at[c, pl.ds(base, stripe)])

    return seg(h2, src_r, dst_r)


def _pack_split(hs, out_ref, Np, Dh):
    Nh = Np // 2
    top = hs[:Nh]
    bot = hs[Nh:]
    out_ref[0] = jnp.concatenate([top[:, :Dh], bot[:, :Dh]], axis=1)
    out_ref[1] = jnp.concatenate([top[:, Dh:], bot[:, Dh:]], axis=1)


def _unpack_split(a, Np, Dh):
    top = jnp.concatenate([a[0, :, :Dh], a[1, :, :Dh]], axis=1)
    bot = jnp.concatenate([a[0, :, Dh:], a[1, :, Dh:]], axis=1)
    return jnp.concatenate([top, bot], axis=0)


def _tc_prep(heat_pad, degc, N, Np, D, Dh):

    def body(heat_ref, degc_ref, h0_ref, snd_ref):
        degs = degc_ref[:, 0:1] + degc_ref[:, 2:3]
        degd = degc_ref[:, 1:2] + degc_ref[:, 3:4]
        sn = lax.rsqrt(jnp.maximum(degs, 1.0))
        dn = lax.rsqrt(jnp.maximum(degd, 1.0))
        snd_ref[...] = jnp.concatenate([sn, dn], axis=1)
        hs = heat_ref[...] * sn
        _pack_split(hs, h0_ref, Np, Dh)

    return pl.pallas_call(
        body,
        out_shape=[
            jax.ShapeDtypeStruct((NCORES, Np // 2, D), jnp.float32),
            jax.ShapeDtypeStruct((Np, 2), jnp.float32),
        ],
    )(heat_pad, degc)


def _tc_dense(aggp, snd, W, b2, ac2, g2, bt2, aa2, gh_in, N, Np, D, Dh, split_out):

    def body(aggp_ref, snd_ref, w_ref, b_ref, ac_ref, g_ref, bt_ref, aa_ref,
             ghin_ref, h_ref, gh_ref):
        agg = _unpack_split(aggp_ref[...], Np, Dh)
        dn = snd_ref[:, 1:2]
        y = jnp.dot(agg * dn, w_ref[...], preferred_element_type=jnp.float32)
        y = y + b_ref[...]
        ac = ac_ref[0, 0]
        y = jnp.where(y >= 0.0, y, ac * y)
        rows = lax.broadcasted_iota(jnp.int32, (Np, 1), 0)
        mask = (rows < N).astype(jnp.float32)
        ym = y * mask
        inv_n = 1.0 / N
        mu = jnp.sum(ym, axis=0, keepdims=True) * inv_n
        var = jnp.sum(ym * ym, axis=0, keepdims=True) * inv_n - mu * mu
        z = (y - mu) * lax.rsqrt(var + 1e-5) * g_ref[...] + bt_ref[...]
        aa = aa_ref[0, 0]
        h = jnp.where(z >= 0.0, z, aa * z)
        hm = h * mask
        gh_ref[...] = ghin_ref[...] + jnp.sum(hm, axis=0, keepdims=True)
        if split_out:
            hs = hm * snd_ref[:, 0:1]
            _pack_split(hs, h_ref, Np, Dh)
        else:
            h_ref[...] = hm[:N]

    h_shape = ((NCORES, Np // 2, D) if split_out else (N, D))
    return pl.pallas_call(
        body,
        out_shape=[
            jax.ShapeDtypeStruct(h_shape, jnp.float32),
            jax.ShapeDtypeStruct((1, D), jnp.float32),
        ],
    )(aggp, snd, W, b2, ac2, g2, bt2, aa2, gh_in)


def kernel(heat, edge_index, W1, b1, a_conv1, gamma0, beta0, a_act0,
           W2, b2, a_conv2, gamma1, beta1, a_act1):
    N, D = heat.shape
    Dh = D // 2
    E = edge_index.shape[1]
    Np = (N // 2048 + 1) * 2048
    NCH = -(-E // (NSUB * CH))
    NCH = -(-NCH // 16) * 16
    Ep = NSUB * NCH * CH
    pad_rows = Np - N

    Nh = Np // 2
    pad_idx = N + (jnp.arange(Ep - E, dtype=jnp.int32) % pad_rows)

    def _remap(idx):
        return jnp.where(idx < Nh, 2 * idx, 2 * (idx - Nh) + 1)

    cat_src = jnp.concatenate([edge_index[0], pad_idx])
    cat_dst = jnp.concatenate([edge_index[1], pad_idx])
    src_n = cat_src.reshape(NSUB, NCH, CH)
    dst_n = cat_dst.reshape(NSUB, NCH, CH)
    src_r = _remap(cat_src).reshape(NSUB, NCH, CH)
    dst_r = _remap(cat_dst).reshape(NSUB, NCH, CH)
    heat_pad = jnp.concatenate([heat, jnp.zeros((pad_rows, D), jnp.float32)])

    degp = _sc_degrees(src_n, dst_n, Np, NCH)
    degc = degp.transpose(2, 0, 1).reshape(Np, 2 * NCORES)
    h0, snd = _tc_prep(heat_pad, degc, N, Np, D, Dh)

    b1r, g0r, bt0r = b1.reshape(1, D), gamma0.reshape(1, D), beta0.reshape(1, D)
    b2r, g1r, bt1r = b2.reshape(1, D), gamma1.reshape(1, D), beta1.reshape(1, D)
    ac1, aa0 = a_conv1.reshape(1, 1), a_act0.reshape(1, 1)
    ac2, aa1 = a_conv2.reshape(1, 1), a_act1.reshape(1, 1)

    aggp1 = _sc_segsum(h0.reshape(NCORES, Np, Dh), src_r, dst_r, Np, Dh, NCH)
    gh0 = jnp.zeros((1, D), jnp.float32)
    h1s, gh1 = _tc_dense(aggp1.reshape(NCORES, Np // 2, D), snd, W1, b1r, ac1,
                         g0r, bt0r, aa0, gh0, N, Np, D, Dh, split_out=True)

    aggp2 = _sc_segsum(h1s.reshape(NCORES, Np, Dh), src_r, dst_r, Np, Dh, NCH)
    h2, gh = _tc_dense(aggp2.reshape(NCORES, Np // 2, D), snd, W2, b2r, ac2,
                       g1r, bt1r, aa1, gh1, N, Np, D, Dh, split_out=False)

    return h2, gh

# --- scband reference (transcript-rebuilt; emitter-appended) ---
"""Pipeline reference for scband-encoder-25031069401693 (READ-ONLY COPY).

The authoritative reference and input builder live on the scoring server;
editing this copy changes nothing except your own understanding.
"""

import jax, jax.numpy as jnp
import numpy as np

N = 10000
E = 320000
D = 128

def prelu(x, a):
    return jnp.where(x >= 0, x, a * x)

def setup_inputs(seed: int = 0) -> dict:
    key = jax.random.key(seed)
    ks = jax.random.split(key, 6)
    heat = jax.random.normal(ks[0], (N, D), dtype=jnp.float32)
    edge_index = jax.random.randint(ks[1], (2, E), 0, N, dtype=jnp.int32)
    W1 = jax.random.normal(ks[2], (D, D), dtype=jnp.float32) * 0.05
    b1 = jnp.zeros((D,), dtype=jnp.float32)
    a_conv1 = jnp.array(0.25, dtype=jnp.float32)
    gamma0 = jnp.ones((D,), dtype=jnp.float32)
    beta0 = jnp.zeros((D,), dtype=jnp.float32)
    a_act0 = jnp.array(0.25, dtype=jnp.float32)
    W2 = jax.random.normal(ks[3], (D, D), dtype=jnp.float32) * 0.05
    b2 = jnp.zeros((D,), dtype=jnp.float32)
    a_conv2 = jnp.array(0.25, dtype=jnp.float32)
    gamma1 = jnp.ones((D,), dtype=jnp.float32)
    beta1 = jnp.zeros((D,), dtype=jnp.float32)
    a_act1 = jnp.array(0.25, dtype=jnp.float32)
    return {"heat": heat, "edge_index": edge_index, "W1": W1, "b1": b1, "a_conv1": a_conv1, "gamma0": gamma0, "beta0": beta0, "a_act0": a_act0, "W2": W2, "b2": b2, "a_conv2": a_conv2, "gamma1": gamma1, "beta1": beta1, "a_act1": a_act1}

def reference(heat, edge_index, W1, b1, a_conv1, gamma0, beta0, a_act0, W2, b2, a_conv2, gamma1, beta1, a_act1):
    src = edge_index[0]
    dst = edge_index[1]
    n = heat.shape[0]
    out_deg = jnp.maximum(jnp.bincount(src, length=n).astype(jnp.float32), 1.0)
    in_deg = jnp.maximum(jnp.bincount(dst, length=n).astype(jnp.float32), 1.0)
    sn = out_deg ** -0.5
    dn = in_deg ** -0.5

    def gconv(x, W, b, a):
        h = x * sn[:, None]
        m = h[src]
        agg = jax.ops.segment_sum(m, dst, num_segments=n)
        agg = agg * dn[:, None]
        agg = agg @ W + b
        return prelu(agg, a)

    def bnorm(x, g, bt):
        mu = jnp.mean(x, axis=0)
        var = jnp.var(x, axis=0)
        return (x - mu) / jnp.sqrt(var + 1e-5) * g + bt

    # dropout in eval mode -> identity
    h = gconv(heat, W1, b1, a_conv1)
    h = bnorm(h, gamma0, beta0)
    h = prelu(h, a_act0)
    gh = jnp.sum(h, axis=0, keepdims=True)
    h = gconv(h, W2, b2, a_conv2)
    h = bnorm(h, gamma1, beta1)
    h = prelu(h, a_act1)
    gh = gh + jnp.sum(h, axis=0, keepdims=True)
    return (h, gh)

if __name__ == "__main__":
    import jax
    _d = setup_inputs()
    print(jax.jit(kernel)(*tuple(_d.values())))

</pallas_src>

<mosaic_0001>
#map = affine_map<(d0, d1) -> (0, 0, 0)>
module attributes {stable_mosaic.version = 14 : i64} {
  func.func @deg(%arg0: i32, %arg1: i32, %arg2: memref<16x160x128xi32, #tpu.memory_space<hbm>>, %arg3: memref<16x160x128xi32, #tpu.memory_space<hbm>>, %arg4: memref<2x2x10240xf32, #tpu.memory_space<hbm>>, %arg5: memref<80x128xi32, #tpu.memory_space<vmem>>, %arg6: memref<80x128xi32, #tpu.memory_space<vmem>>, %arg7: memref<128xf32, #tpu.memory_space<vmem>>, %arg8: memref<640xf32, #tpu.memory_space<vmem>>, %arg9: memref<10240xf32, #tpu.memory_space<vmem_shared>>, %arg10: memref<10240xf32, #tpu.memory_space<vmem_shared>>, %arg11: memref<!tpu.dma_semaphore, #tpu.memory_space<semaphore_mem>>, %arg12: memref<!tpu.dma_semaphore, #tpu.memory_space<semaphore_mem>>, %arg13: memref<!tpu.dma_semaphore, #tpu.memory_space<semaphore_mem>>, %arg14: memref<!tpu.dma_semaphore, #tpu.memory_space<semaphore_mem>>) attributes {dimension_semantics = [#tpu.dimension_semantics<core_parallel>, #tpu.dimension_semantics<subcore_parallel>], iteration_bounds = array<i64: 2, 16>, scalar_prefetch = 0 : i64, scratch_operands = 10 : i64, tpu.core_type = #tpu.core_type<sc_vector_subcore>, window_params = [{transform_indices = #map}, {transform_indices = #map}, {transform_indices = #map}]} {
    %scan3A = arith.constant 0 : i32
    %scan3A_0 = arith.constant 0 : i32
    %scan3A_1 = arith.constant 8 : i32
    %scan3A_2 = arith.addi %scan3A_0, %scan3A_1 : i32
    %scan3A_3 = arith.constant 1 : i32
    scf.for %scan3A_47 = %scan3A_0 to %scan3A_2 step %scan3A_3  : i32 {
      %broadcast_in_dim3A = arith.constant 1.000000e+00 : f32
      %broadcast_in_dim3A_48 = vector.broadcast %broadcast_in_dim3A : f32 to vector<16xf32>
      %mul3A_49 = arith.constant 16 : i32
      %mul3A_50 = arith.muli %scan3A_47, %mul3A_49 : i32
      %swap3A = arith.index_cast %mul3A_50 : i32 to index
      %swap3A_51 = tpu.vector_load %arg7[%swap3A] {strides = array<i32>} : memref<128xf32, #tpu.memory_space<vmem>>, vector<16xf32>,
      %swap3A_52 = vector.shape_cast %swap3A_51 : vector<16xf32> to vector<16xf32>
      %swap3A_53 = vector.shape_cast %broadcast_in_dim3A_48 : vector<16xf32> to vector<16xf32>
      tpu.vector_store %arg7[%swap3A], %swap3A_53 {strides = array<i32>} : memref<128xf32, #tpu.memory_space<vmem>>, vector<16xf32>,
    }
    %scan3A_4 = arith.constant 8 : i32
    %scan3A_5 = arith.constant 0 : i32
    %scan3A_6 = arith.constant 0 : i32
    %scan3A_7 = arith.constant 40 : i32
    %scan3A_8 = arith.addi %scan3A_6, %scan3A_7 : i32
    %scan3A_9 = arith.constant 1 : i32
    scf.for %scan3A_47 = %scan3A_6 to %scan3A_8 step %scan3A_9  : i32 {
      %broadcast_in_dim3A = arith.constant 0.000000e+00 : f32
      %broadcast_in_dim3A_48 = vector.broadcast %broadcast_in_dim3A : f32 to vector<16xf32>
      %mul3A_49 = arith.constant 16 : i32
      %mul3A_50 = arith.muli %scan3A_47, %mul3A_49 : i32
      %swap3A = arith.index_cast %mul3A_50 : i32 to index
      %swap3A_51 = tpu.vector_load %arg8[%swap3A] {strides = array<i32>} : memref<640xf32, #tpu.memory_space<vmem>>, vector<16xf32>,
      %swap3A_52 = vector.shape_cast %swap3A_51 : vector<16xf32> to vector<16xf32>
      %swap3A_53 = vector.shape_cast %broadcast_in_dim3A_48 : vector<16xf32> to vector<16xf32>
      tpu.vector_store %arg8[%swap3A], %swap3A_53 {strides = array<i32>} : memref<640xf32, #tpu.memory_space<vmem>>, vector<16xf32>,
    }
    %scan3A_10 = arith.constant 40 : i32
    %mul3A = arith.constant 640 : i32
    %mul3A_11 = arith.muli %arg1, %mul3A : i32
    "tpu.region"() ({
      %run_scoped3A_47 = tpu.sem_alloc : memref<!tpu.dma_semaphore, #tpu.memory_space<semaphore_mem>>
      %dma_start3A = tpu.memref_slice %arg9[%mul3A_11] : memref<10240xf32, #tpu.memory_space<vmem_shared>> -> memref<640xf32, #tpu.memory_space<vmem_shared>>
      %dma_start3A_48 = tpu.memref_slice %arg9[%mul3A_11] : memref<10240xf32, #tpu.memory_space<vmem_shared>> -> memref<640xf32, #tpu.memory_space<vmem_shared>>
      tpu.enqueue_dma source(%arg8 : memref<640xf32, #tpu.memory_space<vmem>>) target(%dma_start3A_48 : memref<640xf32, #tpu.memory_space<vmem_shared>>) target_semaphore(%run_scoped3A_47 : memref<!tpu.dma_semaphore, #tpu.memory_space<semaphore_mem>>)
      %dma_wait3A_49 = tpu.memref_slice %arg9[%mul3A_11] : memref<10240xf32, #tpu.memory_space<vmem_shared>> -> memref<640xf32, #tpu.memory_space<vmem_shared>>
      %dma_wait3A_50 = tpu.memref_slice %arg9[%mul3A_11] : memref<10240xf32, #tpu.memory_space<vmem_shared>> -> memref<640xf32, #tpu.memory_space<vmem_shared>>
      tpu.wait_dma2 semaphore(%run_scoped3A_47 : memref<!tpu.dma_semaphore, #tpu.memory_space<semaphore_mem>>) src(%arg8 : memref<640xf32, #tpu.memory_space<vmem>>) dst(%dma_wait3A_50 : memref<640xf32, #tpu.memory_space<vmem_shared>>)
      tpu.yield
    }) : () -> ()
    "tpu.region"() ({
      %run_scoped3A_47 = tpu.sem_alloc : memref<!tpu.dma_semaphore, #tpu.memory_space<semaphore_mem>>
      %dma_start3A = tpu.memref_slice %arg10[%mul3A_11] : memref<10240xf32, #tpu.memory_space<vmem_shared>> -> memref<640xf32, #tpu.memory_space<vmem_shared>>
      %dma_start3A_48 = tpu.memref_slice %arg10[%mul3A_11] : memref<10240xf32, #tpu.memory_space<vmem_shared>> -> memref<640xf32, #tpu.memory_space<vmem_shared>>
      tpu.enqueue_dma source(%arg8 : memref<640xf32, #tpu.memory_space<vmem>>) target(%dma_start3A_48 : memref<640xf32, #tpu.memory_space<vmem_shared>>) target_semaphore(%run_scoped3A_47 : memref<!tpu.dma_semaphore, #tpu.memory_space<semaphore_mem>>)
      %dma_wait3A_49 = tpu.memref_slice %arg10[%mul3A_11] : memref<10240xf32, #tpu.memory_space<vmem_shared>> -> memref<640xf32, #tpu.memory_space<vmem_shared>>
      %dma_wait3A_50 = tpu.memref_slice %arg10[%mul3A_11] : memref<10240xf32, #tpu.memory_space<vmem_shared>> -> memref<640xf32, #tpu.memory_space<vmem_shared>>
      tpu.wait_dma2 semaphore(%run_scoped3A_47 : memref<!tpu.dma_semaphore, #tpu.memory_space<semaphore_mem>>) src(%arg8 : memref<640xf32, #tpu.memory_space<vmem>>) dst(%dma_wait3A_50 : memref<640xf32, #tpu.memory_space<vmem_shared>>)
      tpu.yield
    }) : () -> ()
    %mul3A_12 = arith.constant 80 : i32
    %mul3A_13 = arith.muli %arg0, %mul3A_12 : i32
    "tpu.region"() ({
      %run_scoped3A_47 = tpu.sem_alloc : memref<!tpu.dma_semaphore, #tpu.memory_space<semaphore_mem>>
      %dma_start3A = arith.constant 0 : i32
      %dma_start3A_48 = tpu.memref_slice %arg2[%arg1, %mul3A_13, %dma_start3A] : memref<16x160x128xi32, #tpu.memory_space<hbm>> -> memref<1x80x128xi32, #tpu.memory_space<hbm>>
      %dma_start3A_49 = tpu.memref_squeeze %dma_start3A_48 : memref<1x80x128xi32, #tpu.memory_space<hbm>> -> memref<80x128xi32, #tpu.memory_space<hbm>>
      %dma_start3A_50 = arith.constant 0 : i32
      %dma_start3A_51 = tpu.memref_slice %arg2[%arg1, %mul3A_13, %dma_start3A_50] : memref<16x160x128xi32, #tpu.memory_space<hbm>> -> memref<1x80x128xi32, #tpu.memory_space<hbm>>
      %dma_start3A_52 = tpu.memref_squeeze %dma_start3A_51 : memref<1x80x128xi32, #tpu.memory_space<hbm>> -> memref<80x128xi32, #tpu.memory_space<hbm>>
      tpu.enqueue_dma source(%dma_start3A_52 : memref<80x128xi32, #tpu.memory_space<hbm>>) target(%arg5 : memref<80x128xi32, #tpu.memory_space<vmem>>) target_semaphore(%run_scoped3A_47 : memref<!tpu.dma_semaphore, #tpu.memory_space<semaphore_mem>>)
      %dma_wait3A_53 = arith.constant 0 : i32
      %dma_wait3A_54 = tpu.memref_slice %arg2[%arg1, %mul3A_13, %dma_wait3A_53] : memref<16x160x128xi32, #tpu.memory_space<hbm>> -> memref<1x80x128xi32, #tpu.memory_space<hbm>>
      %dma_wait3A_55 = tpu.memref_squeeze %dma_wait3A_54 : memref<1x80x128xi32, #tpu.memory_space<hbm>> -> memref<80x128xi32, #tpu.memory_space<hbm>>
      %dma_wait3A_56 = arith.constant 0 : i32
      %dma_wait3A_57 = tpu.memref_slice %arg2[%arg1, %mul3A_13, %dma_wait3A_56] : memref<16x160x128xi32, #tpu.memory_space<hbm>> -> memref<1x80x128xi32, #tpu.memory_space<hbm>>
      %dma_wait3A_58 = tpu.memref_squeeze %dma_wait3A_57 : memref<1x80x128xi32, #tpu.memory_space<hbm>> -> memref<80x128xi32, #tpu.memory_space<hbm>>
      tpu.wait_dma2 semaphore(%run_scoped3A_47 : memref<!tpu.dma_semaphore, #tpu.memory_space<semaphore_mem>>) src(%dma_wait3A_58 : memref<80x128xi32, #tpu.memory_space<hbm>>) dst(%arg5 : memref<80x128xi32, #tpu.memory_space<vmem>>)
      tpu.yield
    }) : () -> ()
    %mul3A_14 = arith.constant 80 : i32
    %mul3A_15 = arith.muli %arg0, %mul3A_14 : i32
    "tpu.region"() ({
      %run_scoped3A_47 = tpu.sem_alloc : memref<!tpu.dma_semaphore, #tpu.memory_space<semaphore_mem>>
      %dma_start3A = arith.constant 0 : i32
      %dma_start3A_48 = tpu.memref_slice %arg3[%arg1, %mul3A_15, %dma_start3A] : memref<16x160x128xi32, #tpu.memory_space<hbm>> -> memref<1x80x128xi32, #tpu.memory_space<hbm>>
      %dma_start3A_49 = tpu.memref_squeeze %dma_start3A_48 : memref<1x80x128xi32, #tpu.memory_space<hbm>> -> memref<80x128xi32, #tpu.memory_space<hbm>>
      %dma_start3A_50 = arith.constant 0 : i32
      %dma_start3A_51 = tpu.memref_slice %arg3[%arg1, %mul3A_15, %dma_start3A_50] : memref<16x160x128xi32, #tpu.memory_space<hbm>> -> memref<1x80x128xi32, #tpu.memory_space<hbm>>
      %dma_start3A_52 = tpu.memref_squeeze %dma_start3A_51 : memref<1x80x128xi32, #tpu.memory_space<hbm>> -> memref<80x128xi32, #tpu.memory_space<hbm>>
      tpu.enqueue_dma source(%dma_start3A_52 : memref<80x128xi32, #tpu.memory_space<hbm>>) target(%arg6 : memref<80x128xi32, #tpu.memory_space<vmem>>) target_semaphore(%run_scoped3A_47 : memref<!tpu.dma_semaphore, #tpu.memory_space<semaphore_mem>>)
      %dma_wait3A_53 = arith.constant 0 : i32
      %dma_wait3A_54 = tpu.memref_slice %arg3[%arg1, %mul3A_15, %dma_wait3A_53] : memref<16x160x128xi32, #tpu.memory_space<hbm>> -> memref<1x80x128xi32, #tpu.memory_space<hbm>>
      %dma_wait3A_55 = tpu.memref_squeeze %dma_wait3A_54 : memref<1x80x128xi32, #tpu.memory_space<hbm>> -> memref<80x128xi32, #tpu.memory_space<hbm>>
      %dma_wait3A_56 = arith.constant 0 : i32
      %dma_wait3A_57 = tpu.memref_slice %arg3[%arg1, %mul3A_15, %dma_wait3A_56] : memref<16x160x128xi32, #tpu.memory_space<hbm>> -> memref<1x80x128xi32, #tpu.memory_space<hbm>>
      %dma_wait3A_58 = tpu.memref_squeeze %dma_wait3A_57 : memref<1x80x128xi32, #tpu.memory_space<hbm>> -> memref<80x128xi32, #tpu.memory_space<hbm>>
      tpu.wait_dma2 semaphore(%run_scoped3A_47 : memref<!tpu.dma_semaphore, #tpu.memory_space<semaphore_mem>>) src(%dma_wait3A_58 : memref<80x128xi32, #tpu.memory_space<hbm>>) dst(%arg6 : memref<80x128xi32, #tpu.memory_space<vmem>>)
      tpu.yield
    }) : () -> ()
    %barrier3A = arith.constant 0 : index
    tpu.barrier barrier_id(%barrier3A)
    %scan3A_16 = arith.constant 0 : i32
    %scan3A_17 = arith.constant 0 : i32
    %scan3A_18 = arith.constant 40 : i32
    %scan3A_19 = arith.addi %scan3A_17, %scan3A_18 : i32
    %scan3A_20 = arith.constant 1 : i32
    scf.for %scan3A_47 = %scan3A_17 to %scan3A_19 step %scan3A_20  : i32 {
      %mul3A_48 = arith.constant 2 : i32
      %mul3A_49 = arith.muli %mul3A_48, %scan3A_47 : i32
      %add3A = arith.constant 0 : i32
      %add3A_50 = arith.addi %mul3A_49, %add3A : i32
      %ge3A = arith.constant 2 : i32
      %ge3A_51 = arith.cmpi sge, %add3A_50, %ge3A : i32
      %convert_element_type3A = arith.extui %ge3A_51 : i1 to i32
      %cond3A = arith.constant 0 : i32
      %cond3A_52 = arith.cmpi ne, %convert_element_type3A, %cond3A : i32
      scf.if %cond3A_52 {
        %sub3A = arith.constant 2 : i32
        %sub3A_79 = arith.subi %add3A_50, %sub3A : i32
        %dma_wait3A_80 = arith.constant 0 : i32
        %dma_wait3A_81 = tpu.memref_slice %arg5[%sub3A_79, %dma_wait3A_80] : memref<80x128xi32, #tpu.memory_space<vmem>> -> memref<1x128xi32, #tpu.memory_space<vmem>>
        %dma_wait3A_82 = tpu.memref_squeeze %dma_wait3A_81 : memref<1x128xi32, #tpu.memory_space<vmem>> -> memref<128xi32, #tpu.memory_space<vmem>>
        %dma_wait3A_83 = arith.constant 0 : i32
        %dma_wait3A_84 = tpu.memref_slice %arg9[%dma_wait3A_83] : memref<10240xf32, #tpu.memory_space<vmem_shared>> -> memref<10240xf32, #tpu.memory_space<vmem_shared>>
        tpu.wait_indirect_dma semaphore(%arg11 : memref<!tpu.dma_semaphore, #tpu.memory_space<semaphore_mem>>) src(%arg7 : memref<128xf32, #tpu.memory_space<vmem>>) dst(%dma_wait3A_84 : memref<10240xf32, #tpu.memory_space<vmem_shared>>)
        %sub3A_85 = arith.constant 2 : i32
        %sub3A_86 = arith.subi %add3A_50, %sub3A_85 : i32
        %dma_wait3A_87 = arith.constant 0 : i32
        %dma_wait3A_88 = tpu.memref_slice %arg6[%sub3A_86, %dma_wait3A_87] : memref<80x128xi32, #tpu.memory_space<vmem>> -> memref<1x128xi32, #tpu.memory_space<vmem>>
        %dma_wait3A_89 = tpu.memref_squeeze %dma_wait3A_88 : memref<1x128xi32, #tpu.memory_space<vmem>> -> memref<128xi32, #tpu.memory_space<vmem>>
        %dma_wait3A_90 = arith.constant 0 : i32
        %dma_wait3A_91 = tpu.memref_slice %arg10[%dma_wait3A_90] : memref<10240xf32, #tpu.memory_space<vmem_shared>> -> memref<10240xf32, #tpu.memory_space<vmem_shared>>
        tpu.wait_indirect_dma semaphore(%arg13 : memref<!tpu.dma_semaphore, #tpu.memory_space<semaphore_mem>>) src(%arg7 : memref<128xf32, #tpu.memory_space<vmem>>) dst(%dma_wait3A_91 : memref<10240xf32, #tpu.memory_space<vmem_shared>>)
      } else {
      }
      %dma_start3A = arith.constant 0 : i32
      %dma_start3A_53 = tpu.memref_slice %arg5[%add3A_50, %dma_start3A] : memref<80x128xi32, #tpu.memory_space<vmem>> -> memref<1x128xi32, #tpu.memory_space<vmem>>
      %dma_start3A_54 = tpu.memref_squeeze %dma_start3A_53 : memref<1x128xi32, #tpu.memory_space<vmem>> -> memref<128xi32, #tpu.memory_space<vmem>>
      %dma_start3A_55 = arith.constant 0 : i32
      %dma_start3A_56 = tpu.memref_slice %arg9[%dma_start3A_55] : memref<10240xf32, #tpu.memory_space<vmem_shared>> -> memref<10240xf32, #tpu.memory_space<vmem_shared>>
      tpu.enqueue_indirect_dma source(%arg7 : memref<128xf32, #tpu.memory_space<vmem>>) target(%dma_start3A_56 : memref<10240xf32, #tpu.memory_space<vmem_shared>>) offsets(%dma_start3A_54 : memref<128xi32, #tpu.memory_space<vmem>>) semaphore(%arg11 : memref<!tpu.dma_semaphore, #tpu.memory_space<semaphore_mem>>) {add = true}
      %dma_start3A_57 = arith.constant 0 : i32
      %dma_start3A_58 = tpu.memref_slice %arg6[%add3A_50, %dma_start3A_57] : memref<80x128xi32, #tpu.memory_space<vmem>> -> memref<1x128xi32, #tpu.memory_space<vmem>>
      %dma_start3A_59 = tpu.memref_squeeze %dma_start3A_58 : memref<1x128xi32, #tpu.memory_space<vmem>> -> memref<128xi32, #tpu.memory_space<vmem>>
      %dma_start3A_60 = arith.constant 0 : i32
      %dma_start3A_61 = tpu.memref_slice %arg10[%dma_start3A_60] : memref<10240xf32, #tpu.memory_space<vmem_shared>> -> memref<10240xf32, #tpu.memory_space<vmem_shared>>
      tpu.enqueue_indirect_dma source(%arg7 : memref<128xf32, #tpu.memory_space<vmem>>) target(%dma_start3A_61 : memref<10240xf32, #tpu.memory_space<vmem_shared>>) offsets(%dma_start3A_59 : memref<128xi32, #tpu.memory_space<vmem>>) semaphore(%arg13 : memref<!tpu.dma_semaphore, #tpu.memory_space<semaphore_mem>>) {add = true}
      %add3A_62 = arith.constant 1 : i32
      %add3A_63 = arith.addi %mul3A_49, %add3A_62 : i32
      %ge3A_64 = arith.constant 2 : i32
      %ge3A_65 = arith.cmpi sge, %add3A_63, %ge3A_64 : i32
      %convert_element_type3A_66 = arith.extui %ge3A_65 : i1 to i32
      %cond3A_67 = arith.constant 0 : i32
      %cond3A_68 = arith.cmpi ne, %convert_element_type3A_66, %cond3A_67 : i32
      scf.if %cond3A_68 {
        %sub3A = arith.constant 2 : i32
        %sub3A_79 = arith.subi %add3A_63, %sub3A : i32
        %dma_wait3A_80 = arith.constant 0 : i32
        %dma_wait3A_81 = tpu.memref_slice %arg5[%sub3A_79, %dma_wait3A_80] : memref<80x128xi32, #tpu.memory_space<vmem>> -> memref<1x128xi32, #tpu.memory_space<vmem>>
        %dma_wait3A_82 = tpu.memref_squeeze %dma_wait3A_81 : memref<1x128xi32, #tpu.memory_space<vmem>> -> memref<128xi32, #tpu.memory_space<vmem>>
        %dma_wait3A_83 = arith.constant 0 : i32
        %dma_wait3A_84 = tpu.memref_slice %arg9[%dma_wait3A_83] : memref<10240xf32, #tpu.memory_space<vmem_shared>> -> memref<10240xf32, #tpu.memory_space<vmem_shared>>
        tpu.wait_indirect_dma semaphore(%arg12 : memref<!tpu.dma_semaphore, #tpu.memory_space<semaphore_mem>>) src(%arg7 : memref<128xf32, #tpu.memory_space<vmem>>) dst(%dma_wait3A_84 : memref<10240xf32, #tpu.memory_space<vmem_shared>>)
        %sub3A_85 = arith.constant 2 : i32
        %sub3A_86 = arith.subi %add3A_63, %sub3A_85 : i32
        %dma_wait3A_87 = arith.constant 0 : i32
        %dma_wait3A_88 = tpu.memref_slice %arg6[%sub3A_86, %dma_wait3A_87] : memref<80x128xi32, #tpu.memory_space<vmem>> -> memref<1x128xi32, #tpu.memory_space<vmem>>
        %dma_wait3A_89 = tpu.memref_squeeze %dma_wait3A_88 : memref<1x128xi32, #tpu.memory_space<vmem>> -> memref<128xi32, #tpu.memory_space<vmem>>
        %dma_wait3A_90 = arith.constant 0 : i32
        %dma_wait3A_91 = tpu.memref_slice %arg10[%dma_wait3A_90] : memref<10240xf32, #tpu.memory_space<vmem_shared>> -> memref<10240xf32, #tpu.memory_space<vmem_shared>>
        tpu.wait_indirect_dma semaphore(%arg14 : memref<!tpu.dma_semaphore, #tpu.memory_space<semaphore_mem>>) src(%arg7 : memref<128xf32, #tpu.memory_space<vmem>>) dst(%dma_wait3A_91 : memref<10240xf32, #tpu.memory_space<vmem_shared>>)
      } else {
      }
      %dma_start3A_69 = arith.constant 0 : i32
      %dma_start3A_70 = tpu.memref_slice %arg5[%add3A_63, %dma_start3A_69] : memref<80x128xi32, #tpu.memory_space<vmem>> -> memref<1x128xi32, #tpu.memory_space<vmem>>
      %dma_start3A_71 = tpu.memref_squeeze %dma_start3A_70 : memref<1x128xi32, #tpu.memory_space<vmem>> -> memref<128xi32, #tpu.memory_space<vmem>>
      %dma_start3A_72 = arith.constant 0 : i32
      %dma_start3A_73 = tpu.memref_slice %arg9[%dma_start3A_72] : memref<10240xf32, #tpu.memory_space<vmem_shared>> -> memref<10240xf32, #tpu.memory_space<vmem_shared>>
      tpu.enqueue_indirect_dma source(%arg7 : memref<128xf32, #tpu.memory_space<vmem>>) target(%dma_start3A_73 : memref<10240xf32, #tpu.memory_space<vmem_shared>>) offsets(%dma_start3A_71 : memref<128xi32, #tpu.memory_space<vmem>>) semaphore(%arg12 : memref<!tpu.dma_semaphore, #tpu.memory_space<semaphore_mem>>) {add = true}
      %dma_start3A_74 = arith.constant 0 : i32
      %dma_start3A_75 = tpu.memref_slice %arg6[%add3A_63, %dma_start3A_74] : memref<80x128xi32, #tpu.memory_space<vmem>> -> memref<1x128xi32, #tpu.memory_space<vmem>>
      %dma_start3A_76 = tpu.memref_squeeze %dma_start3A_75 : memref<1x128xi32, #tpu.memory_space<vmem>> -> memref<128xi32, #tpu.memory_space<vmem>>
      %dma_start3A_77 = arith.constant 0 : i32
      %dma_start3A_78 = tpu.memref_slice %arg10[%dma_start3A_77] : memref<10240xf32, #tpu.memory_space<vmem_shared>> -> memref<10240xf32, #tpu.memory_space<vmem_shared>>
      tpu.enqueue_indirect_dma source(%arg7 : memref<128xf32, #tpu.memory_space<vmem>>) target(%dma_start3A_78 : memref<10240xf32, #tpu.memory_space<vmem_shared>>) offsets(%dma_start3A_76 : memref<128xi32, #tpu.memory_space<vmem>>) semaphore(%arg14 : memref<!tpu.dma_semaphore, #tpu.memory_space<semaphore_mem>>) {add = true}
    }
    %scan3A_21 = arith.constant 40 : i32
    %dma_wait3A = arith.constant 78 : i32
    %dma_wait3A_22 = arith.constant 0 : i32
    %dma_wait3A_23 = tpu.memref_slice %arg5[%dma_wait3A, %dma_wait3A_22] : memref<80x128xi32, #tpu.memory_space<vmem>> -> memref<1x128xi32, #tpu.memory_space<vmem>>
    %dma_wait3A_24 = tpu.memref_squeeze %dma_wait3A_23 : memref<1x128xi32, #tpu.memory_space<vmem>> -> memref<128xi32, #tpu.memory_space<vmem>>
    %dma_wait3A_25 = arith.constant 0 : i32
    %dma_wait3A_26 = tpu.memref_slice %arg9[%dma_wait3A_25] : memref<10240xf32, #tpu.memory_space<vmem_shared>> -> memref<10240xf32, #tpu.memory_space<vmem_shared>>
    tpu.wait_indirect_dma semaphore(%arg11 : memref<!tpu.dma_semaphore, #tpu.memory_space<semaphore_mem>>) src(%arg7 : memref<128xf32, #tpu.memory_space<vmem>>) dst(%dma_wait3A_26 : memref<10240xf32, #tpu.memory_space<vmem_shared>>)
    %dma_wait3A_27 = arith.constant 78 : i32
    %dma_wait3A_28 = arith.constant 0 : i32
    %dma_wait3A_29 = tpu.memref_slice %arg6[%dma_wait3A_27, %dma_wait3A_28] : memref<80x128xi32, #tpu.memory_space<vmem>> -> memref<1x128xi32, #tpu.memory_space<vmem>>
    %dma_wait3A_30 = tpu.memref_squeeze %dma_wait3A_29 : memref<1x128xi32, #tpu.memory_space<vmem>> -> memref<128xi32, #tpu.memory_space<vmem>>
    %dma_wait3A_31 = arith.constant 0 : i32
    %dma_wait3A_32 = tpu.memref_slice %arg10[%dma_wait3A_31] : memref<10240xf32, #tpu.memory_space<vmem_shared>> -> memref<10240xf32, #tpu.memory_space<vmem_shared>>
    tpu.wait_indirect_dma semaphore(%arg13 : memref<!tpu.dma_semaphore, #tpu.memory_space<semaphore_mem>>) src(%arg7 : memref<128xf32, #tpu.memory_space<vmem>>) dst(%dma_wait3A_32 : memref<10240xf32, #tpu.memory_space<vmem_shared>>)
    %dma_wait3A_33 = arith.constant 79 : i32
    %dma_wait3A_34 = arith.constant 0 : i32
    %dma_wait3A_35 = tpu.memref_slice %arg5[%dma_wait3A_33, %dma_wait3A_34] : memref<80x128xi32, #tpu.memory_space<vmem>> -> memref<1x128xi32, #tpu.memory_space<vmem>>
    %dma_wait3A_36 = tpu.memref_squeeze %dma_wait3A_35 : memref<1x128xi32, #tpu.memory_space<vmem>> -> memref<128xi32, #tpu.memory_space<vmem>>
    %dma_wait3A_37 = arith.constant 0 : i32
    %dma_wait3A_38 = tpu.memref_slice %arg9[%dma_wait3A_37] : memref<10240xf32, #tpu.memory_space<vmem_shared>> -> memref<10240xf32, #tpu.memory_space<vmem_shared>>
    tpu.wait_indirect_dma semaphore(%arg12 : memref<!tpu.dma_semaphore, #tpu.memory_space<semaphore_mem>>) src(%arg7 : memref<128xf32, #tpu.memory_space<vmem>>) dst(%dma_wait3A_38 : memref<10240xf32, #tpu.memory_space<vmem_shared>>)
    %dma_wait3A_39 = arith.constant 79 : i32
    %dma_wait3A_40 = arith.constant 0 : i32
    %dma_wait3A_41 = tpu.memref_slice %arg6[%dma_wait3A_39, %dma_wait3A_40] : memref<80x128xi32, #tpu.memory_space<vmem>> -> memref<1x128xi32, #tpu.memory_space<vmem>>
    %dma_wait3A_42 = tpu.memref_squeeze %dma_wait3A_41 : memref<1x128xi32, #tpu.memory_space<vmem>> -> memref<128xi32, #tpu.memory_space<vmem>>
    %dma_wait3A_43 = arith.constant 0 : i32
    %dma_wait3A_44 = tpu.memref_slice %arg10[%dma_wait3A_43] : memref<10240xf32, #tpu.memory_space<vmem_shared>> -> memref<10240xf32, #tpu.memory_space<vmem_shared>>
    tpu.wait_indirect_dma semaphore(%arg14 : memref<!tpu.dma_semaphore, #tpu.memory_space<semaphore_mem>>) src(%arg7 : memref<128xf32, #tpu.memory_space<vmem>>) dst(%dma_wait3A_44 : memref<10240xf32, #tpu.memory_space<vmem_shared>>)
    %barrier3A_45 = arith.constant 0 : index
    tpu.barrier barrier_id(%barrier3A_45)
    %run_scoped3A = arith.constant 0 : i32
    "tpu.region"() ({
      %run_scoped3A_47 = tpu.sem_alloc : memref<!tpu.dma_semaphore, #tpu.memory_space<semaphore_mem>>
      %dma_start3A = tpu.memref_slice %arg4[%arg0, %run_scoped3A, %mul3A_11] : memref<2x2x10240xf32, #tpu.memory_space<hbm>> -> memref<1x1x640xf32, #tpu.memory_space<hbm>>
      %dma_start3A_48 = tpu.memref_squeeze %dma_start3A : memref<1x1x640xf32, #tpu.memory_space<hbm>> -> memref<640xf32, #tpu.memory_space<hbm>>
      %dma_start3A_49 = tpu.memref_slice %arg9[%mul3A_11] : memref<10240xf32, #tpu.memory_space<vmem_shared>> -> memref<640xf32, #tpu.memory_space<vmem_shared>>
      tpu.enqueue_dma source(%dma_start3A_49 : memref<640xf32, #tpu.memory_space<vmem_shared>>) target(%dma_start3A_48 : memref<640xf32, #tpu.memory_space<hbm>>) target_semaphore(%run_scoped3A_47 : memref<!tpu.dma_semaphore, #tpu.memory_space<semaphore_mem>>)
      %dma_wait3A_50 = tpu.memref_slice %arg4[%arg0, %run_scoped3A, %mul3A_11] : memref<2x2x10240xf32, #tpu.memory_space<hbm>> -> memref<1x1x640xf32, #tpu.memory_space<hbm>>
      %dma_wait3A_51 = tpu.memref_squeeze %dma_wait3A_50 : memref<1x1x640xf32, #tpu.memory_space<hbm>> -> memref<640xf32, #tpu.memory_space<hbm>>
      %dma_wait3A_52 = tpu.memref_slice %arg9[%mul3A_11] : memref<10240xf32, #tpu.memory_space<vmem_shared>> -> memref<640xf32, #tpu.memory_space<vmem_shared>>
      tpu.wait_dma2 semaphore(%run_scoped3A_47 : memref<!tpu.dma_semaphore, #tpu.memory_space<semaphore_mem>>) src(%dma_wait3A_52 : memref<640xf32, #tpu.memory_space<vmem_shared>>) dst(%dma_wait3A_51 : memref<640xf32, #tpu.memory_space<hbm>>)
      tpu.yield
    }) : () -> ()
    %run_scoped3A_46 = arith.constant 1 : i32
    "tpu.region"() ({
      %run_scoped3A_47 = tpu.sem_alloc : memref<!tpu.dma_semaphore, #tpu.memory_space<semaphore_mem>>
      %dma_start3A = tpu.memref_slice %arg4[%arg0, %run_scoped3A_46, %mul3A_11] : memref<2x2x10240xf32, #tpu.memory_space<hbm>> -> memref<1x1x640xf32, #tpu.memory_space<hbm>>
      %dma_start3A_48 = tpu.memref_squeeze %dma_start3A : memref<1x1x640xf32, #tpu.memory_space<hbm>> -> memref<640xf32, #tpu.memory_space<hbm>>
      %dma_start3A_49 = tpu.memref_slice %arg10[%mul3A_11] : memref<10240xf32, #tpu.memory_space<vmem_shared>> -> memref<640xf32, #tpu.memory_space<vmem_shared>>
      tpu.enqueue_dma source(%dma_start3A_49 : memref<640xf32, #tpu.memory_space<vmem_shared>>) target(%dma_start3A_48 : memref<640xf32, #tpu.memory_space<hbm>>) target_semaphore(%run_scoped3A_47 : memref<!tpu.dma_semaphore, #tpu.memory_space<semaphore_mem>>)
      %dma_wait3A_50 = tpu.memref_slice %arg4[%arg0, %run_scoped3A_46, %mul3A_11] : memref<2x2x10240xf32, #tpu.memory_space<hbm>> -> memref<1x1x640xf32, #tpu.memory_space<hbm>>
      %dma_wait3A_51 = tpu.memref_squeeze %dma_wait3A_50 : memref<1x1x640xf32, #tpu.memory_space<hbm>> -> memref<640xf32, #tpu.memory_space<hbm>>
      %dma_wait3A_52 = tpu.memref_slice %arg10[%mul3A_11] : memref<10240xf32, #tpu.memory_space<vmem_shared>> -> memref<640xf32, #tpu.memory_space<vmem_shared>>
      tpu.wait_dma2 semaphore(%run_scoped3A_47 : memref<!tpu.dma_semaphore, #tpu.memory_space<semaphore_mem>>) src(%dma_wait3A_52 : memref<640xf32, #tpu.memory_space<vmem_shared>>) dst(%dma_wait3A_51 : memref<640xf32, #tpu.memory_space<hbm>>)
      tpu.yield
    }) : () -> ()
    return
  }
}

#map = affine_map<(d0, d1) -> (0, 0, 0)>
module attributes {stable_mosaic.version = 14 : i64} {
  func.func @seg(%arg0: i32, %arg1: i32, %arg2: memref<2x10240x64xf32, #tpu.memory_space<hbm>>, %arg3: memref<16x160x128xi32, #tpu.memory_space<hbm>>, %arg4: memref<16x160x128xi32, #tpu.memory_space<hbm>>, %arg5: memref<2x10240x64xf32, #tpu.memory_space<hbm>>, %arg6: memref<160x128xi32, #tpu.memory_space<vmem>>, %arg7: memref<160x128xi32, #tpu.memory_space<vmem>>, %arg8: memref<128x64xf32, #tpu.memory_space<vmem>>, %arg9: memref<128x64xf32, #tpu.memory_space<vmem>>, %arg10: memref<128x64xf32, #tpu.memory_space<vmem>>, %arg11: memref<128x64xf32, #tpu.memory_space<vmem>>, %arg12: memref<128x64xf32, #tpu.memory_space<vmem>>, %arg13: memref<10240x64xf32, #tpu.memory_space<vmem_shared>>, %arg14: memref<!tpu.dma_semaphore, #tpu.memory_space<semaphore_mem>>, %arg15: memref<!tpu.dma_semaphore, #tpu.memory_space<semaphore_mem>>, %arg16: memref<!tpu.dma_semaphore, #tpu.memory_space<semaphore_mem>>, %arg17: memref<!tpu.dma_semaphore, #tpu.memory_space<semaphore_mem>>, %arg18: memref<!tpu.dma_semaphore, #tpu.memory_space<semaphore_mem>>, %arg19: memref<!tpu.dma_semaphore, #tpu.memory_space<semaphore_mem>>, %arg20: memref<!tpu.dma_semaphore, #tpu.memory_space<semaphore_mem>>, %arg21: memref<!tpu.dma_semaphore, #tpu.memory_space<semaphore_mem>>) attributes {dimension_semantics = [#tpu.dimension_semantics<core_parallel>, #tpu.dimension_semantics<subcore_parallel>], iteration_bounds = array<i64: 2, 16>, scalar_prefetch = 0 : i64, scratch_operands = 16 : i64, tpu.core_type = #tpu.core_type<sc_vector_subcore>, window_params = [{transform_indices = #map}, {transform_indices = #map}, {transform_indices = #map}, {transform_indices = #map}]} {
    %scan3A = arith.constant 0 : i32
    %scan3A_0 = arith.constant 0 : i32
    %scan3A_1 = arith.constant 128 : i32
    %scan3A_2 = arith.addi %scan3A_0, %scan3A_1 : i32
    %scan3A_3 = arith.constant 1 : i32
    scf.for %scan3A_89 = %scan3A_0 to %scan3A_2 step %scan3A_3  : i32 {
      %scan3A_90 = arith.constant 0 : i32
      %scan3A_91 = arith.constant 4 : i32
      %scan3A_92 = arith.addi %scan3A_90, %scan3A_91 : i32
      %scan3A_93 = arith.constant 1 : i32
      scf.for %scan3A_95 = %scan3A_90 to %scan3A_92 step %scan3A_93  : i32 {
        %broadcast_in_dim3A = arith.constant 0.000000e+00 : f32
        %broadcast_in_dim3A_96 = vector.broadcast %broadcast_in_dim3A : f32 to vector<16xf32>
        %mul3A_97 = arith.constant 16 : i32
        %mul3A_98 = arith.muli %scan3A_95, %mul3A_97 : i32
        %swap3A = arith.index_cast %scan3A_89 : i32 to index
        %swap3A_99 = arith.index_cast %mul3A_98 : i32 to index
        %swap3A_100 = tpu.vector_load %arg12[%swap3A, %swap3A_99] {strides = array<i32>} : memref<128x64xf32, #tpu.memory_space<vmem>>, vector<1x16xf32>,
        %swap3A_101 = vector.shape_cast %swap3A_100 : vector<1x16xf32> to vector<16xf32>
        %swap3A_102 = vector.shape_cast %broadcast_in_dim3A_96 : vector<16xf32> to vector<1x16xf32>
        tpu.vector_store %arg12[%swap3A, %swap3A_99], %swap3A_102 {strides = array<i32>} : memref<128x64xf32, #tpu.memory_space<vmem>>, vector<1x16xf32>,
      }
      %scan3A_94 = arith.constant 4 : i32
    }
    %scan3A_4 = arith.constant 128 : i32
    %mul3A = arith.constant 640 : i32
    %mul3A_5 = arith.muli %arg1, %mul3A : i32
    %scan3A_6 = arith.constant 0 : i32
    %scan3A_7 = arith.constant 0 : i32
    %scan3A_8 = arith.constant 5 : i32
    %scan3A_9 = arith.addi %scan3A_7, %scan3A_8 : i32
    %scan3A_10 = arith.constant 1 : i32
    scf.for %scan3A_89 = %scan3A_7 to %scan3A_9 step %scan3A_10  : i32 {
      %mul3A_90 = arith.constant 128 : i32
      %mul3A_91 = arith.muli %scan3A_89, %mul3A_90 : i32
      %add3A = arith.addi %mul3A_5, %mul3A_91 : i32
      "tpu.region"() ({
        %run_scoped3A = tpu.sem_alloc : memref<!tpu.dma_semaphore, #tpu.memory_space<semaphore_mem>>
        %dma_start3A_92 = arith.constant 0 : i32
        %dma_start3A_93 = tpu.memref_slice %arg13[%add3A, %dma_start3A_92] : memref<10240x64xf32, #tpu.memory_space<vmem_shared>> -> memref<128x64xf32, #tpu.memory_space<vmem_shared>>
        %dma_start3A_94 = arith.constant 0 : i32
        %dma_start3A_95 = tpu.memref_slice %arg13[%add3A, %dma_start3A_94] : memref<10240x64xf32, #tpu.memory_space<vmem_shared>> -> memref<128x64xf32, #tpu.memory_space<vmem_shared>>
        tpu.enqueue_dma source(%arg12 : memref<128x64xf32, #tpu.memory_space<vmem>>) target(%dma_start3A_95 : memref<128x64xf32, #tpu.memory_space<vmem_shared>>) target_semaphore(%run_scoped3A : memref<!tpu.dma_semaphore, #tpu.memory_space<semaphore_mem>>)
        %dma_wait3A_96 = arith.constant 0 : i32
        %dma_wait3A_97 = tpu.memref_slice %arg13[%add3A, %dma_wait3A_96] : memref<10240x64xf32, #tpu.memory_space<vmem_shared>> -> memref<128x64xf32, #tpu.memory_space<vmem_shared>>
        %dma_wait3A_98 = arith.constant 0 : i32
        %dma_wait3A_99 = tpu.memref_slice %arg13[%add3A, %dma_wait3A_98] : memref<10240x64xf32, #tpu.memory_space<vmem_shared>> -> memref<128x64xf32, #tpu.memory_space<vmem_shared>>
        tpu.wait_dma2 semaphore(%run_scoped3A : memref<!tpu.dma_semaphore, #tpu.memory_space<semaphore_mem>>) src(%arg12 : memref<128x64xf32, #tpu.memory_space<vmem>>) dst(%dma_wait3A_99 : memref<128x64xf32, #tpu.memory_space<vmem_shared>>)
        tpu.yield
      }) : () -> ()
    }
    %scan3A_11 = arith.constant 5 : i32
    "tpu.region"() ({
      %run_scoped3A = tpu.sem_alloc : memref<!tpu.dma_semaphore, #tpu.memory_space<semaphore_mem>>
      %dma_start3A_89 = arith.constant 0 : i32
      %dma_start3A_90 = arith.constant 0 : i32
      %dma_start3A_91 = tpu.memref_slice %arg3[%arg1, %dma_start3A_89, %dma_start3A_90] : memref<16x160x128xi32, #tpu.memory_space<hbm>> -> memref<1x160x128xi32, #tpu.memory_space<hbm>>
      %dma_start3A_92 = tpu.memref_squeeze %dma_start3A_91 : memref<1x160x128xi32, #tpu.memory_space<hbm>> -> memref<160x128xi32, #tpu.memory_space<hbm>>
      %dma_start3A_93 = arith.constant 0 : i32
      %dma_start3A_94 = arith.constant 0 : i32
      %dma_start3A_95 = tpu.memref_slice %arg3[%arg1, %dma_start3A_93, %dma_start3A_94] : memref<16x160x128xi32, #tpu.memory_space<hbm>> -> memref<1x160x128xi32, #tpu.memory_space<hbm>>
      %dma_start3A_96 = tpu.memref_squeeze %dma_start3A_95 : memref<1x160x128xi32, #tpu.memory_space<hbm>> -> memref<160x128xi32, #tpu.memory_space<hbm>>
      tpu.enqueue_dma source(%dma_start3A_96 : memref<160x128xi32, #tpu.memory_space<hbm>>) target(%arg6 : memref<160x128xi32, #tpu.memory_space<vmem>>) target_semaphore(%run_scoped3A : memref<!tpu.dma_semaphore, #tpu.memory_space<semaphore_mem>>)
      %dma_wait3A_97 = arith.constant 0 : i32
      %dma_wait3A_98 = arith.constant 0 : i32
      %dma_wait3A_99 = tpu.memref_slice %arg3[%arg1, %dma_wait3A_97, %dma_wait3A_98] : memref<16x160x128xi32, #tpu.memory_space<hbm>> -> memref<1x160x128xi32, #tpu.memory_space<hbm>>
      %dma_wait3A_100 = tpu.memref_squeeze %dma_wait3A_99 : memref<1x160x128xi32, #tpu.memory_space<hbm>> -> memref<160x128xi32, #tpu.memory_space<hbm>>
      %dma_wait3A_101 = arith.constant 0 : i32
      %dma_wait3A_102 = arith.constant 0 : i32
      %dma_wait3A_103 = tpu.memref_slice %arg3[%arg1, %dma_wait3A_101, %dma_wait3A_102] : memref<16x160x128xi32, #tpu.memory_space<hbm>> -> memref<1x160x128xi32, #tpu.memory_space<hbm>>
      %dma_wait3A_104 = tpu.memref_squeeze %dma_wait3A_103 : memref<1x160x128xi32, #tpu.memory_space<hbm>> -> memref<160x128xi32, #tpu.memory_space<hbm>>
      tpu.wait_dma2 semaphore(%run_scoped3A : memref<!tpu.dma_semaphore, #tpu.memory_space<semaphore_mem>>) src(%dma_wait3A_104 : memref<160x128xi32, #tpu.memory_space<hbm>>) dst(%arg6 : memref<160x128xi32, #tpu.memory_space<vmem>>)
      tpu.yield
    }) : () -> ()
    "tpu.region"() ({
      %run_scoped3A = tpu.sem_alloc : memref<!tpu.dma_semaphore, #tpu.memory_space<semaphore_mem>>
      %dma_start3A_89 = arith.constant 0 : i32
      %dma_start3A_90 = arith.constant 0 : i32
      %dma_start3A_91 = tpu.memref_slice %arg4[%arg1, %dma_start3A_89, %dma_start3A_90] : memref<16x160x128xi32, #tpu.memory_space<hbm>> -> memref<1x160x128xi32, #tpu.memory_space<hbm>>
      %dma_start3A_92 = tpu.memref_squeeze %dma_start3A_91 : memref<1x160x128xi32, #tpu.memory_space<hbm>> -> memref<160x128xi32, #tpu.memory_space<hbm>>
      %dma_start3A_93 = arith.constant 0 : i32
      %dma_start3A_94 = arith.constant 0 : i32
      %dma_start3A_95 = tpu.memref_slice %arg4[%arg1, %dma_start3A_93, %dma_start3A_94] : memref<16x160x128xi32, #tpu.memory_space<hbm>> -> memref<1x160x128xi32, #tpu.memory_space<hbm>>
      %dma_start3A_96 = tpu.memref_squeeze %dma_start3A_95 : memref<1x160x128xi32, #tpu.memory_space<hbm>> -> memref<160x128xi32, #tpu.memory_space<hbm>>
      tpu.enqueue_dma source(%dma_start3A_96 : memref<160x128xi32, #tpu.memory_space<hbm>>) target(%arg7 : memref<160x128xi32, #tpu.memory_space<vmem>>) target_semaphore(%run_scoped3A : memref<!tpu.dma_semaphore, #tpu.memory_space<semaphore_mem>>)
      %dma_wait3A_97 = arith.constant 0 : i32
      %dma_wait3A_98 = arith.constant 0 : i32
      %dma_wait3A_99 = tpu.memref_slice %arg4[%arg1, %dma_wait3A_97, %dma_wait3A_98] : memref<16x160x128xi32, #tpu.memory_space<hbm>> -> memref<1x160x128xi32, #tpu.memory_space<hbm>>
      %dma_wait3A_100 = tpu.memref_squeeze %dma_wait3A_99 : memref<1x160x128xi32, #tpu.memory_space<hbm>> -> memref<160x128xi32, #tpu.memory_space<hbm>>
      %dma_wait3A_101 = arith.constant 0 : i32
      %dma_wait3A_102 = arith.constant 0 : i32
      %dma_wait3A_103 = tpu.memref_slice %arg4[%arg1, %dma_wait3A_101, %dma_wait3A_102] : memref<16x160x128xi32, #tpu.memory_space<hbm>> -> memref<1x160x128xi32, #tpu.memory_space<hbm>>
      %dma_wait3A_104 = tpu.memref_squeeze %dma_wait3A_103 : memref<1x160x128xi32, #tpu.memory_space<hbm>> -> memref<160x128xi32, #tpu.memory_space<hbm>>
      tpu.wait_dma2 semaphore(%run_scoped3A : memref<!tpu.dma_semaphore, #tpu.memory_space<semaphore_mem>>) src(%dma_wait3A_104 : memref<160x128xi32, #tpu.memory_space<hbm>>) dst(%arg7 : memref<160x128xi32, #tpu.memory_space<vmem>>)
      tpu.yield
    }) : () -> ()
    %barrier3A = arith.constant 0 : index
    tpu.barrier barrier_id(%barrier3A)
    %dma_start3A = arith.constant 0 : i32
    %dma_start3A_12 = arith.constant 0 : i32
    %dma_start3A_13 = tpu.memref_slice %arg6[%dma_start3A, %dma_start3A_12] : memref<160x128xi32, #tpu.memory_space<vmem>> -> memref<1x128xi32, #tpu.memory_space<vmem>>
    %dma_start3A_14 = tpu.memref_squeeze %dma_start3A_13 : memref<1x128xi32, #tpu.memory_space<vmem>> -> memref<128xi32, #tpu.memory_space<vmem>>
    %dma_start3A_15 = arith.constant 0 : i32
    %dma_start3A_16 = arith.constant 0 : i32
    %dma_start3A_17 = tpu.memref_slice %arg2[%arg0, %dma_start3A_15, %dma_start3A_16] : memref<2x10240x64xf32, #tpu.memory_space<hbm>> -> memref<1x10240x64xf32, #tpu.memory_space<hbm>>
    %dma_start3A_18 = tpu.memref_squeeze %dma_start3A_17 : memref<1x10240x64xf32, #tpu.memory_space<hbm>> -> memref<10240x64xf32, #tpu.memory_space<hbm>>
    %dma_start3A_19 = arith.constant 0 : i32
    %dma_start3A_20 = arith.constant 0 : i32
    %dma_start3A_21 = tpu.memref_slice %dma_start3A_18[%dma_start3A_19, %dma_start3A_20] : memref<10240x64xf32, #tpu.memory_space<hbm>> -> memref<10240x64xf32, #tpu.memory_space<hbm>>
    tpu.enqueue_indirect_dma source(%dma_start3A_21 : memref<10240x64xf32, #tpu.memory_space<hbm>>) target(%arg8 : memref<128x64xf32, #tpu.memory_space<vmem>>) offsets(%dma_start3A_14 : memref<128xi32, #tpu.memory_space<vmem>>) semaphore(%arg14 : memref<!tpu.dma_semaphore, #tpu.memory_space<semaphore_mem>>)
    %dma_start3A_22 = arith.constant 1 : i32
    %dma_start3A_23 = arith.constant 0 : i32
    %dma_start3A_24 = tpu.memref_slice %arg6[%dma_start3A_22, %dma_start3A_23] : memref<160x128xi32, #tpu.memory_space<vmem>> -> memref<1x128xi32, #tpu.memory_space<vmem>>
    %dma_start3A_25 = tpu.memref_squeeze %dma_start3A_24 : memref<1x128xi32, #tpu.memory_space<vmem>> -> memref<128xi32, #tpu.memory_space<vmem>>
    %dma_start3A_26 = arith.constant 0 : i32
    %dma_start3A_27 = arith.constant 0 : i32
    %dma_start3A_28 = tpu.memref_slice %arg2[%arg0, %dma_start3A_26, %dma_start3A_27] : memref<2x10240x64xf32, #tpu.memory_space<hbm>> -> memref<1x10240x64xf32, #tpu.memory_space<hbm>>
    %dma_start3A_29 = tpu.memref_squeeze %dma_start3A_28 : memref<1x10240x64xf32, #tpu.memory_space<hbm>> -> memref<10240x64xf32, #tpu.memory_space<hbm>>
    %dma_start3A_30 = arith.constant 0 : i32
    %dma_start3A_31 = arith.constant 0 : i32
    %dma_start3A_32 = tpu.memref_slice %dma_start3A_29[%dma_start3A_30, %dma_start3A_31] : memref<10240x64xf32, #tpu.memory_space<hbm>> -> memref<10240x64xf32, #tpu.memory_space<hbm>>
    tpu.enqueue_indirect_dma source(%dma_start3A_32 : memref<10240x64xf32, #tpu.memory_space<hbm>>) target(%arg9 : memref<128x64xf32, #tpu.memory_space<vmem>>) offsets(%dma_start3A_25 : memref<128xi32, #tpu.memory_space<vmem>>) semaphore(%arg15 : memref<!tpu.dma_semaphore, #tpu.memory_space<semaphore_mem>>)
    %dma_start3A_33 = arith.constant 2 : i32
    %dma_start3A_34 = arith.constant 0 : i32
    %dma_start3A_35 = tpu.memref_slice %arg6[%dma_start3A_33, %dma_start3A_34] : memref<160x128xi32, #tpu.memory_space<vmem>> -> memref<1x128xi32, #tpu.memory_space<vmem>>
    %dma_start3A_36 = tpu.memref_squeeze %dma_start3A_35 : memref<1x128xi32, #tpu.memory_space<vmem>> -> memref<128xi32, #tpu.memory_space<vmem>>
    %dma_start3A_37 = arith.constant 0 : i32
    %dma_start3A_38 = arith.constant 0 : i32
    %dma_start3A_39 = tpu.memref_slice %arg2[%arg0, %dma_start3A_37, %dma_start3A_38] : memref<2x10240x64xf32, #tpu.memory_space<hbm>> -> memref<1x10240x64xf32, #tpu.memory_space<hbm>>
    %dma_start3A_40 = tpu.memref_squeeze %dma_start3A_39 : memref<1x10240x64xf32, #tpu.memory_space<hbm>> -> memref<10240x64xf32, #tpu.memory_space<hbm>>
    %dma_start3A_41 = arith.constant 0 : i32
    %dma_start3A_42 = arith.constant 0 : i32
    %dma_start3A_43 = tpu.memref_slice %dma_start3A_40[%dma_start3A_41, %dma_start3A_42] : memref<10240x64xf32, #tpu.memory_space<hbm>> -> memref<10240x64xf32, #tpu.memory_space<hbm>>
    tpu.enqueue_indirect_dma source(%dma_start3A_43 : memref<10240x64xf32, #tpu.memory_space<hbm>>) target(%arg10 : memref<128x64xf32, #tpu.memory_space<vmem>>) offsets(%dma_start3A_36 : memref<128xi32, #tpu.memory_space<vmem>>) semaphore(%arg16 : memref<!tpu.dma_semaphore, #tpu.memory_space<semaphore_mem>>)
    %dma_start3A_44 = arith.constant 3 : i32
    %dma_start3A_45 = arith.constant 0 : i32
    %dma_start3A_46 = tpu.memref_slice %arg6[%dma_start3A_44, %dma_start3A_45] : memref<160x128xi32, #tpu.memory_space<vmem>> -> memref<1x128xi32, #tpu.memory_space<vmem>>
    %dma_start3A_47 = tpu.memref_squeeze %dma_start3A_46 : memref<1x128xi32, #tpu.memory_space<vmem>> -> memref<128xi32, #tpu.memory_space<vmem>>
    %dma_start3A_48 = arith.constant 0 : i32
    %dma_start3A_49 = arith.constant 0 : i32
    %dma_start3A_50 = tpu.memref_slice %arg2[%arg0, %dma_start3A_48, %dma_start3A_49] : memref<2x10240x64xf32, #tpu.memory_space<hbm>> -> memref<1x10240x64xf32, #tpu.memory_space<hbm>>
    %dma_start3A_51 = tpu.memref_squeeze %dma_start3A_50 : memref<1x10240x64xf32, #tpu.memory_space<hbm>> -> memref<10240x64xf32, #tpu.memory_space<hbm>>
    %dma_start3A_52 = arith.constant 0 : i32
    %dma_start3A_53 = arith.constant 0 : i32
    %dma_start3A_54 = tpu.memref_slice %dma_start3A_51[%dma_start3A_52, %dma_start3A_53] : memref<10240x64xf32, #tpu.memory_space<hbm>> -> memref<10240x64xf32, #tpu.memory_space<hbm>>
    tpu.enqueue_indirect_dma source(%dma_start3A_54 : memref<10240x64xf32, #tpu.memory_space<hbm>>) target(%arg11 : memref<128x64xf32, #tpu.memory_space<vmem>>) offsets(%dma_start3A_47 : memref<128xi32, #tpu.memory_space<vmem>>) semaphore(%arg17 : memref<!tpu.dma_semaphore, #tpu.memory_space<semaphore_mem>>)
    %scan3A_55 = arith.constant 0 : i32
    %scan3A_56 = arith.constant 0 : i32
    %scan3A_57 = arith.constant 40 : i32
    %scan3A_58 = arith.addi %scan3A_56, %scan3A_57 : i32
    %scan3A_59 = arith.constant 1 : i32
    scf.for %scan3A_89 = %scan3A_56 to %scan3A_58 step %scan3A_59  : i32 {
      %mul3A_90 = arith.constant 4 : i32
      %mul3A_91 = arith.muli %mul3A_90, %scan3A_89 : i32
      %add3A = arith.constant 0 : i32
      %add3A_92 = arith.addi %mul3A_91, %add3A : i32
      %dma_wait3A_93 = arith.constant 0 : i32
      %dma_wait3A_94 = tpu.memref_slice %arg6[%add3A_92, %dma_wait3A_93] : memref<160x128xi32, #tpu.memory_space<vmem>> -> memref<1x128xi32, #tpu.memory_space<vmem>>
      %dma_wait3A_95 = tpu.memref_squeeze %dma_wait3A_94 : memref<1x128xi32, #tpu.memory_space<vmem>> -> memref<128xi32, #tpu.memory_space<vmem>>
      %dma_wait3A_96 = arith.constant 0 : i32
      %dma_wait3A_97 = arith.constant 0 : i32
      %dma_wait3A_98 = tpu.memref_slice %arg2[%arg0, %dma_wait3A_96, %dma_wait3A_97] : memref<2x10240x64xf32, #tpu.memory_space<hbm>> -> memref<1x10240x64xf32, #tpu.memory_space<hbm>>
      %dma_wait3A_99 = tpu.memref_squeeze %dma_wait3A_98 : memref<1x10240x64xf32, #tpu.memory_space<hbm>> -> memref<10240x64xf32, #tpu.memory_space<hbm>>
      %dma_wait3A_100 = arith.constant 0 : i32
      %dma_wait3A_101 = arith.constant 0 : i32
      %dma_wait3A_102 = tpu.memref_slice %dma_wait3A_99[%dma_wait3A_100, %dma_wait3A_101] : memref<10240x64xf32, #tpu.memory_space<hbm>> -> memref<10240x64xf32, #tpu.memory_space<hbm>>
      tpu.wait_indirect_dma semaphore(%arg14 : memref<!tpu.dma_semaphore, #tpu.memory_space<semaphore_mem>>) src(%dma_wait3A_102 : memref<10240x64xf32, #tpu.memory_space<hbm>>) dst(%arg8 : memref<128x64xf32, #tpu.memory_space<vmem>>)
      %dma_start3A_103 = arith.constant 0 : i32
      %dma_start3A_104 = tpu.memref_slice %arg7[%add3A_92, %dma_start3A_103] : memref<160x128xi32, #tpu.memory_space<vmem>> -> memref<1x128xi32, #tpu.memory_space<vmem>>
      %dma_start3A_105 = tpu.memref_squeeze %dma_start3A_104 : memref<1x128xi32, #tpu.memory_space<vmem>> -> memref<128xi32, #tpu.memory_space<vmem>>
      %dma_start3A_106 = arith.constant 0 : i32
      %dma_start3A_107 = arith.constant 0 : i32
      %dma_start3A_108 = tpu.memref_slice %arg13[%dma_start3A_106, %dma_start3A_107] : memref<10240x64xf32, #tpu.memory_space<vmem_shared>> -> memref<10240x64xf32, #tpu.memory_space<vmem_shared>>
      tpu.enqueue_indirect_dma source(%arg8 : memref<128x64xf32, #tpu.memory_space<vmem>>) target(%dma_start3A_108 : memref<10240x64xf32, #tpu.memory_space<vmem_shared>>) offsets(%dma_start3A_105 : memref<128xi32, #tpu.memory_space<vmem>>) semaphore(%arg18 : memref<!tpu.dma_semaphore, #tpu.memory_space<semaphore_mem>>) {add = true}
      %add3A_109 = arith.constant 1 : i32
      %add3A_110 = arith.addi %mul3A_91, %add3A_109 : i32
      %dma_wait3A_111 = arith.constant 0 : i32
      %dma_wait3A_112 = tpu.memref_slice %arg6[%add3A_110, %dma_wait3A_111] : memref<160x128xi32, #tpu.memory_space<vmem>> -> memref<1x128xi32, #tpu.memory_space<vmem>>
      %dma_wait3A_113 = tpu.memref_squeeze %dma_wait3A_112 : memref<1x128xi32, #tpu.memory_space<vmem>> -> memref<128xi32, #tpu.memory_space<vmem>>
      %dma_wait3A_114 = arith.constant 0 : i32
      %dma_wait3A_115 = arith.constant 0 : i32
      %dma_wait3A_116 = tpu.memref_slice %arg2[%arg0, %dma_wait3A_114, %dma_wait3A_115] : memref<2x10240x64xf32, #tpu.memory_space<hbm>> -> memref<1x10240x64xf32, #tpu.memory_space<hbm>>
      %dma_wait3A_117 = tpu.memref_squeeze %dma_wait3A_116 : memref<1x10240x64xf32, #tpu.memory_space<hbm>> -> memref<10240x64xf32, #tpu.memory_space<hbm>>
      %dma_wait3A_118 = arith.constant 0 : i32
      %dma_wait3A_119 = arith.constant 0 : i32
      %dma_wait3A_120 = tpu.memref_slice %dma_wait3A_117[%dma_wait3A_118, %dma_wait3A_119] : memref<10240x64xf32, #tpu.memory_space<hbm>> -> memref<10240x64xf32, #tpu.memory_space<hbm>>
      tpu.wait_indirect_dma semaphore(%arg15 : memref<!tpu.dma_semaphore, #tpu.memory_space<semaphore_mem>>) src(%dma_wait3A_120 : memref<10240x64xf32, #tpu.memory_space<hbm>>) dst(%arg9 : memref<128x64xf32, #tpu.memory_space<vmem>>)
      %dma_start3A_121 = arith.constant 0 : i32
      %dma_start3A_122 = tpu.memref_slice %arg7[%add3A_110, %dma_start3A_121] : memref<160x128xi32, #tpu.memory_space<vmem>> -> memref<1x128xi32, #tpu.memory_space<vmem>>
      %dma_start3A_123 = tpu.memref_squeeze %dma_start3A_122 : memref<1x128xi32, #tpu.memory_space<vmem>> -> memref<128xi32, #tpu.memory_space<vmem>>
      %dma_start3A_124 = arith.constant 0 : i32
      %dma_start3A_125 = arith.constant 0 : i32
      %dma_start3A_126 = tpu.memref_slice %arg13[%dma_start3A_124, %dma_start3A_125] : memref<10240x64xf32, #tpu.memory_space<vmem_shared>> -> memref<10240x64xf32, #tpu.memory_space<vmem_shared>>
      tpu.enqueue_indirect_dma source(%arg9 : memref<128x64xf32, #tpu.memory_space<vmem>>) target(%dma_start3A_126 : memref<10240x64xf32, #tpu.memory_space<vmem_shared>>) offsets(%dma_start3A_123 : memref<128xi32, #tpu.memory_space<vmem>>) semaphore(%arg19 : memref<!tpu.dma_semaphore, #tpu.memory_space<semaphore_mem>>) {add = true}
      %add3A_127 = arith.constant 2 : i32
      %add3A_128 = arith.addi %mul3A_91, %add3A_127 : i32
      %dma_wait3A_129 = arith.constant 0 : i32
      %dma_wait3A_130 = tpu.memref_slice %arg6[%add3A_128, %dma_wait3A_129] : memref<160x128xi32, #tpu.memory_space<vmem>> -> memref<1x128xi32, #tpu.memory_space<vmem>>
      %dma_wait3A_131 = tpu.memref_squeeze %dma_wait3A_130 : memref<1x128xi32, #tpu.memory_space<vmem>> -> memref<128xi32, #tpu.memory_space<vmem>>
      %dma_wait3A_132 = arith.constant 0 : i32
      %dma_wait3A_133 = arith.constant 0 : i32
      %dma_wait3A_134 = tpu.memref_slice %arg2[%arg0, %dma_wait3A_132, %dma_wait3A_133] : memref<2x10240x64xf32, #tpu.memory_space<hbm>> -> memref<1x10240x64xf32, #tpu.memory_space<hbm>>
      %dma_wait3A_135 = tpu.memref_squeeze %dma_wait3A_134 : memref<1x10240x64xf32, #tpu.memory_space<hbm>> -> memref<10240x64xf32, #tpu.memory_space<hbm>>
      %dma_wait3A_136 = arith.constant 0 : i32
      %dma_wait3A_137 = arith.constant 0 : i32
      %dma_wait3A_138 = tpu.memref_slice %dma_wait3A_135[%dma_wait3A_136, %dma_wait3A_137] : memref<10240x64xf32, #tpu.memory_space<hbm>> -> memref<10240x64xf32, #tpu.memory_space<hbm>>
      tpu.wait_indirect_dma semaphore(%arg16 : memref<!tpu.dma_semaphore, #tpu.memory_space<semaphore_mem>>) src(%dma_wait3A_138 : memref<10240x64xf32, #tpu.memory_space<hbm>>) dst(%arg10 : memref<128x64xf32, #tpu.memory_space<vmem>>)
      %dma_start3A_139 = arith.constant 0 : i32
      %dma_start3A_140 = tpu.memref_slice %arg7[%add3A_128, %dma_start3A_139] : memref<160x128xi32, #tpu.memory_space<vmem>> -> memref<1x128xi32, #tpu.memory_space<vmem>>
      %dma_start3A_141 = tpu.memref_squeeze %dma_start3A_140 : memref<1x128xi32, #tpu.memory_space<vmem>> -> memref<128xi32, #tpu.memory_space<vmem>>
      %dma_start3A_142 = arith.constant 0 : i32
      %dma_start3A_143 = arith.constant 0 : i32
      %dma_start3A_144 = tpu.memref_slice %arg13[%dma_start3A_142, %dma_start3A_143] : memref<10240x64xf32, #tpu.memory_space<vmem_shared>> -> memref<10240x64xf32, #tpu.memory_space<vmem_shared>>
      tpu.enqueue_indirect_dma source(%arg10 : memref<128x64xf32, #tpu.memory_space<vmem>>) target(%dma_start3A_144 : memref<10240x64xf32, #tpu.memory_space<vmem_shared>>) offsets(%dma_start3A_141 : memref<128xi32, #tpu.memory_space<vmem>>) semaphore(%arg20 : memref<!tpu.dma_semaphore, #tpu.memory_space<semaphore_mem>>) {add = true}
      %add3A_145 = arith.constant 3 : i32
      %add3A_146 = arith.addi %mul3A_91, %add3A_145 : i32
      %dma_wait3A_147 = arith.constant 0 : i32
      %dma_wait3A_148 = tpu.memref_slice %arg6[%add3A_146, %dma_wait3A_147] : memref<160x128xi32, #tpu.memory_space<vmem>> -> memref<1x128xi32, #tpu.memory_space<vmem>>
      %dma_wait3A_149 = tpu.memref_squeeze %dma_wait3A_148 : memref<1x128xi32, #tpu.memory_space<vmem>> -> memref<128xi32, #tpu.memory_space<vmem>>
      %dma_wait3A_150 = arith.constant 0 : i32
      %dma_wait3A_151 = arith.constant 0 : i32
      %dma_wait3A_152 = tpu.memref_slice %arg2[%arg0, %dma_wait3A_150, %dma_wait3A_151] : memref<2x10240x64xf32, #tpu.memory_space<hbm>> -> memref<1x10240x64xf32, #tpu.memory_space<hbm>>
      %dma_wait3A_153 = tpu.memref_squeeze %dma_wait3A_152 : memref<1x10240x64xf32, #tpu.memory_space<hbm>> -> memref<10240x64xf32, #tpu.memory_space<hbm>>
      %dma_wait3A_154 = arith.constant 0 : i32
      %dma_wait3A_155 = arith.constant 0 : i32
      %dma_wait3A_156 = tpu.memref_slice %dma_wait3A_153[%dma_wait3A_154, %dma_wait3A_155] : memref<10240x64xf32, #tpu.memory_space<hbm>> -> memref<10240x64xf32, #tpu.memory_space<hbm>>
      tpu.wait_indirect_dma semaphore(%arg17 : memref<!tpu.dma_semaphore, #tpu.memory_space<semaphore_mem>>) src(%dma_wait3A_156 : memref<10240x64xf32, #tpu.memory_space<hbm>>) dst(%arg11 : memref<128x64xf32, #tpu.memory_space<vmem>>)
      %dma_start3A_157 = arith.constant 0 : i32
      %dma_start3A_158 = tpu.memref_slice %arg7[%add3A_146, %dma_start3A_157] : memref<160x128xi32, #tpu.memory_space<vmem>> -> memref<1x128xi32, #tpu.memory_space<vmem>>
      %dma_start3A_159 = tpu.memref_squeeze %dma_start3A_158 : memref<1x128xi32, #tpu.memory_space<vmem>> -> memref<128xi32, #tpu.memory_space<vmem>>
      %dma_start3A_160 = arith.constant 0 : i32
      %dma_start3A_161 = arith.constant 0 : i32
      %dma_start3A_162 = tpu.memref_slice %arg13[%dma_start3A_160, %dma_start3A_161] : memref<10240x64xf32, #tpu.memory_space<vmem_shared>> -> memref<10240x64xf32, #tpu.memory_space<vmem_shared>>
      tpu.enqueue_indirect_dma source(%arg11 : memref<128x64xf32, #tpu.memory_space<vmem>>) target(%dma_start3A_162 : memref<10240x64xf32, #tpu.memory_space<vmem_shared>>) offsets(%dma_start3A_159 : memref<128xi32, #tpu.memory_space<vmem>>) semaphore(%arg21 : memref<!tpu.dma_semaphore, #tpu.memory_space<semaphore_mem>>) {add = true}
      %add3A_163 = arith.constant 0 : i32
      %add3A_164 = arith.addi %mul3A_91, %add3A_163 : i32
      %add3A_165 = arith.constant 4 : i32
      %add3A_166 = arith.addi %add3A_164, %add3A_165 : i32
      %lt3A = arith.constant 160 : i32
      %lt3A_167 = arith.cmpi slt, %add3A_166, %lt3A : i32
      %convert_element_type3A = arith.extui %lt3A_167 : i1 to i32
      %cond3A = arith.constant 0 : i32
      %cond3A_168 = arith.cmpi ne, %convert_element_type3A, %cond3A : i32
      scf.if %cond3A_168 {
        %dma_wait3A_196 = arith.constant 0 : i32
        %dma_wait3A_197 = tpu.memref_slice %arg7[%add3A_164, %dma_wait3A_196] : memref<160x128xi32, #tpu.memory_space<vmem>> -> memref<1x128xi32, #tpu.memory_space<vmem>>
        %dma_wait3A_198 = tpu.memref_squeeze %dma_wait3A_197 : memref<1x128xi32, #tpu.memory_space<vmem>> -> memref<128xi32, #tpu.memory_space<vmem>>
        %dma_wait3A_199 = arith.constant 0 : i32
        %dma_wait3A_200 = arith.constant 0 : i32
        %dma_wait3A_201 = tpu.memref_slice %arg13[%dma_wait3A_199, %dma_wait3A_200] : memref<10240x64xf32, #tpu.memory_space<vmem_shared>> -> memref<10240x64xf32, #tpu.memory_space<vmem_shared>>
        tpu.wait_indirect_dma semaphore(%arg18 : memref<!tpu.dma_semaphore, #tpu.memory_space<semaphore_mem>>) src(%arg8 : memref<128x64xf32, #tpu.memory_space<vmem>>) dst(%dma_wait3A_201 : memref<10240x64xf32, #tpu.memory_space<vmem_shared>>)
        %add3A_202 = arith.constant 4 : i32
        %add3A_203 = arith.addi %add3A_164, %add3A_202 : i32
        %dma_start3A_204 = arith.constant 0 : i32
        %dma_start3A_205 = tpu.memref_slice %arg6[%add3A_203, %dma_start3A_204] : memref<160x128xi32, #tpu.memory_space<vmem>> -> memref<1x128xi32, #tpu.memory_space<vmem>>
        %dma_start3A_206 = tpu.memref_squeeze %dma_start3A_205 : memref<1x128xi32, #tpu.memory_space<vmem>> -> memref<128xi32, #tpu.memory_space<vmem>>
        %dma_start3A_207 = arith.constant 0 : i32
        %dma_start3A_208 = arith.constant 0 : i32
        %dma_start3A_209 = tpu.memref_slice %arg2[%arg0, %dma_start3A_207, %dma_start3A_208] : memref<2x10240x64xf32, #tpu.memory_space<hbm>> -> memref<1x10240x64xf32, #tpu.memory_space<hbm>>
        %dma_start3A_210 = tpu.memref_squeeze %dma_start3A_209 : memref<1x10240x64xf32, #tpu.memory_space<hbm>> -> memref<10240x64xf32, #tpu.memory_space<hbm>>
        %dma_start3A_211 = arith.constant 0 : i32
        %dma_start3A_212 = arith.constant 0 : i32
        %dma_start3A_213 = tpu.memref_slice %dma_start3A_210[%dma_start3A_211, %dma_start3A_212] : memref<10240x64xf32, #tpu.memory_space<hbm>> -> memref<10240x64xf32, #tpu.memory_space<hbm>>
        tpu.enqueue_indirect_dma source(%dma_start3A_213 : memref<10240x64xf32, #tpu.memory_space<hbm>>) target(%arg8 : memref<128x64xf32, #tpu.memory_space<vmem>>) offsets(%dma_start3A_206 : memref<128xi32, #tpu.memory_space<vmem>>) semaphore(%arg14 : memref<!tpu.dma_semaphore, #tpu.memory_space<semaphore_mem>>)
      } else {
      }
      %add3A_169 = arith.constant 1 : i32
      %add3A_170 = arith.addi %mul3A_91, %add3A_169 : i32
      %add3A_171 = arith.constant 4 : i32
      %add3A_172 = arith.addi %add3A_170, %add3A_171 : i32
      %lt3A_173 = arith.constant 160 : i32
      %lt3A_174 = arith.cmpi slt, %add3A_172, %lt3A_173 : i32
      %convert_element_type3A_175 = arith.extui %lt3A_174 : i1 to i32
      %cond3A_176 = arith.constant 0 : i32
      %cond3A_177 = arith.cmpi ne, %convert_element_type3A_175, %cond3A_176 : i32
      scf.if %cond3A_177 {
        %dma_wait3A_196 = arith.constant 0 : i32
        %dma_wait3A_197 = tpu.memref_slice %arg7[%add3A_170, %dma_wait3A_196] : memref<160x128xi32, #tpu.memory_space<vmem>> -> memref<1x128xi32, #tpu.memory_space<vmem>>
        %dma_wait3A_198 = tpu.memref_squeeze %dma_wait3A_197 : memref<1x128xi32, #tpu.memory_space<vmem>> -> memref<128xi32, #tpu.memory_space<vmem>>
        %dma_wait3A_199 = arith.constant 0 : i32
        %dma_wait3A_200 = arith.constant 0 : i32
        %dma_wait3A_201 = tpu.memref_slice %arg13[%dma_wait3A_199, %dma_wait3A_200] : memref<10240x64xf32, #tpu.memory_space<vmem_shared>> -> memref<10240x64xf32, #tpu.memory_space<vmem_shared>>
        tpu.wait_indirect_dma semaphore(%arg19 : memref<!tpu.dma_semaphore, #tpu.memory_space<semaphore_mem>>) src(%arg9 : memref<128x64xf32, #tpu.memory_space<vmem>>) dst(%dma_wait3A_201 : memref<10240x64xf32, #tpu.memory_space<vmem_shared>>)
        %add3A_202 = arith.constant 4 : i32
        %add3A_203 = arith.addi %add3A_170, %add3A_202 : i32
        %dma_start3A_204 = arith.constant 0 : i32
        %dma_start3A_205 = tpu.memref_slice %arg6[%add3A_203, %dma_start3A_204] : memref<160x128xi32, #tpu.memory_space<vmem>> -> memref<1x128xi32, #tpu.memory_space<vmem>>
        %dma_start3A_206 = tpu.memref_squeeze %dma_start3A_205 : memref<1x128xi32, #tpu.memory_space<vmem>> -> memref<128xi32, #tpu.memory_space<vmem>>
        %dma_start3A_207 = arith.constant 0 : i32
        %dma_start3A_208 = arith.constant 0 : i32
        %dma_start3A_209 = tpu.memref_slice %arg2[%arg0, %dma_start3A_207, %dma_start3A_208] : memref<2x10240x64xf32, #tpu.memory_space<hbm>> -> memref<1x10240x64xf32, #tpu.memory_space<hbm>>
        %dma_start3A_210 = tpu.memref_squeeze %dma_start3A_209 : memref<1x10240x64xf32, #tpu.memory_space<hbm>> -> memref<10240x64xf32, #tpu.memory_space<hbm>>
        %dma_start3A_211 = arith.constant 0 : i32
        %dma_start3A_212 = arith.constant 0 : i32
        %dma_start3A_213 = tpu.memref_slice %dma_start3A_210[%dma_start3A_211, %dma_start3A_212] : memref<10240x64xf32, #tpu.memory_space<hbm>> -> memref<10240x64xf32, #tpu.memory_space<hbm>>
        tpu.enqueue_indirect_dma source(%dma_start3A_213 : memref<10240x64xf32, #tpu.memory_space<hbm>>) target(%arg9 : memref<128x64xf32, #tpu.memory_space<vmem>>) offsets(%dma_start3A_206 : memref<128xi32, #tpu.memory_space<vmem>>) semaphore(%arg15 : memref<!tpu.dma_semaphore, #tpu.memory_space<semaphore_mem>>)
      } else {
      }
      %add3A_178 = arith.constant 2 : i32
      %add3A_179 = arith.addi %mul3A_91, %add3A_178 : i32
      %add3A_180 = arith.constant 4 : i32
      %add3A_181 = arith.addi %add3A_179, %add3A_180 : i32
      %lt3A_182 = arith.constant 160 : i32
      %lt3A_183 = arith.cmpi slt, %add3A_181, %lt3A_182 : i32
      %convert_element_type3A_184 = arith.extui %lt3A_183 : i1 to i32
      %cond3A_185 = arith.constant 0 : i32
      %cond3A_186 = arith.cmpi ne, %convert_element_type3A_184, %cond3A_185 : i32
      scf.if %cond3A_186 {
        %dma_wait3A_196 = arith.constant 0 : i32
        %dma_wait3A_197 = tpu.memref_slice %arg7[%add3A_179, %dma_wait3A_196] : memref<160x128xi32, #tpu.memory_space<vmem>> -> memref<1x128xi32, #tpu.memory_space<vmem>>
        %dma_wait3A_198 = tpu.memref_squeeze %dma_wait3A_197 : memref<1x128xi32, #tpu.memory_space<vmem>> -> memref<128xi32, #tpu.memory_space<vmem>>
        %dma_wait3A_199 = arith.constant 0 : i32
        %dma_wait3A_200 = arith.constant 0 : i32
        %dma_wait3A_201 = tpu.memref_slice %arg13[%dma_wait3A_199, %dma_wait3A_200] : memref<10240x64xf32, #tpu.memory_space<vmem_shared>> -> memref<10240x64xf32, #tpu.memory_space<vmem_shared>>
        tpu.wait_indirect_dma semaphore(%arg20 : memref<!tpu.dma_semaphore, #tpu.memory_space<semaphore_mem>>) src(%arg10 : memref<128x64xf32, #tpu.memory_space<vmem>>) dst(%dma_wait3A_201 : memref<10240x64xf32, #tpu.memory_space<vmem_shared>>)
        %add3A_202 = arith.constant 4 : i32
        %add3A_203 = arith.addi %add3A_179, %add3A_202 : i32
        %dma_start3A_204 = arith.constant 0 : i32
        %dma_start3A_205 = tpu.memref_slice %arg6[%add3A_203, %dma_start3A_204] : memref<160x128xi32, #tpu.memory_space<vmem>> -> memref<1x128xi32, #tpu.memory_space<vmem>>
        %dma_start3A_206 = tpu.memref_squeeze %dma_start3A_205 : memref<1x128xi32, #tpu.memory_space<vmem>> -> memref<128xi32, #tpu.memory_space<vmem>>
        %dma_start3A_207 = arith.constant 0 : i32
        %dma_start3A_208 = arith.constant 0 : i32
        %dma_start3A_209 = tpu.memref_slice %arg2[%arg0, %dma_start3A_207, %dma_start3A_208] : memref<2x10240x64xf32, #tpu.memory_space<hbm>> -> memref<1x10240x64xf32, #tpu.memory_space<hbm>>
        %dma_start3A_210 = tpu.memref_squeeze %dma_start3A_209 : memref<1x10240x64xf32, #tpu.memory_space<hbm>> -> memref<10240x64xf32, #tpu.memory_space<hbm>>
        %dma_start3A_211 = arith.constant 0 : i32
        %dma_start3A_212 = arith.constant 0 : i32
        %dma_start3A_213 = tpu.memref_slice %dma_start3A_210[%dma_start3A_211, %dma_start3A_212] : memref<10240x64xf32, #tpu.memory_space<hbm>> -> memref<10240x64xf32, #tpu.memory_space<hbm>>
        tpu.enqueue_indirect_dma source(%dma_start3A_213 : memref<10240x64xf32, #tpu.memory_space<hbm>>) target(%arg10 : memref<128x64xf32, #tpu.memory_space<vmem>>) offsets(%dma_start3A_206 : memref<128xi32, #tpu.memory_space<vmem>>) semaphore(%arg16 : memref<!tpu.dma_semaphore, #tpu.memory_space<semaphore_mem>>)
      } else {
      }
      %add3A_187 = arith.constant 3 : i32
      %add3A_188 = arith.addi %mul3A_91, %add3A_187 : i32
      %add3A_189 = arith.constant 4 : i32
      %add3A_190 = arith.addi %add3A_188, %add3A_189 : i32
      %lt3A_191 = arith.constant 160 : i32
      %lt3A_192 = arith.cmpi slt, %add3A_190, %lt3A_191 : i32
      %convert_element_type3A_193 = arith.extui %lt3A_192 : i1 to i32
      %cond3A_194 = arith.constant 0 : i32
      %cond3A_195 = arith.cmpi ne, %convert_element_type3A_193, %cond3A_194 : i32
      scf.if %cond3A_195 {
        %dma_wait3A_196 = arith.constant 0 : i32
        %dma_wait3A_197 = tpu.memref_slice %arg7[%add3A_188, %dma_wait3A_196] : memref<160x128xi32, #tpu.memory_space<vmem>> -> memref<1x128xi32, #tpu.memory_space<vmem>>
        %dma_wait3A_198 = tpu.memref_squeeze %dma_wait3A_197 : memref<1x128xi32, #tpu.memory_space<vmem>> -> memref<128xi32, #tpu.memory_space<vmem>>
        %dma_wait3A_199 = arith.constant 0 : i32
        %dma_wait3A_200 = arith.constant 0 : i32
        %dma_wait3A_201 = tpu.memref_slice %arg13[%dma_wait3A_199, %dma_wait3A_200] : memref<10240x64xf32, #tpu.memory_space<vmem_shared>> -> memref<10240x64xf32, #tpu.memory_space<vmem_shared>>
        tpu.wait_indirect_dma semaphore(%arg21 : memref<!tpu.dma_semaphore, #tpu.memory_space<semaphore_mem>>) src(%arg11 : memref<128x64xf32, #tpu.memory_space<vmem>>) dst(%dma_wait3A_201 : memref<10240x64xf32, #tpu.memory_space<vmem_shared>>)
        %add3A_202 = arith.constant 4 : i32
        %add3A_203 = arith.addi %add3A_188, %add3A_202 : i32
        %dma_start3A_204 = arith.constant 0 : i32
        %dma_start3A_205 = tpu.memref_slice %arg6[%add3A_203, %dma_start3A_204] : memref<160x128xi32, #tpu.memory_space<vmem>> -> memref<1x128xi32, #tpu.memory_space<vmem>>
        %dma_start3A_206 = tpu.memref_squeeze %dma_start3A_205 : memref<1x128xi32, #tpu.memory_space<vmem>> -> memref<128xi32, #tpu.memory_space<vmem>>
        %dma_start3A_207 = arith.constant 0 : i32
        %dma_start3A_208 = arith.constant 0 : i32
        %dma_start3A_209 = tpu.memref_slice %arg2[%arg0, %dma_start3A_207, %dma_start3A_208] : memref<2x10240x64xf32, #tpu.memory_space<hbm>> -> memref<1x10240x64xf32, #tpu.memory_space<hbm>>
        %dma_start3A_210 = tpu.memref_squeeze %dma_start3A_209 : memref<1x10240x64xf32, #tpu.memory_space<hbm>> -> memref<10240x64xf32, #tpu.memory_space<hbm>>
        %dma_start3A_211 = arith.constant 0 : i32
        %dma_start3A_212 = arith.constant 0 : i32
        %dma_start3A_213 = tpu.memref_slice %dma_start3A_210[%dma_start3A_211, %dma_start3A_212] : memref<10240x64xf32, #tpu.memory_space<hbm>> -> memref<10240x64xf32, #tpu.memory_space<hbm>>
        tpu.enqueue_indirect_dma source(%dma_start3A_213 : memref<10240x64xf32, #tpu.memory_space<hbm>>) target(%arg11 : memref<128x64xf32, #tpu.memory_space<vmem>>) offsets(%dma_start3A_206 : memref<128xi32, #tpu.memory_space<vmem>>) semaphore(%arg17 : memref<!tpu.dma_semaphore, #tpu.memory_space<semaphore_mem>>)
      } else {
      }
    }
    %scan3A_60 = arith.constant 40 : i32
    %dma_wait3A = arith.constant 156 : i32
    %dma_wait3A_61 = arith.constant 0 : i32
    %dma_wait3A_62 = tpu.memref_slice %arg7[%dma_wait3A, %dma_wait3A_61] : memref<160x128xi32, #tpu.memory_space<vmem>> -> memref<1x128xi32, #tpu.memory_space<vmem>>
    %dma_wait3A_63 = tpu.memref_squeeze %dma_wait3A_62 : memref<1x128xi32, #tpu.memory_space<vmem>> -> memref<128xi32, #tpu.memory_space<vmem>>
    %dma_wait3A_64 = arith.constant 0 : i32
    %dma_wait3A_65 = arith.constant 0 : i32
    %dma_wait3A_66 = tpu.memref_slice %arg13[%dma_wait3A_64, %dma_wait3A_65] : memref<10240x64xf32, #tpu.memory_space<vmem_shared>> -> memref<10240x64xf32, #tpu.memory_space<vmem_shared>>
    tpu.wait_indirect_dma semaphore(%arg18 : memref<!tpu.dma_semaphore, #tpu.memory_space<semaphore_mem>>) src(%arg8 : memref<128x64xf32, #tpu.memory_space<vmem>>) dst(%dma_wait3A_66 : memref<10240x64xf32, #tpu.memory_space<vmem_shared>>)
    %dma_wait3A_67 = arith.constant 157 : i32
    %dma_wait3A_68 = arith.constant 0 : i32
    %dma_wait3A_69 = tpu.memref_slice %arg7[%dma_wait3A_67, %dma_wait3A_68] : memref<160x128xi32, #tpu.memory_space<vmem>> -> memref<1x128xi32, #tpu.memory_space<vmem>>
    %dma_wait3A_70 = tpu.memref_squeeze %dma_wait3A_69 : memref<1x128xi32, #tpu.memory_space<vmem>> -> memref<128xi32, #tpu.memory_space<vmem>>
    %dma_wait3A_71 = arith.constant 0 : i32
    %dma_wait3A_72 = arith.constant 0 : i32
    %dma_wait3A_73 = tpu.memref_slice %arg13[%dma_wait3A_71, %dma_wait3A_72] : memref<10240x64xf32, #tpu.memory_space<vmem_shared>> -> memref<10240x64xf32, #tpu.memory_space<vmem_shared>>
    tpu.wait_indirect_dma semaphore(%arg19 : memref<!tpu.dma_semaphore, #tpu.memory_space<semaphore_mem>>) src(%arg9 : memref<128x64xf32, #tpu.memory_space<vmem>>) dst(%dma_wait3A_73 : memref<10240x64xf32, #tpu.memory_space<vmem_shared>>)
    %dma_wait3A_74 = arith.constant 158 : i32
    %dma_wait3A_75 = arith.constant 0 : i32
    %dma_wait3A_76 = tpu.memref_slice %arg7[%dma_wait3A_74, %dma_wait3A_75] : memref<160x128xi32, #tpu.memory_space<vmem>> -> memref<1x128xi32, #tpu.memory_space<vmem>>
    %dma_wait3A_77 = tpu.memref_squeeze %dma_wait3A_76 : memref<1x128xi32, #tpu.memory_space<vmem>> -> memref<128xi32, #tpu.memory_space<vmem>>
    %dma_wait3A_78 = arith.constant 0 : i32
    %dma_wait3A_79 = arith.constant 0 : i32
    %dma_wait3A_80 = tpu.memref_slice %arg13[%dma_wait3A_78, %dma_wait3A_79] : memref<10240x64xf32, #tpu.memory_space<vmem_shared>> -> memref<10240x64xf32, #tpu.memory_space<vmem_shared>>
    tpu.wait_indirect_dma semaphore(%arg20 : memref<!tpu.dma_semaphore, #tpu.memory_space<semaphore_mem>>) src(%arg10 : memref<128x64xf32, #tpu.memory_space<vmem>>) dst(%dma_wait3A_80 : memref<10240x64xf32, #tpu.memory_space<vmem_shared>>)
    %dma_wait3A_81 = arith.constant 159 : i32
    %dma_wait3A_82 = arith.constant 0 : i32
    %dma_wait3A_83 = tpu.memref_slice %arg7[%dma_wait3A_81, %dma_wait3A_82] : memref<160x128xi32, #tpu.memory_space<vmem>> -> memref<1x128xi32, #tpu.memory_space<vmem>>
    %dma_wait3A_84 = tpu.memref_squeeze %dma_wait3A_83 : memref<1x128xi32, #tpu.memory_space<vmem>> -> memref<128xi32, #tpu.memory_space<vmem>>
    %dma_wait3A_85 = arith.constant 0 : i32
    %dma_wait3A_86 = arith.constant 0 : i32
    %dma_wait3A_87 = tpu.memref_slice %arg13[%dma_wait3A_85, %dma_wait3A_86] : memref<10240x64xf32, #tpu.memory_space<vmem_shared>> -> memref<10240x64xf32, #tpu.memory_space<vmem_shared>>
    tpu.wait_indirect_dma semaphore(%arg21 : memref<!tpu.dma_semaphore, #tpu.memory_space<semaphore_mem>>) src(%arg11 : memref<128x64xf32, #tpu.memory_space<vmem>>) dst(%dma_wait3A_87 : memref<10240x64xf32, #tpu.memory_space<vmem_shared>>)
    %barrier3A_88 = arith.constant 0 : index
    tpu.barrier barrier_id(%barrier3A_88)
    "tpu.region"() ({
      %run_scoped3A = tpu.sem_alloc : memref<!tpu.dma_semaphore, #tpu.memory_space<semaphore_mem>>
      %dma_start3A_89 = arith.constant 0 : i32
      %dma_start3A_90 = tpu.memref_slice %arg5[%arg0, %mul3A_5, %dma_start3A_89] : memref<2x10240x64xf32, #tpu.memory_space<hbm>> -> memref<1x640x64xf32, #tpu.memory_space<hbm>>
      %dma_start3A_91 = tpu.memref_squeeze %dma_start3A_90 : memref<1x640x64xf32, #tpu.memory_space<hbm>> -> memref<640x64xf32, #tpu.memory_space<hbm>>
      %dma_start3A_92 = arith.constant 0 : i32
      %dma_start3A_93 = tpu.memref_slice %arg13[%mul3A_5, %dma_start3A_92] : memref<10240x64xf32, #tpu.memory_space<vmem_shared>> -> memref<640x64xf32, #tpu.memory_space<vmem_shared>>
      tpu.enqueue_dma source(%dma_start3A_93 : memref<640x64xf32, #tpu.memory_space<vmem_shared>>) target(%dma_start3A_91 : memref<640x64xf32, #tpu.memory_space<hbm>>) target_semaphore(%run_scoped3A : memref<!tpu.dma_semaphore, #tpu.memory_space<semaphore_mem>>)
      %dma_wait3A_94 = arith.constant 0 : i32
      %dma_wait3A_95 = tpu.memref_slice %arg5[%arg0, %mul3A_5, %dma_wait3A_94] : memref<2x10240x64xf32, #tpu.memory_space<hbm>> -> memref<1x640x64xf32, #tpu.memory_space<hbm>>
      %dma_wait3A_96 = tpu.memref_squeeze %dma_wait3A_95 : memref<1x640x64xf32, #tpu.memory_space<hbm>> -> memref<640x64xf32, #tpu.memory_space<hbm>>
      %dma_wait3A_97 = arith.constant 0 : i32
      %dma_wait3A_98 = tpu.memref_slice %arg13[%mul3A_5, %dma_wait3A_97] : memref<10240x64xf32, #tpu.memory_space<vmem_shared>> -> memref<640x64xf32, #tpu.memory_space<vmem_shared>>
      tpu.wait_dma2 semaphore(%run_scoped3A : memref<!tpu.dma_semaphore, #tpu.memory_space<semaphore_mem>>) src(%dma_wait3A_98 : memref<640x64xf32, #tpu.memory_space<vmem_shared>>) dst(%dma_wait3A_96 : memref<640x64xf32, #tpu.memory_space<hbm>>)
      tpu.yield
    }) : () -> ()
    return
  }
}

#map = affine_map<(d0, d1) -> (0, 0, 0)>
module attributes {stable_mosaic.version = 14 : i64} {
  func.func @seg(%arg0: i32, %arg1: i32, %arg2: memref<2x10240x64xf32, #tpu.memory_space<hbm>>, %arg3: memref<16x160x128xi32, #tpu.memory_space<hbm>>, %arg4: memref<16x160x128xi32, #tpu.memory_space<hbm>>, %arg5: memref<2x10240x64xf32, #tpu.memory_space<hbm>>, %arg6: memref<160x128xi32, #tpu.memory_space<vmem>>, %arg7: memref<160x128xi32, #tpu.memory_space<vmem>>, %arg8: memref<128x64xf32, #tpu.memory_space<vmem>>, %arg9: memref<128x64xf32, #tpu.memory_space<vmem>>, %arg10: memref<128x64xf32, #tpu.memory_space<vmem>>, %arg11: memref<128x64xf32, #tpu.memory_space<vmem>>, %arg12: memref<128x64xf32, #tpu.memory_space<vmem>>, %arg13: memref<10240x64xf32, #tpu.memory_space<vmem_shared>>, %arg14: memref<!tpu.dma_semaphore, #tpu.memory_space<semaphore_mem>>, %arg15: memref<!tpu.dma_semaphore, #tpu.memory_space<semaphore_mem>>, %arg16: memref<!tpu.dma_semaphore, #tpu.memory_space<semaphore_mem>>, %arg17: memref<!tpu.dma_semaphore, #tpu.memory_space<semaphore_mem>>, %arg18: memref<!tpu.dma_semaphore, #tpu.memory_space<semaphore_mem>>, %arg19: memref<!tpu.dma_semaphore, #tpu.memory_space<semaphore_mem>>, %arg20: memref<!tpu.dma_semaphore, #tpu.memory_space<semaphore_mem>>, %arg21: memref<!tpu.dma_semaphore, #tpu.memory_space<semaphore_mem>>) attributes {dimension_semantics = [#tpu.dimension_semantics<core_parallel>, #tpu.dimension_semantics<subcore_parallel>], iteration_bounds = array<i64: 2, 16>, scalar_prefetch = 0 : i64, scratch_operands = 16 : i64, tpu.core_type = #tpu.core_type<sc_vector_subcore>, window_params = [{transform_indices = #map}, {transform_indices = #map}, {transform_indices = #map}, {transform_indices = #map}]} {
    %scan3A = arith.constant 0 : i32
    %scan3A_0 = arith.constant 0 : i32
    %scan3A_1 = arith.constant 128 : i32
    %scan3A_2 = arith.addi %scan3A_0, %scan3A_1 : i32
    %scan3A_3 = arith.constant 1 : i32
    scf.for %scan3A_89 = %scan3A_0 to %scan3A_2 step %scan3A_3  : i32 {
      %scan3A_90 = arith.constant 0 : i32
      %scan3A_91 = arith.constant 4 : i32
      %scan3A_92 = arith.addi %scan3A_90, %scan3A_91 : i32
      %scan3A_93 = arith.constant 1 : i32
      scf.for %scan3A_95 = %scan3A_90 to %scan3A_92 step %scan3A_93  : i32 {
        %broadcast_in_dim3A = arith.constant 0.000000e+00 : f32
        %broadcast_in_dim3A_96 = vector.broadcast %broadcast_in_dim3A : f32 to vector<16xf32>
        %mul3A_97 = arith.constant 16 : i32
        %mul3A_98 = arith.muli %scan3A_95, %mul3A_97 : i32
        %swap3A = arith.index_cast %scan3A_89 : i32 to index
        %swap3A_99 = arith.index_cast %mul3A_98 : i32 to index
        %swap3A_100 = tpu.vector_load %arg12[%swap3A, %swap3A_99] {strides = array<i32>} : memref<128x64xf32, #tpu.memory_space<vmem>>, vector<1x16xf32>,
        %swap3A_101 = vector.shape_cast %swap3A_100 : vector<1x16xf32> to vector<16xf32>
        %swap3A_102 = vector.shape_cast %broadcast_in_dim3A_96 : vector<16xf32> to vector<1x16xf32>
        tpu.vector_store %arg12[%swap3A, %swap3A_99], %swap3A_102 {strides = array<i32>} : memref<128x64xf32, #tpu.memory_space<vmem>>, vector<1x16xf32>,
      }
      %scan3A_94 = arith.constant 4 : i32
    }
    %scan3A_4 = arith.constant 128 : i32
    %mul3A = arith.constant 640 : i32
    %mul3A_5 = arith.muli %arg1, %mul3A : i32
    %scan3A_6 = arith.constant 0 : i32
    %scan3A_7 = arith.constant 0 : i32
    %scan3A_8 = arith.constant 5 : i32
    %scan3A_9 = arith.addi %scan3A_7, %scan3A_8 : i32
    %scan3A_10 = arith.constant 1 : i32
    scf.for %scan3A_89 = %scan3A_7 to %scan3A_9 step %scan3A_10  : i32 {
      %mul3A_90 = arith.constant 128 : i32
      %mul3A_91 = arith.muli %scan3A_89, %mul3A_90 : i32
      %add3A = arith.addi %mul3A_5, %mul3A_91 : i32
      "tpu.region"() ({
        %run_scoped3A = tpu.sem_alloc : memref<!tpu.dma_semaphore, #tpu.memory_space<semaphore_mem>>
        %dma_start3A_92 = arith.constant 0 : i32
        %dma_start3A_93 = tpu.memref_slice %arg13[%add3A, %dma_start3A_92] : memref<10240x64xf32, #tpu.memory_space<vmem_shared>> -> memref<128x64xf32, #tpu.memory_space<vmem_shared>>
        %dma_start3A_94 = arith.constant 0 : i32
        %dma_start3A_95 = tpu.memref_slice %arg13[%add3A, %dma_start3A_94] : memref<10240x64xf32, #tpu.memory_space<vmem_shared>> -> memref<128x64xf32, #tpu.memory_space<vmem_shared>>
        tpu.enqueue_dma source(%arg12 : memref<128x64xf32, #tpu.memory_space<vmem>>) target(%dma_start3A_95 : memref<128x64xf32, #tpu.memory_space<vmem_shared>>) target_semaphore(%run_scoped3A : memref<!tpu.dma_semaphore, #tpu.memory_space<semaphore_mem>>)
        %dma_wait3A_96 = arith.constant 0 : i32
        %dma_wait3A_97 = tpu.memref_slice %arg13[%add3A, %dma_wait3A_96] : memref<10240x64xf32, #tpu.memory_space<vmem_shared>> -> memref<128x64xf32, #tpu.memory_space<vmem_shared>>
        %dma_wait3A_98 = arith.constant 0 : i32
        %dma_wait3A_99 = tpu.memref_slice %arg13[%add3A, %dma_wait3A_98] : memref<10240x64xf32, #tpu.memory_space<vmem_shared>> -> memref<128x64xf32, #tpu.memory_space<vmem_shared>>
        tpu.wait_dma2 semaphore(%run_scoped3A : memref<!tpu.dma_semaphore, #tpu.memory_space<semaphore_mem>>) src(%arg12 : memref<128x64xf32, #tpu.memory_space<vmem>>) dst(%dma_wait3A_99 : memref<128x64xf32, #tpu.memory_space<vmem_shared>>)
        tpu.yield
      }) : () -> ()
    }
    %scan3A_11 = arith.constant 5 : i32
    "tpu.region"() ({
      %run_scoped3A = tpu.sem_alloc : memref<!tpu.dma_semaphore, #tpu.memory_space<semaphore_mem>>
      %dma_start3A_89 = arith.constant 0 : i32
      %dma_start3A_90 = arith.constant 0 : i32
      %dma_start3A_91 = tpu.memref_slice %arg3[%arg1, %dma_start3A_89, %dma_start3A_90] : memref<16x160x128xi32, #tpu.memory_space<hbm>> -> memref<1x160x128xi32, #tpu.memory_space<hbm>>
      %dma_start3A_92 = tpu.memref_squeeze %dma_start3A_91 : memref<1x160x128xi32, #tpu.memory_space<hbm>> -> memref<160x128xi32, #tpu.memory_space<hbm>>
      %dma_start3A_93 = arith.constant 0 : i32
      %dma_start3A_94 = arith.constant 0 : i32
      %dma_start3A_95 = tpu.memref_slice %arg3[%arg1, %dma_start3A_93, %dma_start3A_94] : memref<16x160x128xi32, #tpu.memory_space<hbm>> -> memref<1x160x128xi32, #tpu.memory_space<hbm>>
      %dma_start3A_96 = tpu.memref_squeeze %dma_start3A_95 : memref<1x160x128xi32, #tpu.memory_space<hbm>> -> memref<160x128xi32, #tpu.memory_space<hbm>>
      tpu.enqueue_dma source(%dma_start3A_96 : memref<160x128xi32, #tpu.memory_space<hbm>>) target(%arg6 : memref<160x128xi32, #tpu.memory_space<vmem>>) target_semaphore(%run_scoped3A : memref<!tpu.dma_semaphore, #tpu.memory_space<semaphore_mem>>)
      %dma_wait3A_97 = arith.constant 0 : i32
      %dma_wait3A_98 = arith.constant 0 : i32
      %dma_wait3A_99 = tpu.memref_slice %arg3[%arg1, %dma_wait3A_97, %dma_wait3A_98] : memref<16x160x128xi32, #tpu.memory_space<hbm>> -> memref<1x160x128xi32, #tpu.memory_space<hbm>>
      %dma_wait3A_100 = tpu.memref_squeeze %dma_wait3A_99 : memref<1x160x128xi32, #tpu.memory_space<hbm>> -> memref<160x128xi32, #tpu.memory_space<hbm>>
      %dma_wait3A_101 = arith.constant 0 : i32
      %dma_wait3A_102 = arith.constant 0 : i32
      %dma_wait3A_103 = tpu.memref_slice %arg3[%arg1, %dma_wait3A_101, %dma_wait3A_102] : memref<16x160x128xi32, #tpu.memory_space<hbm>> -> memref<1x160x128xi32, #tpu.memory_space<hbm>>
      %dma_wait3A_104 = tpu.memref_squeeze %dma_wait3A_103 : memref<1x160x128xi32, #tpu.memory_space<hbm>> -> memref<160x128xi32, #tpu.memory_space<hbm>>
      tpu.wait_dma2 semaphore(%run_scoped3A : memref<!tpu.dma_semaphore, #tpu.memory_space<semaphore_mem>>) src(%dma_wait3A_104 : memref<160x128xi32, #tpu.memory_space<hbm>>) dst(%arg6 : memref<160x128xi32, #tpu.memory_space<vmem>>)
      tpu.yield
    }) : () -> ()
    "tpu.region"() ({
      %run_scoped3A = tpu.sem_alloc : memref<!tpu.dma_semaphore, #tpu.memory_space<semaphore_mem>>
      %dma_start3A_89 = arith.constant 0 : i32
      %dma_start3A_90 = arith.constant 0 : i32
      %dma_start3A_91 = tpu.memref_slice %arg4[%arg1, %dma_start3A_89, %dma_start3A_90] : memref<16x160x128xi32, #tpu.memory_space<hbm>> -> memref<1x160x128xi32, #tpu.memory_space<hbm>>
      %dma_start3A_92 = tpu.memref_squeeze %dma_start3A_91 : memref<1x160x128xi32, #tpu.memory_space<hbm>> -> memref<160x128xi32, #tpu.memory_space<hbm>>
      %dma_start3A_93 = arith.constant 0 : i32
      %dma_start3A_94 = arith.constant 0 : i32
      %dma_start3A_95 = tpu.memref_slice %arg4[%arg1, %dma_start3A_93, %dma_start3A_94] : memref<16x160x128xi32, #tpu.memory_space<hbm>> -> memref<1x160x128xi32, #tpu.memory_space<hbm>>
      %dma_start3A_96 = tpu.memref_squeeze %dma_start3A_95 : memref<1x160x128xi32, #tpu.memory_space<hbm>> -> memref<160x128xi32, #tpu.memory_space<hbm>>
      tpu.enqueue_dma source(%dma_start3A_96 : memref<160x128xi32, #tpu.memory_space<hbm>>) target(%arg7 : memref<160x128xi32, #tpu.memory_space<vmem>>) target_semaphore(%run_scoped3A : memref<!tpu.dma_semaphore, #tpu.memory_space<semaphore_mem>>)
      %dma_wait3A_97 = arith.constant 0 : i32
      %dma_wait3A_98 = arith.constant 0 : i32
      %dma_wait3A_99 = tpu.memref_slice %arg4[%arg1, %dma_wait3A_97, %dma_wait3A_98] : memref<16x160x128xi32, #tpu.memory_space<hbm>> -> memref<1x160x128xi32, #tpu.memory_space<hbm>>
      %dma_wait3A_100 = tpu.memref_squeeze %dma_wait3A_99 : memref<1x160x128xi32, #tpu.memory_space<hbm>> -> memref<160x128xi32, #tpu.memory_space<hbm>>
      %dma_wait3A_101 = arith.constant 0 : i32
      %dma_wait3A_102 = arith.constant 0 : i32
      %dma_wait3A_103 = tpu.memref_slice %arg4[%arg1, %dma_wait3A_101, %dma_wait3A_102] : memref<16x160x128xi32, #tpu.memory_space<hbm>> -> memref<1x160x128xi32, #tpu.memory_space<hbm>>
      %dma_wait3A_104 = tpu.memref_squeeze %dma_wait3A_103 : memref<1x160x128xi32, #tpu.memory_space<hbm>> -> memref<160x128xi32, #tpu.memory_space<hbm>>
      tpu.wait_dma2 semaphore(%run_scoped3A : memref<!tpu.dma_semaphore, #tpu.memory_space<semaphore_mem>>) src(%dma_wait3A_104 : memref<160x128xi32, #tpu.memory_space<hbm>>) dst(%arg7 : memref<160x128xi32, #tpu.memory_space<vmem>>)
      tpu.yield
    }) : () -> ()
    %barrier3A = arith.constant 0 : index
    tpu.barrier barrier_id(%barrier3A)
    %dma_start3A = arith.constant 0 : i32
    %dma_start3A_12 = arith.constant 0 : i32
    %dma_start3A_13 = tpu.memref_slice %arg6[%dma_start3A, %dma_start3A_12] : memref<160x128xi32, #tpu.memory_space<vmem>> -> memref<1x128xi32, #tpu.memory_space<vmem>>
    %dma_start3A_14 = tpu.memref_squeeze %dma_start3A_13 : memref<1x128xi32, #tpu.memory_space<vmem>> -> memref<128xi32, #tpu.memory_space<vmem>>
    %dma_start3A_15 = arith.constant 0 : i32
    %dma_start3A_16 = arith.constant 0 : i32
    %dma_start3A_17 = tpu.memref_slice %arg2[%arg0, %dma_start3A_15, %dma_start3A_16] : memref<2x10240x64xf32, #tpu.memory_space<hbm>> -> memref<1x10240x64xf32, #tpu.memory_space<hbm>>
    %dma_start3A_18 = tpu.memref_squeeze %dma_start3A_17 : memref<1x10240x64xf32, #tpu.memory_space<hbm>> -> memref<10240x64xf32, #tpu.memory_space<hbm>>
    %dma_start3A_19 = arith.constant 0 : i32
    %dma_start3A_20 = arith.constant 0 : i32
    %dma_start3A_21 = tpu.memref_slice %dma_start3A_18[%dma_start3A_19, %dma_start3A_20] : memref<10240x64xf32, #tpu.memory_space<hbm>> -> memref<10240x64xf32, #tpu.memory_space<hbm>>
    tpu.enqueue_indirect_dma source(%dma_start3A_21 : memref<10240x64xf32, #tpu.memory_space<hbm>>) target(%arg8 : memref<128x64xf32, #tpu.memory_space<vmem>>) offsets(%dma_start3A_14 : memref<128xi32, #tpu.memory_space<vmem>>) semaphore(%arg14 : memref<!tpu.dma_semaphore, #tpu.memory_space<semaphore_mem>>)
    %dma_start3A_22 = arith.constant 1 : i32
    %dma_start3A_23 = arith.constant 0 : i32
    %dma_start3A_24 = tpu.memref_slice %arg6[%dma_start3A_22, %dma_start3A_23] : memref<160x128xi32, #tpu.memory_space<vmem>> -> memref<1x128xi32, #tpu.memory_space<vmem>>
    %dma_start3A_25 = tpu.memref_squeeze %dma_start3A_24 : memref<1x128xi32, #tpu.memory_space<vmem>> -> memref<128xi32, #tpu.memory_space<vmem>>
    %dma_start3A_26 = arith.constant 0 : i32
    %dma_start3A_27 = arith.constant 0 : i32
    %dma_start3A_28 = tpu.memref_slice %arg2[%arg0, %dma_start3A_26, %dma_start3A_27] : memref<2x10240x64xf32, #tpu.memory_space<hbm>> -> memref<1x10240x64xf32, #tpu.memory_space<hbm>>
    %dma_start3A_29 = tpu.memref_squeeze %dma_start3A_28 : memref<1x10240x64xf32, #tpu.memory_space<hbm>> -> memref<10240x64xf32, #tpu.memory_space<hbm>>
    %dma_start3A_30 = arith.constant 0 : i32
    %dma_start3A_31 = arith.constant 0 : i32
    %dma_start3A_32 = tpu.memref_slice %dma_start3A_29[%dma_start3A_30, %dma_start3A_31] : memref<10240x64xf32, #tpu.memory_space<hbm>> -> memref<10240x64xf32, #tpu.memory_space<hbm>>
    tpu.enqueue_indirect_dma source(%dma_start3A_32 : memref<10240x64xf32, #tpu.memory_space<hbm>>) target(%arg9 : memref<128x64xf32, #tpu.memory_space<vmem>>) offsets(%dma_start3A_25 : memref<128xi32, #tpu.memory_space<vmem>>) semaphore(%arg15 : memref<!tpu.dma_semaphore, #tpu.memory_space<semaphore_mem>>)
    %dma_start3A_33 = arith.constant 2 : i32
    %dma_start3A_34 = arith.constant 0 : i32
    %dma_start3A_35 = tpu.memref_slice %arg6[%dma_start3A_33, %dma_start3A_34] : memref<160x128xi32, #tpu.memory_space<vmem>> -> memref<1x128xi32, #tpu.memory_space<vmem>>
    %dma_start3A_36 = tpu.memref_squeeze %dma_start3A_35 : memref<1x128xi32, #tpu.memory_space<vmem>> -> memref<128xi32, #tpu.memory_space<vmem>>
    %dma_start3A_37 = arith.constant 0 : i32
    %dma_start3A_38 = arith.constant 0 : i32
    %dma_start3A_39 = tpu.memref_slice %arg2[%arg0, %dma_start3A_37, %dma_start3A_38] : memref<2x10240x64xf32, #tpu.memory_space<hbm>> -> memref<1x10240x64xf32, #tpu.memory_space<hbm>>
    %dma_start3A_40 = tpu.memref_squeeze %dma_start3A_39 : memref<1x10240x64xf32, #tpu.memory_space<hbm>> -> memref<10240x64xf32, #tpu.memory_space<hbm>>
    %dma_start3A_41 = arith.constant 0 : i32
    %dma_start3A_42 = arith.constant 0 : i32
    %dma_start3A_43 = tpu.memref_slice %dma_start3A_40[%dma_start3A_41, %dma_start3A_42] : memref<10240x64xf32, #tpu.memory_space<hbm>> -> memref<10240x64xf32, #tpu.memory_space<hbm>>
    tpu.enqueue_indirect_dma source(%dma_start3A_43 : memref<10240x64xf32, #tpu.memory_space<hbm>>) target(%arg10 : memref<128x64xf32, #tpu.memory_space<vmem>>) offsets(%dma_start3A_36 : memref<128xi32, #tpu.memory_space<vmem>>) semaphore(%arg16 : memref<!tpu.dma_semaphore, #tpu.memory_space<semaphore_mem>>)
    %dma_start3A_44 = arith.constant 3 : i32
    %dma_start3A_45 = arith.constant 0 : i32
    %dma_start3A_46 = tpu.memref_slice %arg6[%dma_start3A_44, %dma_start3A_45] : memref<160x128xi32, #tpu.memory_space<vmem>> -> memref<1x128xi32, #tpu.memory_space<vmem>>
    %dma_start3A_47 = tpu.memref_squeeze %dma_start3A_46 : memref<1x128xi32, #tpu.memory_space<vmem>> -> memref<128xi32, #tpu.memory_space<vmem>>
    %dma_start3A_48 = arith.constant 0 : i32
    %dma_start3A_49 = arith.constant 0 : i32
    %dma_start3A_50 = tpu.memref_slice %arg2[%arg0, %dma_start3A_48, %dma_start3A_49] : memref<2x10240x64xf32, #tpu.memory_space<hbm>> -> memref<1x10240x64xf32, #tpu.memory_space<hbm>>
    %dma_start3A_51 = tpu.memref_squeeze %dma_start3A_50 : memref<1x10240x64xf32, #tpu.memory_space<hbm>> -> memref<10240x64xf32, #tpu.memory_space<hbm>>
    %dma_start3A_52 = arith.constant 0 : i32
    %dma_start3A_53 = arith.constant 0 : i32
    %dma_start3A_54 = tpu.memref_slice %dma_start3A_51[%dma_start3A_52, %dma_start3A_53] : memref<10240x64xf32, #tpu.memory_space<hbm>> -> memref<10240x64xf32, #tpu.memory_space<hbm>>
    tpu.enqueue_indirect_dma source(%dma_start3A_54 : memref<10240x64xf32, #tpu.memory_space<hbm>>) target(%arg11 : memref<128x64xf32, #tpu.memory_space<vmem>>) offsets(%dma_start3A_47 : memref<128xi32, #tpu.memory_space<vmem>>) semaphore(%arg17 : memref<!tpu.dma_semaphore, #tpu.memory_space<semaphore_mem>>)
    %scan3A_55 = arith.constant 0 : i32
    %scan3A_56 = arith.constant 0 : i32
    %scan3A_57 = arith.constant 40 : i32
    %scan3A_58 = arith.addi %scan3A_56, %scan3A_57 : i32
    %scan3A_59 = arith.constant 1 : i32
    scf.for %scan3A_89 = %scan3A_56 to %scan3A_58 step %scan3A_59  : i32 {
      %mul3A_90 = arith.constant 4 : i32
      %mul3A_91 = arith.muli %mul3A_90, %scan3A_89 : i32
      %add3A = arith.constant 0 : i32
      %add3A_92 = arith.addi %mul3A_91, %add3A : i32
      %dma_wait3A_93 = arith.constant 0 : i32
      %dma_wait3A_94 = tpu.memref_slice %arg6[%add3A_92, %dma_wait3A_93] : memref<160x128xi32, #tpu.memory_space<vmem>> -> memref<1x128xi32, #tpu.memory_space<vmem>>
      %dma_wait3A_95 = tpu.memref_squeeze %dma_wait3A_94 : memref<1x128xi32, #tpu.memory_space<vmem>> -> memref<128xi32, #tpu.memory_space<vmem>>
      %dma_wait3A_96 = arith.constant 0 : i32
      %dma_wait3A_97 = arith.constant 0 : i32
      %dma_wait3A_98 = tpu.memref_slice %arg2[%arg0, %dma_wait3A_96, %dma_wait3A_97] : memref<2x10240x64xf32, #tpu.memory_space<hbm>> -> memref<1x10240x64xf32, #tpu.memory_space<hbm>>
      %dma_wait3A_99 = tpu.memref_squeeze %dma_wait3A_98 : memref<1x10240x64xf32, #tpu.memory_space<hbm>> -> memref<10240x64xf32, #tpu.memory_space<hbm>>
      %dma_wait3A_100 = arith.constant 0 : i32
      %dma_wait3A_101 = arith.constant 0 : i32
      %dma_wait3A_102 = tpu.memref_slice %dma_wait3A_99[%dma_wait3A_100, %dma_wait3A_101] : memref<10240x64xf32, #tpu.memory_space<hbm>> -> memref<10240x64xf32, #tpu.memory_space<hbm>>
      tpu.wait_indirect_dma semaphore(%arg14 : memref<!tpu.dma_semaphore, #tpu.memory_space<semaphore_mem>>) src(%dma_wait3A_102 : memref<10240x64xf32, #tpu.memory_space<hbm>>) dst(%arg8 : memref<128x64xf32, #tpu.memory_space<vmem>>)
      %dma_start3A_103 = arith.constant 0 : i32
      %dma_start3A_104 = tpu.memref_slice %arg7[%add3A_92, %dma_start3A_103] : memref<160x128xi32, #tpu.memory_space<vmem>> -> memref<1x128xi32, #tpu.memory_space<vmem>>
      %dma_start3A_105 = tpu.memref_squeeze %dma_start3A_104 : memref<1x128xi32, #tpu.memory_space<vmem>> -> memref<128xi32, #tpu.memory_space<vmem>>
      %dma_start3A_106 = arith.constant 0 : i32
      %dma_start3A_107 = arith.constant 0 : i32
      %dma_start3A_108 = tpu.memref_slice %arg13[%dma_start3A_106, %dma_start3A_107] : memref<10240x64xf32, #tpu.memory_space<vmem_shared>> -> memref<10240x64xf32, #tpu.memory_space<vmem_shared>>
      tpu.enqueue_indirect_dma source(%arg8 : memref<128x64xf32, #tpu.memory_space<vmem>>) target(%dma_start3A_108 : memref<10240x64xf32, #tpu.memory_space<vmem_shared>>) offsets(%dma_start3A_105 : memref<128xi32, #tpu.memory_space<vmem>>) semaphore(%arg18 : memref<!tpu.dma_semaphore, #tpu.memory_space<semaphore_mem>>) {add = true}
      %add3A_109 = arith.constant 1 : i32
      %add3A_110 = arith.addi %mul3A_91, %add3A_109 : i32
      %dma_wait3A_111 = arith.constant 0 : i32
      %dma_wait3A_112 = tpu.memref_slice %arg6[%add3A_110, %dma_wait3A_111] : memref<160x128xi32, #tpu.memory_space<vmem>> -> memref<1x128xi32, #tpu.memory_space<vmem>>
      %dma_wait3A_113 = tpu.memref_squeeze %dma_wait3A_112 : memref<1x128xi32, #tpu.memory_space<vmem>> -> memref<128xi32, #tpu.memory_space<vmem>>
      %dma_wait3A_114 = arith.constant 0 : i32
      %dma_wait3A_115 = arith.constant 0 : i32
      %dma_wait3A_116 = tpu.memref_slice %arg2[%arg0, %dma_wait3A_114, %dma_wait3A_115] : memref<2x10240x64xf32, #tpu.memory_space<hbm>> -> memref<1x10240x64xf32, #tpu.memory_space<hbm>>
      %dma_wait3A_117 = tpu.memref_squeeze %dma_wait3A_116 : memref<1x10240x64xf32, #tpu.memory_space<hbm>> -> memref<10240x64xf32, #tpu.memory_space<hbm>>
      %dma_wait3A_118 = arith.constant 0 : i32
      %dma_wait3A_119 = arith.constant 0 : i32
      %dma_wait3A_120 = tpu.memref_slice %dma_wait3A_117[%dma_wait3A_118, %dma_wait3A_119] : memref<10240x64xf32, #tpu.memory_space<hbm>> -> memref<10240x64xf32, #tpu.memory_space<hbm>>
      tpu.wait_indirect_dma semaphore(%arg15 : memref<!tpu.dma_semaphore, #tpu.memory_space<semaphore_mem>>) src(%dma_wait3A_120 : memref<10240x64xf32, #tpu.memory_space<hbm>>) dst(%arg9 : memref<128x64xf32, #tpu.memory_space<vmem>>)
      %dma_start3A_121 = arith.constant 0 : i32
      %dma_start3A_122 = tpu.memref_slice %arg7[%add3A_110, %dma_start3A_121] : memref<160x128xi32, #tpu.memory_space<vmem>> -> memref<1x128xi32, #tpu.memory_space<vmem>>
      %dma_start3A_123 = tpu.memref_squeeze %dma_start3A_122 : memref<1x128xi32, #tpu.memory_space<vmem>> -> memref<128xi32, #tpu.memory_space<vmem>>
      %dma_start3A_124 = arith.constant 0 : i32
      %dma_start3A_125 = arith.constant 0 : i32
      %dma_start3A_126 = tpu.memref_slice %arg13[%dma_start3A_124, %dma_start3A_125] : memref<10240x64xf32, #tpu.memory_space<vmem_shared>> -> memref<10240x64xf32, #tpu.memory_space<vmem_shared>>
      tpu.enqueue_indirect_dma source(%arg9 : memref<128x64xf32, #tpu.memory_space<vmem>>) target(%dma_start3A_126 : memref<10240x64xf32, #tpu.memory_space<vmem_shared>>) offsets(%dma_start3A_123 : memref<128xi32, #tpu.memory_space<vmem>>) semaphore(%arg19 : memref<!tpu.dma_semaphore, #tpu.memory_space<semaphore_mem>>) {add = true}
      %add3A_127 = arith.constant 2 : i32
      %add3A_128 = arith.addi %mul3A_91, %add3A_127 : i32
      %dma_wait3A_129 = arith.constant 0 : i32
      %dma_wait3A_130 = tpu.memref_slice %arg6[%add3A_128, %dma_wait3A_129] : memref<160x128xi32, #tpu.memory_space<vmem>> -> memref<1x128xi32, #tpu.memory_space<vmem>>
      %dma_wait3A_131 = tpu.memref_squeeze %dma_wait3A_130 : memref<1x128xi32, #tpu.memory_space<vmem>> -> memref<128xi32, #tpu.memory_space<vmem>>
      %dma_wait3A_132 = arith.constant 0 : i32
      %dma_wait3A_133 = arith.constant 0 : i32
      %dma_wait3A_134 = tpu.memref_slice %arg2[%arg0, %dma_wait3A_132, %dma_wait3A_133] : memref<2x10240x64xf32, #tpu.memory_space<hbm>> -> memref<1x10240x64xf32, #tpu.memory_space<hbm>>
      %dma_wait3A_135 = tpu.memref_squeeze %dma_wait3A_134 : memref<1x10240x64xf32, #tpu.memory_space<hbm>> -> memref<10240x64xf32, #tpu.memory_space<hbm>>
      %dma_wait3A_136 = arith.constant 0 : i32
      %dma_wait3A_137 = arith.constant 0 : i32
      %dma_wait3A_138 = tpu.memref_slice %dma_wait3A_135[%dma_wait3A_136, %dma_wait3A_137] : memref<10240x64xf32, #tpu.memory_space<hbm>> -> memref<10240x64xf32, #tpu.memory_space<hbm>>
      tpu.wait_indirect_dma semaphore(%arg16 : memref<!tpu.dma_semaphore, #tpu.memory_space<semaphore_mem>>) src(%dma_wait3A_138 : memref<10240x64xf32, #tpu.memory_space<hbm>>) dst(%arg10 : memref<128x64xf32, #tpu.memory_space<vmem>>)
      %dma_start3A_139 = arith.constant 0 : i32
      %dma_start3A_140 = tpu.memref_slice %arg7[%add3A_128, %dma_start3A_139] : memref<160x128xi32, #tpu.memory_space<vmem>> -> memref<1x128xi32, #tpu.memory_space<vmem>>
      %dma_start3A_141 = tpu.memref_squeeze %dma_start3A_140 : memref<1x128xi32, #tpu.memory_space<vmem>> -> memref<128xi32, #tpu.memory_space<vmem>>
      %dma_start3A_142 = arith.constant 0 : i32
      %dma_start3A_143 = arith.constant 0 : i32
      %dma_start3A_144 = tpu.memref_slice %arg13[%dma_start3A_142, %dma_start3A_143] : memref<10240x64xf32, #tpu.memory_space<vmem_shared>> -> memref<10240x64xf32, #tpu.memory_space<vmem_shared>>
      tpu.enqueue_indirect_dma source(%arg10 : memref<128x64xf32, #tpu.memory_space<vmem>>) target(%dma_start3A_144 : memref<10240x64xf32, #tpu.memory_space<vmem_shared>>) offsets(%dma_start3A_141 : memref<128xi32, #tpu.memory_space<vmem>>) semaphore(%arg20 : memref<!tpu.dma_semaphore, #tpu.memory_space<semaphore_mem>>) {add = true}
      %add3A_145 = arith.constant 3 : i32
      %add3A_146 = arith.addi %mul3A_91, %add3A_145 : i32
      %dma_wait3A_147 = arith.constant 0 : i32
      %dma_wait3A_148 = tpu.memref_slice %arg6[%add3A_146, %dma_wait3A_147] : memref<160x128xi32, #tpu.memory_space<vmem>> -> memref<1x128xi32, #tpu.memory_space<vmem>>
      %dma_wait3A_149 = tpu.memref_squeeze %dma_wait3A_148 : memref<1x128xi32, #tpu.memory_space<vmem>> -> memref<128xi32, #tpu.memory_space<vmem>>
      %dma_wait3A_150 = arith.constant 0 : i32
      %dma_wait3A_151 = arith.constant 0 : i32
      %dma_wait3A_152 = tpu.memref_slice %arg2[%arg0, %dma_wait3A_150, %dma_wait3A_151] : memref<2x10240x64xf32, #tpu.memory_space<hbm>> -> memref<1x10240x64xf32, #tpu.memory_space<hbm>>
      %dma_wait3A_153 = tpu.memref_squeeze %dma_wait3A_152 : memref<1x10240x64xf32, #tpu.memory_space<hbm>> -> memref<10240x64xf32, #tpu.memory_space<hbm>>
      %dma_wait3A_154 = arith.constant 0 : i32
      %dma_wait3A_155 = arith.constant 0 : i32
      %dma_wait3A_156 = tpu.memref_slice %dma_wait3A_153[%dma_wait3A_154, %dma_wait3A_155] : memref<10240x64xf32, #tpu.memory_space<hbm>> -> memref<10240x64xf32, #tpu.memory_space<hbm>>
      tpu.wait_indirect_dma semaphore(%arg17 : memref<!tpu.dma_semaphore, #tpu.memory_space<semaphore_mem>>) src(%dma_wait3A_156 : memref<10240x64xf32, #tpu.memory_space<hbm>>) dst(%arg11 : memref<128x64xf32, #tpu.memory_space<vmem>>)
      %dma_start3A_157 = arith.constant 0 : i32
      %dma_start3A_158 = tpu.memref_slice %arg7[%add3A_146, %dma_start3A_157] : memref<160x128xi32, #tpu.memory_space<vmem>> -> memref<1x128xi32, #tpu.memory_space<vmem>>
      %dma_start3A_159 = tpu.memref_squeeze %dma_start3A_158 : memref<1x128xi32, #tpu.memory_space<vmem>> -> memref<128xi32, #tpu.memory_space<vmem>>
      %dma_start3A_160 = arith.constant 0 : i32
      %dma_start3A_161 = arith.constant 0 : i32
      %dma_start3A_162 = tpu.memref_slice %arg13[%dma_start3A_160, %dma_start3A_161] : memref<10240x64xf32, #tpu.memory_space<vmem_shared>> -> memref<10240x64xf32, #tpu.memory_space<vmem_shared>>
      tpu.enqueue_indirect_dma source(%arg11 : memref<128x64xf32, #tpu.memory_space<vmem>>) target(%dma_start3A_162 : memref<10240x64xf32, #tpu.memory_space<vmem_shared>>) offsets(%dma_start3A_159 : memref<128xi32, #tpu.memory_space<vmem>>) semaphore(%arg21 : memref<!tpu.dma_semaphore, #tpu.memory_space<semaphore_mem>>) {add = true}
      %add3A_163 = arith.constant 0 : i32
      %add3A_164 = arith.addi %mul3A_91, %add3A_163 : i32
      %add3A_165 = arith.constant 4 : i32
      %add3A_166 = arith.addi %add3A_164, %add3A_165 : i32
      %lt3A = arith.constant 160 : i32
      %lt3A_167 = arith.cmpi slt, %add3A_166, %lt3A : i32
      %convert_element_type3A = arith.extui %lt3A_167 : i1 to i32
      %cond3A = arith.constant 0 : i32
      %cond3A_168 = arith.cmpi ne, %convert_element_type3A, %cond3A : i32
      scf.if %cond3A_168 {
        %dma_wait3A_196 = arith.constant 0 : i32
        %dma_wait3A_197 = tpu.memref_slice %arg7[%add3A_164, %dma_wait3A_196] : memref<160x128xi32, #tpu.memory_space<vmem>> -> memref<1x128xi32, #tpu.memory_space<vmem>>
        %dma_wait3A_198 = tpu.memref_squeeze %dma_wait3A_197 : memref<1x128xi32, #tpu.memory_space<vmem>> -> memref<128xi32, #tpu.memory_space<vmem>>
        %dma_wait3A_199 = arith.constant 0 : i32
        %dma_wait3A_200 = arith.constant 0 : i32
        %dma_wait3A_201 = tpu.memref_slice %arg13[%dma_wait3A_199, %dma_wait3A_200] : memref<10240x64xf32, #tpu.memory_space<vmem_shared>> -> memref<10240x64xf32, #tpu.memory_space<vmem_shared>>
        tpu.wait_indirect_dma semaphore(%arg18 : memref<!tpu.dma_semaphore, #tpu.memory_space<semaphore_mem>>) src(%arg8 : memref<128x64xf32, #tpu.memory_space<vmem>>) dst(%dma_wait3A_201 : memref<10240x64xf32, #tpu.memory_space<vmem_shared>>)
        %add3A_202 = arith.constant 4 : i32
        %add3A_203 = arith.addi %add3A_164, %add3A_202 : i32
        %dma_start3A_204 = arith.constant 0 : i32
        %dma_start3A_205 = tpu.memref_slice %arg6[%add3A_203, %dma_start3A_204] : memref<160x128xi32, #tpu.memory_space<vmem>> -> memref<1x128xi32, #tpu.memory_space<vmem>>
        %dma_start3A_206 = tpu.memref_squeeze %dma_start3A_205 : memref<1x128xi32, #tpu.memory_space<vmem>> -> memref<128xi32, #tpu.memory_space<vmem>>
        %dma_start3A_207 = arith.constant 0 : i32
        %dma_start3A_208 = arith.constant 0 : i32
        %dma_start3A_209 = tpu.memref_slice %arg2[%arg0, %dma_start3A_207, %dma_start3A_208] : memref<2x10240x64xf32, #tpu.memory_space<hbm>> -> memref<1x10240x64xf32, #tpu.memory_space<hbm>>
        %dma_start3A_210 = tpu.memref_squeeze %dma_start3A_209 : memref<1x10240x64xf32, #tpu.memory_space<hbm>> -> memref<10240x64xf32, #tpu.memory_space<hbm>>
        %dma_start3A_211 = arith.constant 0 : i32
        %dma_start3A_212 = arith.constant 0 : i32
        %dma_start3A_213 = tpu.memref_slice %dma_start3A_210[%dma_start3A_211, %dma_start3A_212] : memref<10240x64xf32, #tpu.memory_space<hbm>> -> memref<10240x64xf32, #tpu.memory_space<hbm>>
        tpu.enqueue_indirect_dma source(%dma_start3A_213 : memref<10240x64xf32, #tpu.memory_space<hbm>>) target(%arg8 : memref<128x64xf32, #tpu.memory_space<vmem>>) offsets(%dma_start3A_206 : memref<128xi32, #tpu.memory_space<vmem>>) semaphore(%arg14 : memref<!tpu.dma_semaphore, #tpu.memory_space<semaphore_mem>>)
      } else {
      }
      %add3A_169 = arith.constant 1 : i32
      %add3A_170 = arith.addi %mul3A_91, %add3A_169 : i32
      %add3A_171 = arith.constant 4 : i32
      %add3A_172 = arith.addi %add3A_170, %add3A_171 : i32
      %lt3A_173 = arith.constant 160 : i32
      %lt3A_174 = arith.cmpi slt, %add3A_172, %lt3A_173 : i32
      %convert_element_type3A_175 = arith.extui %lt3A_174 : i1 to i32
      %cond3A_176 = arith.constant 0 : i32
      %cond3A_177 = arith.cmpi ne, %convert_element_type3A_175, %cond3A_176 : i32
      scf.if %cond3A_177 {
        %dma_wait3A_196 = arith.constant 0 : i32
        %dma_wait3A_197 = tpu.memref_slice %arg7[%add3A_170, %dma_wait3A_196] : memref<160x128xi32, #tpu.memory_space<vmem>> -> memref<1x128xi32, #tpu.memory_space<vmem>>
        %dma_wait3A_198 = tpu.memref_squeeze %dma_wait3A_197 : memref<1x128xi32, #tpu.memory_space<vmem>> -> memref<128xi32, #tpu.memory_space<vmem>>
        %dma_wait3A_199 = arith.constant 0 : i32
        %dma_wait3A_200 = arith.constant 0 : i32
        %dma_wait3A_201 = tpu.memref_slice %arg13[%dma_wait3A_199, %dma_wait3A_200] : memref<10240x64xf32, #tpu.memory_space<vmem_shared>> -> memref<10240x64xf32, #tpu.memory_space<vmem_shared>>
        tpu.wait_indirect_dma semaphore(%arg19 : memref<!tpu.dma_semaphore, #tpu.memory_space<semaphore_mem>>) src(%arg9 : memref<128x64xf32, #tpu.memory_space<vmem>>) dst(%dma_wait3A_201 : memref<10240x64xf32, #tpu.memory_space<vmem_shared>>)
        %add3A_202 = arith.constant 4 : i32
        %add3A_203 = arith.addi %add3A_170, %add3A_202 : i32
        %dma_start3A_204 = arith.constant 0 : i32
        %dma_start3A_205 = tpu.memref_slice %arg6[%add3A_203, %dma_start3A_204] : memref<160x128xi32, #tpu.memory_space<vmem>> -> memref<1x128xi32, #tpu.memory_space<vmem>>
        %dma_start3A_206 = tpu.memref_squeeze %dma_start3A_205 : memref<1x128xi32, #tpu.memory_space<vmem>> -> memref<128xi32, #tpu.memory_space<vmem>>
        %dma_start3A_207 = arith.constant 0 : i32
        %dma_start3A_208 = arith.constant 0 : i32
        %dma_start3A_209 = tpu.memref_slice %arg2[%arg0, %dma_start3A_207, %dma_start3A_208] : memref<2x10240x64xf32, #tpu.memory_space<hbm>> -> memref<1x10240x64xf32, #tpu.memory_space<hbm>>
        %dma_start3A_210 = tpu.memref_squeeze %dma_start3A_209 : memref<1x10240x64xf32, #tpu.memory_space<hbm>> -> memref<10240x64xf32, #tpu.memory_space<hbm>>
        %dma_start3A_211 = arith.constant 0 : i32
        %dma_start3A_212 = arith.constant 0 : i32
        %dma_start3A_213 = tpu.memref_slice %dma_start3A_210[%dma_start3A_211, %dma_start3A_212] : memref<10240x64xf32, #tpu.memory_space<hbm>> -> memref<10240x64xf32, #tpu.memory_space<hbm>>
        tpu.enqueue_indirect_dma source(%dma_start3A_213 : memref<10240x64xf32, #tpu.memory_space<hbm>>) target(%arg9 : memref<128x64xf32, #tpu.memory_space<vmem>>) offsets(%dma_start3A_206 : memref<128xi32, #tpu.memory_space<vmem>>) semaphore(%arg15 : memref<!tpu.dma_semaphore, #tpu.memory_space<semaphore_mem>>)
      } else {
      }
      %add3A_178 = arith.constant 2 : i32
      %add3A_179 = arith.addi %mul3A_91, %add3A_178 : i32
      %add3A_180 = arith.constant 4 : i32
      %add3A_181 = arith.addi %add3A_179, %add3A_180 : i32
      %lt3A_182 = arith.constant 160 : i32
      %lt3A_183 = arith.cmpi slt, %add3A_181, %lt3A_182 : i32
      %convert_element_type3A_184 = arith.extui %lt3A_183 : i1 to i32
      %cond3A_185 = arith.constant 0 : i32
      %cond3A_186 = arith.cmpi ne, %convert_element_type3A_184, %cond3A_185 : i32
      scf.if %cond3A_186 {
        %dma_wait3A_196 = arith.constant 0 : i32
        %dma_wait3A_197 = tpu.memref_slice %arg7[%add3A_179, %dma_wait3A_196] : memref<160x128xi32, #tpu.memory_space<vmem>> -> memref<1x128xi32, #tpu.memory_space<vmem>>
        %dma_wait3A_198 = tpu.memref_squeeze %dma_wait3A_197 : memref<1x128xi32, #tpu.memory_space<vmem>> -> memref<128xi32, #tpu.memory_space<vmem>>
        %dma_wait3A_199 = arith.constant 0 : i32
        %dma_wait3A_200 = arith.constant 0 : i32
        %dma_wait3A_201 = tpu.memref_slice %arg13[%dma_wait3A_199, %dma_wait3A_200] : memref<10240x64xf32, #tpu.memory_space<vmem_shared>> -> memref<10240x64xf32, #tpu.memory_space<vmem_shared>>
        tpu.wait_indirect_dma semaphore(%arg20 : memref<!tpu.dma_semaphore, #tpu.memory_space<semaphore_mem>>) src(%arg10 : memref<128x64xf32, #tpu.memory_space<vmem>>) dst(%dma_wait3A_201 : memref<10240x64xf32, #tpu.memory_space<vmem_shared>>)
        %add3A_202 = arith.constant 4 : i32
        %add3A_203 = arith.addi %add3A_179, %add3A_202 : i32
        %dma_start3A_204 = arith.constant 0 : i32
        %dma_start3A_205 = tpu.memref_slice %arg6[%add3A_203, %dma_start3A_204] : memref<160x128xi32, #tpu.memory_space<vmem>> -> memref<1x128xi32, #tpu.memory_space<vmem>>
        %dma_start3A_206 = tpu.memref_squeeze %dma_start3A_205 : memref<1x128xi32, #tpu.memory_space<vmem>> -> memref<128xi32, #tpu.memory_space<vmem>>
        %dma_start3A_207 = arith.constant 0 : i32
        %dma_start3A_208 = arith.constant 0 : i32
        %dma_start3A_209 = tpu.memref_slice %arg2[%arg0, %dma_start3A_207, %dma_start3A_208] : memref<2x10240x64xf32, #tpu.memory_space<hbm>> -> memref<1x10240x64xf32, #tpu.memory_space<hbm>>
        %dma_start3A_210 = tpu.memref_squeeze %dma_start3A_209 : memref<1x10240x64xf32, #tpu.memory_space<hbm>> -> memref<10240x64xf32, #tpu.memory_space<hbm>>
        %dma_start3A_211 = arith.constant 0 : i32
        %dma_start3A_212 = arith.constant 0 : i32
        %dma_start3A_213 = tpu.memref_slice %dma_start3A_210[%dma_start3A_211, %dma_start3A_212] : memref<10240x64xf32, #tpu.memory_space<hbm>> -> memref<10240x64xf32, #tpu.memory_space<hbm>>
        tpu.enqueue_indirect_dma source(%dma_start3A_213 : memref<10240x64xf32, #tpu.memory_space<hbm>>) target(%arg10 : memref<128x64xf32, #tpu.memory_space<vmem>>) offsets(%dma_start3A_206 : memref<128xi32, #tpu.memory_space<vmem>>) semaphore(%arg16 : memref<!tpu.dma_semaphore, #tpu.memory_space<semaphore_mem>>)
      } else {
      }
      %add3A_187 = arith.constant 3 : i32
      %add3A_188 = arith.addi %mul3A_91, %add3A_187 : i32
      %add3A_189 = arith.constant 4 : i32
      %add3A_190 = arith.addi %add3A_188, %add3A_189 : i32
      %lt3A_191 = arith.constant 160 : i32
      %lt3A_192 = arith.cmpi slt, %add3A_190, %lt3A_191 : i32
      %convert_element_type3A_193 = arith.extui %lt3A_192 : i1 to i32
      %cond3A_194 = arith.constant 0 : i32
      %cond3A_195 = arith.cmpi ne, %convert_element_type3A_193, %cond3A_194 : i32
      scf.if %cond3A_195 {
        %dma_wait3A_196 = arith.constant 0 : i32
        %dma_wait3A_197 = tpu.memref_slice %arg7[%add3A_188, %dma_wait3A_196] : memref<160x128xi32, #tpu.memory_space<vmem>> -> memref<1x128xi32, #tpu.memory_space<vmem>>
        %dma_wait3A_198 = tpu.memref_squeeze %dma_wait3A_197 : memref<1x128xi32, #tpu.memory_space<vmem>> -> memref<128xi32, #tpu.memory_space<vmem>>
        %dma_wait3A_199 = arith.constant 0 : i32
        %dma_wait3A_200 = arith.constant 0 : i32
        %dma_wait3A_201 = tpu.memref_slice %arg13[%dma_wait3A_199, %dma_wait3A_200] : memref<10240x64xf32, #tpu.memory_space<vmem_shared>> -> memref<10240x64xf32, #tpu.memory_space<vmem_shared>>
        tpu.wait_indirect_dma semaphore(%arg21 : memref<!tpu.dma_semaphore, #tpu.memory_space<semaphore_mem>>) src(%arg11 : memref<128x64xf32, #tpu.memory_space<vmem>>) dst(%dma_wait3A_201 : memref<10240x64xf32, #tpu.memory_space<vmem_shared>>)
        %add3A_202 = arith.constant 4 : i32
        %add3A_203 = arith.addi %add3A_188, %add3A_202 : i32
        %dma_start3A_204 = arith.constant 0 : i32
        %dma_start3A_205 = tpu.memref_slice %arg6[%add3A_203, %dma_start3A_204] : memref<160x128xi32, #tpu.memory_space<vmem>> -> memref<1x128xi32, #tpu.memory_space<vmem>>
        %dma_start3A_206 = tpu.memref_squeeze %dma_start3A_205 : memref<1x128xi32, #tpu.memory_space<vmem>> -> memref<128xi32, #tpu.memory_space<vmem>>
        %dma_start3A_207 = arith.constant 0 : i32
        %dma_start3A_208 = arith.constant 0 : i32
        %dma_start3A_209 = tpu.memref_slice %arg2[%arg0, %dma_start3A_207, %dma_start3A_208] : memref<2x10240x64xf32, #tpu.memory_space<hbm>> -> memref<1x10240x64xf32, #tpu.memory_space<hbm>>
        %dma_start3A_210 = tpu.memref_squeeze %dma_start3A_209 : memref<1x10240x64xf32, #tpu.memory_space<hbm>> -> memref<10240x64xf32, #tpu.memory_space<hbm>>
        %dma_start3A_211 = arith.constant 0 : i32
        %dma_start3A_212 = arith.constant 0 : i32
        %dma_start3A_213 = tpu.memref_slice %dma_start3A_210[%dma_start3A_211, %dma_start3A_212] : memref<10240x64xf32, #tpu.memory_space<hbm>> -> memref<10240x64xf32, #tpu.memory_space<hbm>>
        tpu.enqueue_indirect_dma source(%dma_start3A_213 : memref<10240x64xf32, #tpu.memory_space<hbm>>) target(%arg11 : memref<128x64xf32, #tpu.memory_space<vmem>>) offsets(%dma_start3A_206 : memref<128xi32, #tpu.memory_space<vmem>>) semaphore(%arg17 : memref<!tpu.dma_semaphore, #tpu.memory_space<semaphore_mem>>)
      } else {
      }
    }
    %scan3A_60 = arith.constant 40 : i32
    %dma_wait3A = arith.constant 156 : i32
    %dma_wait3A_61 = arith.constant 0 : i32
    %dma_wait3A_62 = tpu.memref_slice %arg7[%dma_wait3A, %dma_wait3A_61] : memref<160x128xi32, #tpu.memory_space<vmem>> -> memref<1x128xi32, #tpu.memory_space<vmem>>
    %dma_wait3A_63 = tpu.memref_squeeze %dma_wait3A_62 : memref<1x128xi32, #tpu.memory_space<vmem>> -> memref<128xi32, #tpu.memory_space<vmem>>
    %dma_wait3A_64 = arith.constant 0 : i32
    %dma_wait3A_65 = arith.constant 0 : i32
    %dma_wait3A_66 = tpu.memref_slice %arg13[%dma_wait3A_64, %dma_wait3A_65] : memref<10240x64xf32, #tpu.memory_space<vmem_shared>> -> memref<10240x64xf32, #tpu.memory_space<vmem_shared>>
    tpu.wait_indirect_dma semaphore(%arg18 : memref<!tpu.dma_semaphore, #tpu.memory_space<semaphore_mem>>) src(%arg8 : memref<128x64xf32, #tpu.memory_space<vmem>>) dst(%dma_wait3A_66 : memref<10240x64xf32, #tpu.memory_space<vmem_shared>>)
    %dma_wait3A_67 = arith.constant 157 : i32
    %dma_wait3A_68 = arith.constant 0 : i32
    %dma_wait3A_69 = tpu.memref_slice %arg7[%dma_wait3A_67, %dma_wait3A_68] : memref<160x128xi32, #tpu.memory_space<vmem>> -> memref<1x128xi32, #tpu.memory_space<vmem>>
    %dma_wait3A_70 = tpu.memref_squeeze %dma_wait3A_69 : memref<1x128xi32, #tpu.memory_space<vmem>> -> memref<128xi32, #tpu.memory_space<vmem>>
    %dma_wait3A_71 = arith.constant 0 : i32
    %dma_wait3A_72 = arith.constant 0 : i32
    %dma_wait3A_73 = tpu.memref_slice %arg13[%dma_wait3A_71, %dma_wait3A_72] : memref<10240x64xf32, #tpu.memory_space<vmem_shared>> -> memref<10240x64xf32, #tpu.memory_space<vmem_shared>>
    tpu.wait_indirect_dma semaphore(%arg19 : memref<!tpu.dma_semaphore, #tpu.memory_space<semaphore_mem>>) src(%arg9 : memref<128x64xf32, #tpu.memory_space<vmem>>) dst(%dma_wait3A_73 : memref<10240x64xf32, #tpu.memory_space<vmem_shared>>)
    %dma_wait3A_74 = arith.constant 158 : i32
    %dma_wait3A_75 = arith.constant 0 : i32
    %dma_wait3A_76 = tpu.memref_slice %arg7[%dma_wait3A_74, %dma_wait3A_75] : memref<160x128xi32, #tpu.memory_space<vmem>> -> memref<1x128xi32, #tpu.memory_space<vmem>>
    %dma_wait3A_77 = tpu.memref_squeeze %dma_wait3A_76 : memref<1x128xi32, #tpu.memory_space<vmem>> -> memref<128xi32, #tpu.memory_space<vmem>>
    %dma_wait3A_78 = arith.constant 0 : i32
    %dma_wait3A_79 = arith.constant 0 : i32
    %dma_wait3A_80 = tpu.memref_slice %arg13[%dma_wait3A_78, %dma_wait3A_79] : memref<10240x64xf32, #tpu.memory_space<vmem_shared>> -> memref<10240x64xf32, #tpu.memory_space<vmem_shared>>
    tpu.wait_indirect_dma semaphore(%arg20 : memref<!tpu.dma_semaphore, #tpu.memory_space<semaphore_mem>>) src(%arg10 : memref<128x64xf32, #tpu.memory_space<vmem>>) dst(%dma_wait3A_80 : memref<10240x64xf32, #tpu.memory_space<vmem_shared>>)
    %dma_wait3A_81 = arith.constant 159 : i32
    %dma_wait3A_82 = arith.constant 0 : i32
    %dma_wait3A_83 = tpu.memref_slice %arg7[%dma_wait3A_81, %dma_wait3A_82] : memref<160x128xi32, #tpu.memory_space<vmem>> -> memref<1x128xi32, #tpu.memory_space<vmem>>
    %dma_wait3A_84 = tpu.memref_squeeze %dma_wait3A_83 : memref<1x128xi32, #tpu.memory_space<vmem>> -> memref<128xi32, #tpu.memory_space<vmem>>
    %dma_wait3A_85 = arith.constant 0 : i32
    %dma_wait3A_86 = arith.constant 0 : i32
    %dma_wait3A_87 = tpu.memref_slice %arg13[%dma_wait3A_85, %dma_wait3A_86] : memref<10240x64xf32, #tpu.memory_space<vmem_shared>> -> memref<10240x64xf32, #tpu.memory_space<vmem_shared>>
    tpu.wait_indirect_dma semaphore(%arg21 : memref<!tpu.dma_semaphore, #tpu.memory_space<semaphore_mem>>) src(%arg11 : memref<128x64xf32, #tpu.memory_space<vmem>>) dst(%dma_wait3A_87 : memref<10240x64xf32, #tpu.memory_space<vmem_shared>>)
    %barrier3A_88 = arith.constant 0 : index
    tpu.barrier barrier_id(%barrier3A_88)
    "tpu.region"() ({
      %run_scoped3A = tpu.sem_alloc : memref<!tpu.dma_semaphore, #tpu.memory_space<semaphore_mem>>
      %dma_start3A_89 = arith.constant 0 : i32
      %dma_start3A_90 = tpu.memref_slice %arg5[%arg0, %mul3A_5, %dma_start3A_89] : memref<2x10240x64xf32, #tpu.memory_space<hbm>> -> memref<1x640x64xf32, #tpu.memory_space<hbm>>
      %dma_start3A_91 = tpu.memref_squeeze %dma_start3A_90 : memref<1x640x64xf32, #tpu.memory_space<hbm>> -> memref<640x64xf32, #tpu.memory_space<hbm>>
      %dma_start3A_92 = arith.constant 0 : i32
      %dma_start3A_93 = tpu.memref_slice %arg13[%mul3A_5, %dma_start3A_92] : memref<10240x64xf32, #tpu.memory_space<vmem_shared>> -> memref<640x64xf32, #tpu.memory_space<vmem_shared>>
      tpu.enqueue_dma source(%dma_start3A_93 : memref<640x64xf32, #tpu.memory_space<vmem_shared>>) target(%dma_start3A_91 : memref<640x64xf32, #tpu.memory_space<hbm>>) target_semaphore(%run_scoped3A : memref<!tpu.dma_semaphore, #tpu.memory_space<semaphore_mem>>)
      %dma_wait3A_94 = arith.constant 0 : i32
      %dma_wait3A_95 = tpu.memref_slice %arg5[%arg0, %mul3A_5, %dma_wait3A_94] : memref<2x10240x64xf32, #tpu.memory_space<hbm>> -> memref<1x640x64xf32, #tpu.memory_space<hbm>>
      %dma_wait3A_96 = tpu.memref_squeeze %dma_wait3A_95 : memref<1x640x64xf32, #tpu.memory_space<hbm>> -> memref<640x64xf32, #tpu.memory_space<hbm>>
      %dma_wait3A_97 = arith.constant 0 : i32
      %dma_wait3A_98 = tpu.memref_slice %arg13[%mul3A_5, %dma_wait3A_97] : memref<10240x64xf32, #tpu.memory_space<vmem_shared>> -> memref<640x64xf32, #tpu.memory_space<vmem_shared>>
      tpu.wait_dma2 semaphore(%run_scoped3A : memref<!tpu.dma_semaphore, #tpu.memory_space<semaphore_mem>>) src(%dma_wait3A_98 : memref<640x64xf32, #tpu.memory_space<vmem_shared>>) dst(%dma_wait3A_96 : memref<640x64xf32, #tpu.memory_space<hbm>>)
      tpu.yield
    }) : () -> ()
    return
  }
}

module attributes {stable_mosaic.version = 14 : i64} {
  func.func @body(%arg0: memref<10240x128xf32, #tpu.memory_space<vmem>>, %arg1: memref<10240x4xf32, #tpu.memory_space<vmem>>, %arg2: memref<2x5120x128xf32, #tpu.memory_space<vmem>>, %arg3: memref<10240x2xf32, #tpu.memory_space<vmem>>) attributes {dimension_semantics = [], scalar_prefetch = 0 : i64, scratch_operands = 0 : i64, tpu.core_type = #tpu.core_type<tc>} {
    %get3A = arith.constant 0 : index
    %get3A_0 = arith.constant 0 : index
    %get3A_1 = vector.load %arg1[%get3A, %get3A_0] : memref<10240x4xf32, #tpu.memory_space<vmem>>, vector<10240x1xf32>
    %get3A_2 = arith.constant 0 : index
    %get3A_3 = arith.constant 2 : index
    %get3A_4 = vector.load %arg1[%get3A_2, %get3A_3] : memref<10240x4xf32, #tpu.memory_space<vmem>>, vector<10240x1xf32>
    %add3A = arith.addf %get3A_1, %get3A_4 : vector<10240x1xf32>
    %get3A_5 = arith.constant 0 : index
    %get3A_6 = arith.constant 1 : index
    %get3A_7 = vector.load %arg1[%get3A_5, %get3A_6] : memref<10240x4xf32, #tpu.memory_space<vmem>>, vector<10240x1xf32>
    %get3A_8 = arith.constant 0 : index
    %get3A_9 = arith.constant 3 : index
    %get3A_10 = vector.load %arg1[%get3A_8, %get3A_9] : memref<10240x4xf32, #tpu.memory_space<vmem>>, vector<10240x1xf32>
    %add3A_11 = arith.addf %get3A_7, %get3A_10 : vector<10240x1xf32>
    %max3A = arith.constant 1.000000e+00 : f32
    %max3A_12 = vector.broadcast %max3A : f32 to vector<10240x1xf32>
    %max3A_13 = arith.maximumf %add3A, %max3A_12 : vector<10240x1xf32>
    %rsqrt3A = math.rsqrt %max3A_13 : vector<10240x1xf32>
    %max3A_14 = arith.constant 1.000000e+00 : f32
    %max3A_15 = vector.broadcast %max3A_14 : f32 to vector<10240x1xf32>
    %max3A_16 = arith.maximumf %add3A_11, %max3A_15 : vector<10240x1xf32>
    %rsqrt3A_17 = math.rsqrt %max3A_16 : vector<10240x1xf32>
    %concatenate3A = tpu.concatenate %rsqrt3A, %rsqrt3A_17 in 1 : vector<10240x1xf32>, vector<10240x1xf32> -> vector<10240x2xf32>
    %swap3A = arith.constant 0 : index
    %swap3A_18 = arith.constant 0 : index
    %swap3A_19 = vector.load %arg3[%swap3A, %swap3A_18] : memref<10240x2xf32, #tpu.memory_space<vmem>>, vector<10240x2xf32>
    tpu.vector_store %arg3[%swap3A, %swap3A_18], %concatenate3A {strides = array<i32>} : memref<10240x2xf32, #tpu.memory_space<vmem>>, vector<10240x2xf32>,
    %get3A_20 = arith.constant 0 : index
    %get3A_21 = arith.constant 0 : index
    %get3A_22 = vector.load %arg0[%get3A_20, %get3A_21] : memref<10240x128xf32, #tpu.memory_space<vmem>>, vector<10240x128xf32>
    %mul3A = vector.broadcast %rsqrt3A : vector<10240x1xf32> to vector<10240x128xf32>
    %mul3A_23 = arith.mulf %get3A_22, %mul3A : vector<10240x128xf32>
    %slice3A = vector.extract_strided_slice %mul3A_23 {offsets = [0, 0], sizes = [5120, 128], strides = [1, 1]} : vector<10240x128xf32> to vector<5120x128xf32>
    %slice3A_24 = vector.extract_strided_slice %mul3A_23 {offsets = [5120, 0], sizes = [5120, 128], strides = [1, 1]} : vector<10240x128xf32> to vector<5120x128xf32>
    %slice3A_25 = vector.extract_strided_slice %slice3A {offsets = [0, 0], sizes = [5120, 64], strides = [1, 1]} : vector<5120x128xf32> to vector<5120x64xf32>
    %slice3A_26 = vector.extract_strided_slice %slice3A_24 {offsets = [0, 0], sizes = [5120, 64], strides = [1, 1]} : vector<5120x128xf32> to vector<5120x64xf32>
    %concatenate3A_27 = tpu.concatenate %slice3A_25, %slice3A_26 in 1 : vector<5120x64xf32>, vector<5120x64xf32> -> vector<5120x128xf32>
    %swap3A_28 = arith.constant 0 : index
    %swap3A_29 = arith.constant 0 : index
    %swap3A_30 = arith.constant 0 : index
    %swap3A_31 = vector.load %arg2[%swap3A_28, %swap3A_29, %swap3A_30] : memref<2x5120x128xf32, #tpu.memory_space<vmem>>, vector<1x5120x128xf32>
    %swap3A_32 = vector.shape_cast %swap3A_31 : vector<1x5120x128xf32> to vector<5120x128xf32>
    %swap3A_33 = vector.shape_cast %concatenate3A_27 : vector<5120x128xf32> to vector<1x5120x128xf32>
    tpu.vector_store %arg2[%swap3A_28, %swap3A_29, %swap3A_30], %swap3A_33 {strides = array<i32>} : memref<2x5120x128xf32, #tpu.memory_space<vmem>>, vector<1x5120x128xf32>,
    %slice3A_34 = vector.extract_strided_slice %slice3A {offsets = [0, 64], sizes = [5120, 64], strides = [1, 1]} : vector<5120x128xf32> to vector<5120x64xf32>
    %slice3A_35 = vector.extract_strided_slice %slice3A_24 {offsets = [0, 64], sizes = [5120, 64], strides = [1, 1]} : vector<5120x128xf32> to vector<5120x64xf32>
    %concatenate3A_36 = tpu.concatenate %slice3A_34, %slice3A_35 in 1 : vector<5120x64xf32>, vector<5120x64xf32> -> vector<5120x128xf32>
    %swap3A_37 = arith.constant 1 : index
    %swap3A_38 = arith.constant 0 : index
    %swap3A_39 = arith.constant 0 : index
    %swap3A_40 = vector.load %arg2[%swap3A_37, %swap3A_38, %swap3A_39] : memref<2x5120x128xf32, #tpu.memory_space<vmem>>, vector<1x5120x128xf32>
    %swap3A_41 = vector.shape_cast %swap3A_40 : vector<1x5120x128xf32> to vector<5120x128xf32>
    %swap3A_42 = vector.shape_cast %concatenate3A_36 : vector<5120x128xf32> to vector<1x5120x128xf32>
    tpu.vector_store %arg2[%swap3A_37, %swap3A_38, %swap3A_39], %swap3A_42 {strides = array<i32>} : memref<2x5120x128xf32, #tpu.memory_space<vmem>>, vector<1x5120x128xf32>,
    return
  }
}

module attributes {stable_mosaic.version = 14 : i64} {
  func.func @body(%arg0: memref<2x5120x128xf32, #tpu.memory_space<vmem>>, %arg1: memref<10240x2xf32, #tpu.memory_space<vmem>>, %arg2: memref<128x128xf32, #tpu.memory_space<vmem>>, %arg3: memref<1x128xf32, #tpu.memory_space<vmem>>, %arg4: memref<1x1xf32, #tpu.memory_space<vmem>>, %arg5: memref<1x128xf32, #tpu.memory_space<vmem>>, %arg6: memref<1x128xf32, #tpu.memory_space<vmem>>, %arg7: memref<1x1xf32, #tpu.memory_space<vmem>>, %arg8: memref<1x128xf32, #tpu.memory_space<vmem>>, %arg9: memref<2x5120x128xf32, #tpu.memory_space<vmem>>, %arg10: memref<1x128xf32, #tpu.memory_space<vmem>>) attributes {dimension_semantics = [], scalar_prefetch = 0 : i64, scratch_operands = 0 : i64, tpu.core_type = #tpu.core_type<tc>} {
    %get3A = arith.constant 0 : index
    %get3A_0 = arith.constant 0 : index
    %get3A_1 = arith.constant 0 : index
    %get3A_2 = vector.load %arg0[%get3A, %get3A_0, %get3A_1] : memref<2x5120x128xf32, #tpu.memory_space<vmem>>, vector<2x5120x128xf32>
    %slice3A = vector.extract_strided_slice %get3A_2 {offsets = [0, 0, 0], sizes = [1, 5120, 64], strides = [1, 1, 1]} : vector<2x5120x128xf32> to vector<1x5120x64xf32>
    %squeeze3A = vector.shape_cast %slice3A : vector<1x5120x64xf32> to vector<5120x64xf32>
    %slice3A_3 = vector.extract_strided_slice %get3A_2 {offsets = [1, 0, 0], sizes = [1, 5120, 64], strides = [1, 1, 1]} : vector<2x5120x128xf32> to vector<1x5120x64xf32>
    %squeeze3A_4 = vector.shape_cast %slice3A_3 : vector<1x5120x64xf32> to vector<5120x64xf32>
    %concatenate3A = tpu.concatenate %squeeze3A, %squeeze3A_4 in 1 : vector<5120x64xf32>, vector<5120x64xf32> -> vector<5120x128xf32>
    %slice3A_5 = vector.extract_strided_slice %get3A_2 {offsets = [0, 0, 64], sizes = [1, 5120, 64], strides = [1, 1, 1]} : vector<2x5120x128xf32> to vector<1x5120x64xf32>
    %squeeze3A_6 = vector.shape_cast %slice3A_5 : vector<1x5120x64xf32> to vector<5120x64xf32>
    %slice3A_7 = vector.extract_strided_slice %get3A_2 {offsets = [1, 0, 64], sizes = [1, 5120, 64], strides = [1, 1, 1]} : vector<2x5120x128xf32> to vector<1x5120x64xf32>
    %squeeze3A_8 = vector.shape_cast %slice3A_7 : vector<1x5120x64xf32> to vector<5120x64xf32>
    %concatenate3A_9 = tpu.concatenate %squeeze3A_6, %squeeze3A_8 in 1 : vector<5120x64xf32>, vector<5120x64xf32> -> vector<5120x128xf32>
    %concatenate3A_10 = tpu.concatenate %concatenate3A, %concatenate3A_9 in 0 : vector<5120x128xf32>, vector<5120x128xf32> -> vector<10240x128xf32>
    %get3A_11 = arith.constant 0 : index
    %get3A_12 = arith.constant 1 : index
    %get3A_13 = vector.load %arg1[%get3A_11, %get3A_12] : memref<10240x2xf32, #tpu.memory_space<vmem>>, vector<10240x1xf32>
    %mul3A = vector.broadcast %get3A_13 : vector<10240x1xf32> to vector<10240x128xf32>
    %mul3A_14 = arith.mulf %concatenate3A_10, %mul3A : vector<10240x128xf32>
    %get3A_15 = arith.constant 0 : index
    %get3A_16 = arith.constant 0 : index
    %get3A_17 = vector.load %arg2[%get3A_15, %get3A_16] : memref<128x128xf32, #tpu.memory_space<vmem>>, vector<128x128xf32>
    %dot_general3A = arith.constant dense<0.000000e+00> : vector<10240x128xf32>
    %dot_general3A_18 = tpu.matmul %mul3A_14, %get3A_17, %dot_general3A {dimension_numbers = #tpu.dot_dimension_numbers<[1], [0], [0], [1], [0, 0, 1, 1], [], []>, transpose_lhs_hint = false} : vector<10240x128xf32>, vector<128x128xf32>, vector<10240x128xf32> -> vector<10240x128xf32>
    %get3A_19 = arith.constant 0 : index
    %get3A_20 = arith.constant 0 : index
    %get3A_21 = vector.load %arg3[%get3A_19, %get3A_20] : memref<1x128xf32, #tpu.memory_space<vmem>>, vector<1x128xf32>
    %add3A = vector.broadcast %get3A_21 : vector<1x128xf32> to vector<10240x128xf32>
    %add3A_22 = arith.addf %dot_general3A_18, %add3A : vector<10240x128xf32>
    %get3A_23 = arith.constant 0 : index
    %get3A_24 = arith.constant 0 : index
    %get3A_25 = vector.load %arg4[%get3A_23, %get3A_24] : memref<1x1xf32, #tpu.memory_space<vmem>>, vector<1x1xf32>
    %get3A_26 = vector.extract %get3A_25[0, 0] : f32 from vector<1x1xf32>
    %ge3A = arith.constant 0.000000e+00 : f32
    %ge3A_27 = vector.broadcast %ge3A : f32 to vector<10240x128xf32>
    %ge3A_28 = arith.cmpf oge, %add3A_22, %ge3A_27 : vector<10240x128xf32>
    %mul3A_29 = vector.broadcast %get3A_26 : f32 to vector<10240x128xf32>
    %mul3A_30 = arith.mulf %mul3A_29, %add3A_22 : vector<10240x128xf32>
    %select_n3A = arith.select %ge3A_28, %add3A_22, %mul3A_30 : vector<10240x128xi1>, vector<10240x128xf32>
    %iota3A = tpu.iota {dimensions = array<i32: 0>} : vector<10240x1xi32>
    %lt3A = arith.constant 10000 : i32
    %lt3A_31 = vector.broadcast %lt3A : i32 to vector<10240x1xi32>
    %lt3A_32 = arith.cmpi slt, %iota3A, %lt3A_31 : vector<10240x1xi32>
    %convert_element_type3A = arith.extui %lt3A_32 : vector<10240x1xi1> to vector<10240x1xi32>
    %convert_element_type3A_33 = arith.sitofp %convert_element_type3A : vector<10240x1xi32> to vector<10240x1xf32>
    %mul3A_34 = vector.broadcast %convert_element_type3A_33 : vector<10240x1xf32> to vector<10240x128xf32>
    %mul3A_35 = arith.mulf %select_n3A, %mul3A_34 : vector<10240x128xf32>
    %reduce_sum3A = arith.constant dense<0.000000e+00> : vector<128xf32>
    %reduce_sum3A_36 = vector.multi_reduction <add>, %mul3A_35, %reduce_sum3A [0] : vector<10240x128xf32> to vector<128xf32>
    %broadcast_in_dim3A = vector.shape_cast %reduce_sum3A_36 : vector<128xf32> to vector<1x128xf32>
    %mul3A_37 = arith.constant 9.99999974E-5 : f32
    %mul3A_38 = vector.broadcast %mul3A_37 : f32 to vector<1x128xf32>
    %mul3A_39 = arith.mulf %broadcast_in_dim3A, %mul3A_38 : vector<1x128xf32>
    %mul3A_40 = arith.mulf %mul3A_35, %mul3A_35 : vector<10240x128xf32>
    %reduce_sum3A_41 = arith.constant dense<0.000000e+00> : vector<128xf32>
    %reduce_sum3A_42 = vector.multi_reduction <add>, %mul3A_40, %reduce_sum3A_41 [0] : vector<10240x128xf32> to vector<128xf32>
    %broadcast_in_dim3A_43 = vector.shape_cast %reduce_sum3A_42 : vector<128xf32> to vector<1x128xf32>
    %mul3A_44 = arith.constant 9.99999974E-5 : f32
    %mul3A_45 = vector.broadcast %mul3A_44 : f32 to vector<1x128xf32>
    %mul3A_46 = arith.mulf %broadcast_in_dim3A_43, %mul3A_45 : vector<1x128xf32>
    %mul3A_47 = arith.mulf %mul3A_39, %mul3A_39 : vector<1x128xf32>
    %sub3A = arith.subf %mul3A_46, %mul3A_47 : vector<1x128xf32>
    %sub3A_48 = vector.broadcast %mul3A_39 : vector<1x128xf32> to vector<10240x128xf32>
    %sub3A_49 = arith.subf %select_n3A, %sub3A_48 : vector<10240x128xf32>
    %add3A_50 = arith.constant 9.99999974E-6 : f32
    %add3A_51 = vector.broadcast %add3A_50 : f32 to vector<1x128xf32>
    %add3A_52 = arith.addf %sub3A, %add3A_51 : vector<1x128xf32>
    %rsqrt3A = math.rsqrt %add3A_52 : vector<1x128xf32>
    %mul3A_53 = vector.broadcast %rsqrt3A : vector<1x128xf32> to vector<10240x128xf32>
    %mul3A_54 = arith.mulf %sub3A_49, %mul3A_53 : vector<10240x128xf32>
    %get3A_55 = arith.constant 0 : index
    %get3A_56 = arith.constant 0 : index
    %get3A_57 = vector.load %arg5[%get3A_55, %get3A_56] : memref<1x128xf32, #tpu.memory_space<vmem>>, vector<1x128xf32>
    %mul3A_58 = vector.broadcast %get3A_57 : vector<1x128xf32> to vector<10240x128xf32>
    %mul3A_59 = arith.mulf %mul3A_54, %mul3A_58 : vector<10240x128xf32>
    %get3A_60 = arith.constant 0 : index
    %get3A_61 = arith.constant 0 : index
    %get3A_62 = vector.load %arg6[%get3A_60, %get3A_61] : memref<1x128xf32, #tpu.memory_space<vmem>>, vector<1x128xf32>
    %add3A_63 = vector.broadcast %get3A_62 : vector<1x128xf32> to vector<10240x128xf32>
    %add3A_64 = arith.addf %mul3A_59, %add3A_63 : vector<10240x128xf32>
    %get3A_65 = arith.constant 0 : index
    %get3A_66 = arith.constant 0 : index
    %get3A_67 = vector.load %arg7[%get3A_65, %get3A_66] : memref<1x1xf32, #tpu.memory_space<vmem>>, vector<1x1xf32>
    %get3A_68 = vector.extract %get3A_67[0, 0] : f32 from vector<1x1xf32>
    %ge3A_69 = arith.constant 0.000000e+00 : f32
    %ge3A_70 = vector.broadcast %ge3A_69 : f32 to vector<10240x128xf32>
    %ge3A_71 = arith.cmpf oge, %add3A_64, %ge3A_70 : vector<10240x128xf32>
    %mul3A_72 = vector.broadcast %get3A_68 : f32 to vector<10240x128xf32>
    %mul3A_73 = arith.mulf %mul3A_72, %add3A_64 : vector<10240x128xf32>
    %select_n3A_74 = arith.select %ge3A_71, %add3A_64, %mul3A_73 : vector<10240x128xi1>, vector<10240x128xf32>
    %mul3A_75 = vector.broadcast %convert_element_type3A_33 : vector<10240x1xf32> to vector<10240x128xf32>
    %mul3A_76 = arith.mulf %select_n3A_74, %mul3A_75 : vector<10240x128xf32>
    %get3A_77 = arith.constant 0 : index
    %get3A_78 = arith.constant 0 : index
    %get3A_79 = vector.load %arg8[%get3A_77, %get3A_78] : memref<1x128xf32, #tpu.memory_space<vmem>>, vector<1x128xf32>
    %reduce_sum3A_80 = arith.constant dense<0.000000e+00> : vector<128xf32>
    %reduce_sum3A_81 = vector.multi_reduction <add>, %mul3A_76, %reduce_sum3A_80 [0] : vector<10240x128xf32> to vector<128xf32>
    %broadcast_in_dim3A_82 = vector.shape_cast %reduce_sum3A_81 : vector<128xf32> to vector<1x128xf32>
    %add3A_83 = arith.addf %get3A_79, %broadcast_in_dim3A_82 : vector<1x128xf32>
    %swap3A = arith.constant 0 : index
    %swap3A_84 = arith.constant 0 : index
    %swap3A_85 = vector.load %arg10[%swap3A, %swap3A_84] : memref<1x128xf32, #tpu.memory_space<vmem>>, vector<1x128xf32>
    tpu.vector_store %arg10[%swap3A, %swap3A_84], %add3A_83 {strides = array<i32>} : memref<1x128xf32, #tpu.memory_space<vmem>>, vector<1x128xf32>,
    %get3A_86 = arith.constant 0 : index
    %get3A_87 = arith.constant 0 : index
    %get3A_88 = vector.load %arg1[%get3A_86, %get3A_87] : memref<10240x2xf32, #tpu.memory_space<vmem>>, vector<10240x1xf32>
    %mul3A_89 = vector.broadcast %get3A_88 : vector<10240x1xf32> to vector<10240x128xf32>
    %mul3A_90 = arith.mulf %mul3A_76, %mul3A_89 : vector<10240x128xf32>
    %slice3A_91 = vector.extract_strided_slice %mul3A_90 {offsets = [0, 0], sizes = [5120, 128], strides = [1, 1]} : vector<10240x128xf32> to vector<5120x128xf32>
    %slice3A_92 = vector.extract_strided_slice %mul3A_90 {offsets = [5120, 0], sizes = [5120, 128], strides = [1, 1]} : vector<10240x128xf32> to vector<5120x128xf32>
    %slice3A_93 = vector.extract_strided_slice %slice3A_91 {offsets = [0, 0], sizes = [5120, 64], strides = [1, 1]} : vector<5120x128xf32> to vector<5120x64xf32>
    %slice3A_94 = vector.extract_strided_slice %slice3A_92 {offsets = [0, 0], sizes = [5120, 64], strides = [1, 1]} : vector<5120x128xf32> to vector<5120x64xf32>
    %concatenate3A_95 = tpu.concatenate %slice3A_93, %slice3A_94 in 1 : vector<5120x64xf32>, vector<5120x64xf32> -> vector<5120x128xf32>
    %swap3A_96 = arith.constant 0 : index
    %swap3A_97 = arith.constant 0 : index
    %swap3A_98 = arith.constant 0 : index
    %swap3A_99 = vector.load %arg9[%swap3A_96, %swap3A_97, %swap3A_98] : memref<2x5120x128xf32, #tpu.memory_space<vmem>>, vector<1x5120x128xf32>
    %swap3A_100 = vector.shape_cast %swap3A_99 : vector<1x5120x128xf32> to vector<5120x128xf32>
    %swap3A_101 = vector.shape_cast %concatenate3A_95 : vector<5120x128xf32> to vector<1x5120x128xf32>
    tpu.vector_store %arg9[%swap3A_96, %swap3A_97, %swap3A_98], %swap3A_101 {strides = array<i32>} : memref<2x5120x128xf32, #tpu.memory_space<vmem>>, vector<1x5120x128xf32>,
    %slice3A_102 = vector.extract_strided_slice %slice3A_91 {offsets = [0, 64], sizes = [5120, 64], strides = [1, 1]} : vector<5120x128xf32> to vector<5120x64xf32>
    %slice3A_103 = vector.extract_strided_slice %slice3A_92 {offsets = [0, 64], sizes = [5120, 64], strides = [1, 1]} : vector<5120x128xf32> to vector<5120x64xf32>
    %concatenate3A_104 = tpu.concatenate %slice3A_102, %slice3A_103 in 1 : vector<5120x64xf32>, vector<5120x64xf32> -> vector<5120x128xf32>
    %swap3A_105 = arith.constant 1 : index
    %swap3A_106 = arith.constant 0 : index
    %swap3A_107 = arith.constant 0 : index
    %swap3A_108 = vector.load %arg9[%swap3A_105, %swap3A_106, %swap3A_107] : memref<2x5120x128xf32, #tpu.memory_space<vmem>>, vector<1x5120x128xf32>
    %swap3A_109 = vector.shape_cast %swap3A_108 : vector<1x5120x128xf32> to vector<5120x128xf32>
    %swap3A_110 = vector.shape_cast %concatenate3A_104 : vector<5120x128xf32> to vector<1x5120x128xf32>
    tpu.vector_store %arg9[%swap3A_105, %swap3A_106, %swap3A_107], %swap3A_110 {strides = array<i32>} : memref<2x5120x128xf32, #tpu.memory_space<vmem>>, vector<1x5120x128xf32>,
    return
  }
}

module attributes {stable_mosaic.version = 14 : i64} {
  func.func @body(%arg0: memref<2x5120x128xf32, #tpu.memory_space<vmem>>, %arg1: memref<10240x2xf32, #tpu.memory_space<vmem>>, %arg2: memref<128x128xf32, #tpu.memory_space<vmem>>, %arg3: memref<1x128xf32, #tpu.memory_space<vmem>>, %arg4: memref<1x1xf32, #tpu.memory_space<vmem>>, %arg5: memref<1x128xf32, #tpu.memory_space<vmem>>, %arg6: memref<1x128xf32, #tpu.memory_space<vmem>>, %arg7: memref<1x1xf32, #tpu.memory_space<vmem>>, %arg8: memref<1x128xf32, #tpu.memory_space<vmem>>, %arg9: memref<10000x128xf32, #tpu.memory_space<vmem>>, %arg10: memref<1x128xf32, #tpu.memory_space<vmem>>) attributes {dimension_semantics = [], scalar_prefetch = 0 : i64, scratch_operands = 0 : i64, tpu.core_type = #tpu.core_type<tc>} {
    %get3A = arith.constant 0 : index
    %get3A_0 = arith.constant 0 : index
    %get3A_1 = arith.constant 0 : index
    %get3A_2 = vector.load %arg0[%get3A, %get3A_0, %get3A_1] : memref<2x5120x128xf32, #tpu.memory_space<vmem>>, vector<2x5120x128xf32>
    %slice3A = vector.extract_strided_slice %get3A_2 {offsets = [0, 0, 0], sizes = [1, 5120, 64], strides = [1, 1, 1]} : vector<2x5120x128xf32> to vector<1x5120x64xf32>
    %squeeze3A = vector.shape_cast %slice3A : vector<1x5120x64xf32> to vector<5120x64xf32>
    %slice3A_3 = vector.extract_strided_slice %get3A_2 {offsets = [1, 0, 0], sizes = [1, 5120, 64], strides = [1, 1, 1]} : vector<2x5120x128xf32> to vector<1x5120x64xf32>
    %squeeze3A_4 = vector.shape_cast %slice3A_3 : vector<1x5120x64xf32> to vector<5120x64xf32>
    %concatenate3A = tpu.concatenate %squeeze3A, %squeeze3A_4 in 1 : vector<5120x64xf32>, vector<5120x64xf32> -> vector<5120x128xf32>
    %slice3A_5 = vector.extract_strided_slice %get3A_2 {offsets = [0, 0, 64], sizes = [1, 5120, 64], strides = [1, 1, 1]} : vector<2x5120x128xf32> to vector<1x5120x64xf32>
    %squeeze3A_6 = vector.shape_cast %slice3A_5 : vector<1x5120x64xf32> to vector<5120x64xf32>
    %slice3A_7 = vector.extract_strided_slice %get3A_2 {offsets = [1, 0, 64], sizes = [1, 5120, 64], strides = [1, 1, 1]} : vector<2x5120x128xf32> to vector<1x5120x64xf32>
    %squeeze3A_8 = vector.shape_cast %slice3A_7 : vector<1x5120x64xf32> to vector<5120x64xf32>
    %concatenate3A_9 = tpu.concatenate %squeeze3A_6, %squeeze3A_8 in 1 : vector<5120x64xf32>, vector<5120x64xf32> -> vector<5120x128xf32>
    %concatenate3A_10 = tpu.concatenate %concatenate3A, %concatenate3A_9 in 0 : vector<5120x128xf32>, vector<5120x128xf32> -> vector<10240x128xf32>
    %get3A_11 = arith.constant 0 : index
    %get3A_12 = arith.constant 1 : index
    %get3A_13 = vector.load %arg1[%get3A_11, %get3A_12] : memref<10240x2xf32, #tpu.memory_space<vmem>>, vector<10240x1xf32>
    %mul3A = vector.broadcast %get3A_13 : vector<10240x1xf32> to vector<10240x128xf32>
    %mul3A_14 = arith.mulf %concatenate3A_10, %mul3A : vector<10240x128xf32>
    %get3A_15 = arith.constant 0 : index
    %get3A_16 = arith.constant 0 : index
    %get3A_17 = vector.load %arg2[%get3A_15, %get3A_16] : memref<128x128xf32, #tpu.memory_space<vmem>>, vector<128x128xf32>
    %dot_general3A = arith.constant dense<0.000000e+00> : vector<10240x128xf32>
    %dot_general3A_18 = tpu.matmul %mul3A_14, %get3A_17, %dot_general3A {dimension_numbers = #tpu.dot_dimension_numbers<[1], [0], [0], [1], [0, 0, 1, 1], [], []>, transpose_lhs_hint = false} : vector<10240x128xf32>, vector<128x128xf32>, vector<10240x128xf32> -> vector<10240x128xf32>
    %get3A_19 = arith.constant 0 : index
    %get3A_20 = arith.constant 0 : index
    %get3A_21 = vector.load %arg3[%get3A_19, %get3A_20] : memref<1x128xf32, #tpu.memory_space<vmem>>, vector<1x128xf32>
    %add3A = vector.broadcast %get3A_21 : vector<1x128xf32> to vector<10240x128xf32>
    %add3A_22 = arith.addf %dot_general3A_18, %add3A : vector<10240x128xf32>
    %get3A_23 = arith.constant 0 : index
    %get3A_24 = arith.constant 0 : index
    %get3A_25 = vector.load %arg4[%get3A_23, %get3A_24] : memref<1x1xf32, #tpu.memory_space<vmem>>, vector<1x1xf32>
    %get3A_26 = vector.extract %get3A_25[0, 0] : f32 from vector<1x1xf32>
    %ge3A = arith.constant 0.000000e+00 : f32
    %ge3A_27 = vector.broadcast %ge3A : f32 to vector<10240x128xf32>
    %ge3A_28 = arith.cmpf oge, %add3A_22, %ge3A_27 : vector<10240x128xf32>
    %mul3A_29 = vector.broadcast %get3A_26 : f32 to vector<10240x128xf32>
    %mul3A_30 = arith.mulf %mul3A_29, %add3A_22 : vector<10240x128xf32>
    %select_n3A = arith.select %ge3A_28, %add3A_22, %mul3A_30 : vector<10240x128xi1>, vector<10240x128xf32>
    %iota3A = tpu.iota {dimensions = array<i32: 0>} : vector<10240x1xi32>
    %lt3A = arith.constant 10000 : i32
    %lt3A_31 = vector.broadcast %lt3A : i32 to vector<10240x1xi32>
    %lt3A_32 = arith.cmpi slt, %iota3A, %lt3A_31 : vector<10240x1xi32>
    %convert_element_type3A = arith.extui %lt3A_32 : vector<10240x1xi1> to vector<10240x1xi32>
    %convert_element_type3A_33 = arith.sitofp %convert_element_type3A : vector<10240x1xi32> to vector<10240x1xf32>
    %mul3A_34 = vector.broadcast %convert_element_type3A_33 : vector<10240x1xf32> to vector<10240x128xf32>
    %mul3A_35 = arith.mulf %select_n3A, %mul3A_34 : vector<10240x128xf32>
    %reduce_sum3A = arith.constant dense<0.000000e+00> : vector<128xf32>
    %reduce_sum3A_36 = vector.multi_reduction <add>, %mul3A_35, %reduce_sum3A [0] : vector<10240x128xf32> to vector<128xf32>
    %broadcast_in_dim3A = vector.shape_cast %reduce_sum3A_36 : vector<128xf32> to vector<1x128xf32>
    %mul3A_37 = arith.constant 9.99999974E-5 : f32
    %mul3A_38 = vector.broadcast %mul3A_37 : f32 to vector<1x128xf32>
    %mul3A_39 = arith.mulf %broadcast_in_dim3A, %mul3A_38 : vector<1x128xf32>
    %mul3A_40 = arith.mulf %mul3A_35, %mul3A_35 : vector<10240x128xf32>
    %reduce_sum3A_41 = arith.constant dense<0.000000e+00> : vector<128xf32>
    %reduce_sum3A_42 = vector.multi_reduction <add>, %mul3A_40, %reduce_sum3A_41 [0] : vector<10240x128xf32> to vector<128xf32>
    %broadcast_in_dim3A_43 = vector.shape_cast %reduce_sum3A_42 : vector<128xf32> to vector<1x128xf32>
    %mul3A_44 = arith.constant 9.99999974E-5 : f32
    %mul3A_45 = vector.broadcast %mul3A_44 : f32 to vector<1x128xf32>
    %mul3A_46 = arith.mulf %broadcast_in_dim3A_43, %mul3A_45 : vector<1x128xf32>
    %mul3A_47 = arith.mulf %mul3A_39, %mul3A_39 : vector<1x128xf32>
    %sub3A = arith.subf %mul3A_46, %mul3A_47 : vector<1x128xf32>
    %sub3A_48 = vector.broadcast %mul3A_39 : vector<1x128xf32> to vector<10240x128xf32>
    %sub3A_49 = arith.subf %select_n3A, %sub3A_48 : vector<10240x128xf32>
    %add3A_50 = arith.constant 9.99999974E-6 : f32
    %add3A_51 = vector.broadcast %add3A_50 : f32 to vector<1x128xf32>
    %add3A_52 = arith.addf %sub3A, %add3A_51 : vector<1x128xf32>
    %rsqrt3A = math.rsqrt %add3A_52 : vector<1x128xf32>
    %mul3A_53 = vector.broadcast %rsqrt3A : vector<1x128xf32> to vector<10240x128xf32>
    %mul3A_54 = arith.mulf %sub3A_49, %mul3A_53 : vector<10240x128xf32>
    %get3A_55 = arith.constant 0 : index
    %get3A_56 = arith.constant 0 : index
    %get3A_57 = vector.load %arg5[%get3A_55, %get3A_56] : memref<1x128xf32, #tpu.memory_space<vmem>>, vector<1x128xf32>
    %mul3A_58 = vector.broadcast %get3A_57 : vector<1x128xf32> to vector<10240x128xf32>
    %mul3A_59 = arith.mulf %mul3A_54, %mul3A_58 : vector<10240x128xf32>
    %get3A_60 = arith.constant 0 : index
    %get3A_61 = arith.constant 0 : index
    %get3A_62 = vector.load %arg6[%get3A_60, %get3A_61] : memref<1x128xf32, #tpu.memory_space<vmem>>, vector<1x128xf32>
    %add3A_63 = vector.broadcast %get3A_62 : vector<1x128xf32> to vector<10240x128xf32>
    %add3A_64 = arith.addf %mul3A_59, %add3A_63 : vector<10240x128xf32>
    %get3A_65 = arith.constant 0 : index
    %get3A_66 = arith.constant 0 : index
    %get3A_67 = vector.load %arg7[%get3A_65, %get3A_66] : memref<1x1xf32, #tpu.memory_space<vmem>>, vector<1x1xf32>
    %get3A_68 = vector.extract %get3A_67[0, 0] : f32 from vector<1x1xf32>
    %ge3A_69 = arith.constant 0.000000e+00 : f32
    %ge3A_70 = vector.broadcast %ge3A_69 : f32 to vector<10240x128xf32>
    %ge3A_71 = arith.cmpf oge, %add3A_64, %ge3A_70 : vector<10240x128xf32>
    %mul3A_72 = vector.broadcast %get3A_68 : f32 to vector<10240x128xf32>
    %mul3A_73 = arith.mulf %mul3A_72, %add3A_64 : vector<10240x128xf32>
    %select_n3A_74 = arith.select %ge3A_71, %add3A_64, %mul3A_73 : vector<10240x128xi1>, vector<10240x128xf32>
    %mul3A_75 = vector.broadcast %convert_element_type3A_33 : vector<10240x1xf32> to vector<10240x128xf32>
    %mul3A_76 = arith.mulf %select_n3A_74, %mul3A_75 : vector<10240x128xf32>
    %get3A_77 = arith.constant 0 : index
    %get3A_78 = arith.constant 0 : index
    %get3A_79 = vector.load %arg8[%get3A_77, %get3A_78] : memref<1x128xf32, #tpu.memory_space<vmem>>, vector<1x128xf32>
    %reduce_sum3A_80 = arith.constant dense<0.000000e+00> : vector<128xf32>
    %reduce_sum3A_81 = vector.multi_reduction <add>, %mul3A_76, %reduce_sum3A_80 [0] : vector<10240x128xf32> to vector<128xf32>
    %broadcast_in_dim3A_82 = vector.shape_cast %reduce_sum3A_81 : vector<128xf32> to vector<1x128xf32>
    %add3A_83 = arith.addf %get3A_79, %broadcast_in_dim3A_82 : vector<1x128xf32>
    %swap3A = arith.constant 0 : index
    %swap3A_84 = arith.constant 0 : index
    %swap3A_85 = vector.load %arg10[%swap3A, %swap3A_84] : memref<1x128xf32, #tpu.memory_space<vmem>>, vector<1x128xf32>
    tpu.vector_store %arg10[%swap3A, %swap3A_84], %add3A_83 {strides = array<i32>} : memref<1x128xf32, #tpu.memory_space<vmem>>, vector<1x128xf32>,
    %slice3A_86 = vector.extract_strided_slice %mul3A_76 {offsets = [0, 0], sizes = [10000, 128], strides = [1, 1]} : vector<10240x128xf32> to vector<10000x128xf32>
    %swap3A_87 = arith.constant 0 : index
    %swap3A_88 = arith.constant 0 : index
    %swap3A_89 = vector.load %arg9[%swap3A_87, %swap3A_88] : memref<10000x128xf32, #tpu.memory_space<vmem>>, vector<10000x128xf32>
    tpu.vector_store %arg9[%swap3A_87, %swap3A_88], %slice3A_86 {strides = array<i32>} : memref<10000x128xf32, #tpu.memory_space<vmem>>, vector<10000x128xf32>,
    return
  }
}

</mosaic_0001>

<sc_bundles>
// kernel: kernel.11.cloned.1.call-start
scs
__scs_entry_jumppad:
0x0: {  	(pc) =	sbr.rel $0x88, $3  }
0x1: {  	(tag) =	ssettag $0x0;
	lr =	simm.s32 $0x1  }
0x2: {  	[smem:$0x3F93] =	sst lr;
	_ =	strace $0xD0000000  }
0x3: {  	_ = 	snop  }
0x4: {  	_ = 	snop  }
0x5: {  	_ = 	snop  }
0x6: {  	_ = 	snop  }
0x7: {  	_ = 	snop  }
__scs_overlays_trampoline_lowered:
0x8: {  	[smem:$0x3FA2] =	sst s0  }
0x9: {  	[smem:$0x3FA3] =	sst s1  }
0xa: {  	[smem:$0x3FA4] =	sst s2  }
0xb: {  	[smem:$0x3FA5] =	sst s3  }
0xc: {  	[smem:$0x3FA6] =	sst s4  }
0xd: {  	[smem:$0x3FA7] =	sst s5  }
0xe: {  	[smem:$0x3FA8] =	sst s6  }
0xf: {  	[smem:$0x3FA9] =	sst s7  }
0x10: {  	[smem:$0x3FAA] =	sst s8  }
0x11: {  	[smem:$0x3FAB] =	sst s9;
	s0 =	simm.s32 @!p0 $0x0  }
0x12: {  	s1 =	sld [smem:$0x3F91];
	s0 =	simm.s32 @p0 $0x1  }
0x13: {  	[smem:$0x3FAC] =	sst s0;
	s0 =	simm.s32 @!p1 $0x0  }
0x14: {  	s2 =	sld [smem:$0x3F90];
	s0 =	simm.s32 @p1 $0x1  }
0x15: {  	[smem:$0x3FAD] =	sst s0;
	s0 =	simm.s32 @!p2 $0x0  }
0x16: {  	s3 =	sld [smem:$0x3FDB];
	s0 =	simm.s32 @p2 $0x1  }
0x17: {  	s4 =	simm.s32 $0x1BF5;
	[smem:$0x3FAF] =	sst s0  }
0x18: {  	s0 =	sld [smem:$0x3F92];
	_ =	swait.ge [sflag:s4], $0x0  }
0x19: {  	s7 =	sld [smem:$0x3F93]  }
0x1a: {  	s8 =	sadd.s32 $0xFFFFE003, lr  }
0x1b: {  	s9 =	sadd.s32 $0xFFFFFEF7, lr;
	s5 =	simm.s32 $0xFFFFFFFF;
	p2 =	slt.u32 s8, $0xFFFFF086  }
0x1c: {  	p1 =	slt.u32 s9, $0xF7A;
	s5 =	simm.s32 @!p2 $0x0  }
0x1d: {  	s5 =	simm.s32 @p1 $0x1;
	p0 =	seq.s32 s7, s2  }
0x1e: {  	s7 =	smul.u32 @!p0 $0xF7A, s2;
	p2 =	seq.s32 @!p0 s5, $0x0  }
0x1f: {  	s9 =	smul.u32 $0xF7A, s1;
	s8 =	simm.s32 @!p0 $0x1BF5;
	p2 =	por !p2, p0  }
0x20: {  	[sflag:s8] =	ssyncset.s32 @!p0 $0xFFFFF086;
	s6 =	sadd.s32 @!p0 s3, s7;
	s7 =	simm.s32 @!p0 $0x108  }
0x21: {  	s3 =	sadd.s32 s3, s9;
	s6 =	sadd.s32 @!p0 $0x88, s6;
	s7 =	simm.s32 @p2 $0x1082  }
0x22: {  	[simem:s7], [sflag:s8] =	dma.local @!p0 [hbm:s6], $0xF7A  }
0x23: {  	s9 =	sor.u32 $0xD0000000, s2;
	s6 =	simm.s32 $0x108;
	_ =	swait.ge @!p0 [sflag:s8], $0x0  }
0x24: {  	s3 =	sadd.s32 $0x88, s3;
	s6 =	simm.s32 @!p1 $0x1082;
	[sflag:s4] =	ssyncset.s32 $0xFFFFF086  }
0x25: {  	[simem:s6], [sflag:s4] =	dma.local [hbm:s3], $0xF7A  }
0x26: {  	[smem:$0x3F93] =	sst s1;
	(tag) =	ssettag s2;
	_ =	strace s9  }
0x27: {  	s1 =	sld [smem:$0x3FA3]  }
0x28: {  	s2 =	sld [smem:$0x3FA4]  }
0x29: {  	s4 =	sld [smem:$0x3FA6]  }
0x2a: {  	p0 =	seq.s32 s5, $0x0;
	s5 =	sld [smem:$0x3FA7]  }
0x2b: {  	s6 =	sld [smem:$0x3FA8]  }
0x2c: {  	s7 =	sld [smem:$0x3FA9]  }
0x2d: {  	s3 =	simm.s32 $0x108;
	s8 =	sld [smem:$0x3FAA]  }
0x2e: {  	s3 =	simm.s32 @!p0 $0x1082;
	s9 =	sld [smem:$0x3FAB]  }
0x2f: {  	lr =	sadd.s32 s0, s3;
	s0 =	sld [smem:$0x3FA2]  }
0x30: {  	s3 =	sld [smem:$0x3FA5]  }
0x31: {  	[smem:$0x3FAE] =	sst s10  }
0x32: {  	s10 =	sld [smem:$0x3FAC];
	_ =	sdelay $0x3  }
0x33: {  	p0 =	seq.s32 s10, $0x1;
	s10 =	sld [smem:$0x3FAE];
	_ =	sdelay $0x3  }
0x34: {  	[smem:$0x3FAE] =	sst s10  }
0x35: {  	s10 =	sld [smem:$0x3FAD];
	_ =	sdelay $0x3  }
0x36: {  	p1 =	seq.s32 s10, $0x1;
	s10 =	sld [smem:$0x3FAE];
	_ =	sdelay $0x3  }
0x37: {  	[smem:$0x3FAE] =	sst s10  }
0x38: {  	s10 =	sld [smem:$0x3FAF]  }
0x39: {  	_ = 	snop;
	(pc) =	sbr.ind lr, $3  }
0x3a: {  	_ = 	snop  }
0x3b: {  	_ = 	snop  }
0x3c: {  	p2 =	seq.s32 s10, $0x1;
	s10 =	sld [smem:$0x3FAE]  }
0x3d: {  	_ =	shalt  }
0x3e: {  	_ =	shalt  }
0x3f: {  	_ =	shalt  }
0x40: {  	_ =	shalt  }
0x41: {  	_ =	shalt  }
0x42: {  	_ =	shalt  }
0x43: {  	_ =	shalt  }
0x44: {  	_ =	shalt  }
0x45: {  	_ =	shalt  }
0x46: {  	_ =	shalt  }
0x47: {  	_ =	shalt  }
0x48: {  	_ =	shalt  }
0x49: {  	_ =	shalt  }
0x4a: {  	_ =	shalt  }
0x4b: {  	_ =	shalt  }
0x4c: {  	_ =	shalt  }
0x4d: {  	_ =	shalt  }
0x4e: {  	_ =	shalt  }
0x4f: {  	_ =	shalt  }
0x50: {  	_ =	shalt  }
0x51: {  	_ =	shalt  }
0x52: {  	_ =	shalt  }
0x53: {  	_ =	shalt  }
0x54: {  	_ =	shalt  }
0x55: {  	_ =	shalt  }
0x56: {  	_ =	shalt  }
0x57: {  	_ =	shalt  }
0x58: {  	_ =	shalt  }
0x59: {  	_ =	shalt  }
0x5a: {  	_ =	shalt  }
0x5b: {  	_ =	shalt  }
0x5c: {  	_ =	shalt  }
0x5d: {  	_ =	shalt  }
0x5e: {  	_ =	shalt  }
0x5f: {  	_ =	shalt  }
0x60: {  	_ =	shalt  }
0x61: {  	_ =	shalt  }
0x62: {  	_ =	shalt  }
0x63: {  	_ =	shalt  }
0x64: {  	_ =	shalt  }
0x65: {  	_ =	shalt  }
0x66: {  	_ =	shalt  }
0x67: {  	_ =	shalt  }
0x68: {  	_ =	shalt  }
0x69: {  	_ =	shalt  }
0x6a: {  	_ =	shalt  }
0x6b: {  	_ =	shalt  }
0x6c: {  	_ =	shalt  }
0x6d: {  	_ =	shalt  }
0x6e: {  	_ =	shalt  }
0x6f: {  	_ =	shalt  }
0x70: {  	_ =	shalt  }
0x71: {  	_ =	shalt  }
0x72: {  	_ =	shalt  }
0x73: {  	_ =	shalt  }
0x74: {  	_ =	shalt  }
0x75: {  	_ =	shalt  }
0x76: {  	_ =	shalt  }
0x77: {  	_ =	shalt  }
0x78: {  	_ =	shalt  }
0x79: {  	_ =	shalt  }
0x7a: {  	_ =	shalt  }
0x7b: {  	_ =	shalt  }
0x7c: {  	_ =	shalt  }
0x7d: {  	_ =	shalt  }
0x7e: {  	_ =	shalt  }
0x7f: {  	_ =	shalt  }
0x80: {  	_ =	shalt  }
0x81: {  	_ =	shalt  }
0x82: {  	_ =	shalt  }
0x83: {  	_ =	shalt  }
0x84: {  	_ =	shalt  }
0x85: {  	_ =	shalt  }
0x86: {  	_ =	shalt  }
0x87: {  	_ =	shalt  }
.Lfunc_end0:
.L_simem_size_0:
called_computation.1_lowered:
.L_overlay_start_0:
0x88: {  	s2 =	sld [smem:$0x3FD9]  }
0x89: {  	s3 =	sld [smem:$0x3FFE];
	_ =	sdelay $0x1  }
0x8a: {  	s1 =	srdreg.scid  }
0x8b: {  	s0 =	sand.u32 $0x1, s1  }
0x8c: {  	s16 =	sshll.u32 s0, $0xA;
	s2 =	sadd.s32 s3, s2  }
0x8d: {  	s2 =	sadd.s32 s2, s16  }
0x8e: {  	[smem:$0x3FBA] =	sst s2  }
0x8f: {  	_ = 	snop  }
0x90: {  	(tm) =	ssettm $0x1  }
0x91: {  	s17 =	sld [smem:$0x3FFB];
	_ =	sdelay $0x3  }
0x92: {  	_ =	strace s17  }
0x93: {  	s2 =	sld [smem:$0x3FFC];
	_ =	sdelay $0x3  }
0x94: {  	_ =	strace s2  }
0x95: {  	s2 =	sld [smem:$0x3FFD];
	_ =	sdelay $0x3  }
0x96: {  	_ =	strace s2  }
0x97: {  	_ =	strace $0x8FFFFFFF  }
0x98: {  	s18 =	sld [smem:$0x3FDB];
	_ =	sdelay $0x1  }
0x99: {  	s19 =	simm.s32 $_scs_section_size  }
0x9a: {  	s4 =	simm.s32 $_size__tile_overlayer_lowered;
	s5 =	simm.s32 $_tile_overlayer_lowered  }
0x9b: {  	s22 =	simm.s32 $0x1BFF;
	s21 =	sshll.u32 s5, $0x1;
	s2 =	sadd.s32 s19, s18  }
0x9c: {  	s6 =	simm.s32 $0x0;
	s20 =	sshll.u32 s4, $0x1;
	s4 =	sadd.s32 s21, s2  }
0x9d: {  	[timem:s6], [sflag:s22] =	dma.local [hbm:s4], s20  }
0x9e: {  	_ =	swait.ge [sflag:s22], s20  }
0x9f: {  	s3 =	ssub.s32 $0x0, s20;
	[sflag:s22] =	ssyncset.done $0x0  }
0xa0: {  	[sflag:s22] =	ssyncadd.s32 s3;
	_ =	sdelay $0x1  }
0xa1: {  	s23 =	simm.s32 $0x1B8B  }
0xa2: {  	_ =	swait.ge [sflag:s23], $0x1  }
0xa3: {  	[sflag:s23] =	ssyncset.done $0x0  }
0xa4: {  	s25 =	simm.s32 $0x1B8E;
	s24 =	sld [smem:$0x3FFE];
	[sflag:s23] =	ssyncadd.s32 $0xFFFFFFFF  }
0xa5: {  	s26 =	simm.s32 $execute0_lowered;
	[smem:$0x3FD2] =	sst s25  }
0xa6: {  	s4 =	sshll.u32 s26, $0x1;
	_ =	strace $0x80000049;
	[dreg:$0x1] =	wrdreg $0xFFFFFFFF  }
0xa7: {  	s28 =	simm.s32 $_size_execute0_lowered;
	s2 =	sadd.s32 s2, s4;
	[dreg:$0x0] =	wrdreg $0x0  }
0xa8: {  	s4 =	sshll.u32 s28, $0x1;
	[dreg:$0x2] =	wrdreg s2  }
0xa9: {  	[dreg:$0x3] =	wrdreg s4  }
0xaa: {  	[dreg:$0x4] =	wrdreg $0xC0  }
0xab: {  	_ =	task [dreg:s6], $0x5FFFF  }
0xac: {  	[dreg:$0x1] =	wrdreg $0xFFFFFFFF  }
0xad: {  	[dreg:$0x0] =	wrdreg $0x60  }
0xae: {  	[dreg:$0x2] =	wrdreg s24  }
0xaf: {  	[dreg:$0x3] =	wrdreg $0x140000  }
0xb0: {  	[dreg:$0x4] =	wrdreg $0x9  }
0xb1: {  	_ =	task.clear_ibuf [dreg:s6], $0x5FFFF;
	_ =	strace $0x90000049  }
0xb2: {  	s29 =	simm.s32 $0x9;
	_ =	strace $0x8000004B  }
0xb3: {  	_ =	swait.ge [sflag:s29], $0x1  }
0xb4: {  	[sflag:s29] =	ssyncadd.s32 $0xFFFFFFFF  }
0xb5: {  	_ =	strace $0x9000004B  }
0xb6: {  	_ =	sfence  }
0xb7: {  	s30 =	sld [smem:$0x0];
	_ =	sdelay $0x2  }
0xb8: {  	s31 =	sshll.u32 s1, $0xD;
	s1 =	sshrl.u32 s1, $0x2  }
0xb9: {  	s3 =	sand.u32 $0x4000, s31;
	s1 =	sadd.s32 s1, s30  }
0xba: {  	s0 =	sor.u32 s3, s0;
	s1 =	sshll.u32 s1, $0x11  }
0xbb: {  	s0 =	sor.u32 s1, s0  }
0xbc: {  	s0 =	sadd.s32 $0x8F2B, s0  }
0xbd: {  	[sflag:s0] =	ssyncadd.remote.s32 $0x1  }
0xbe: {  	_ =	sfence.sel $0xFFFF  }
0xbf: {  	[dreg:$0x0] =	wrdreg $0xFFFFFFFF;
	(pc) =	sbr.abs _section_cstart, $3  }
0xc0: {  	[dreg:$0x1] =	wrdreg $0xFFFFFFFF  }
0xc1: {  	_ =	task.clear_ibuf [dreg:s6], $0x2FFFF;
	_ =	strace $0x9FFFFFFF  }
0xc2: {  	(tm) =	ssettm $0x7FFFFFFF  }
0xc3: {  	_ =	shalt  }
tec
execute0_lowered:
.L_overlay_start_1:
0x0: {  	(tag) =	ssettag $0x1  }
0x1: {  	s0 =	rddreg [dreg:$0x0];
	s1 =	srdreg.scid  }
0x2: {  	s2 =	rddreg [dreg:$0x1];
	s8 =	stileid.u32  }
0x3: {  	s3 =	simm.s32 $0x0;
	s14 =	simm.s32 $0x12000;
	s15 =	simm.s32 $0x9  }
0x4: {  	s17 =	simm.s32 $0x80;
	s18 =	simm.s32 $0xA000;
	s19 =	simm.s32 $0xC000  }
0x5: {  	s21 =	simm.s32 $0xE000;
	s28 =	simm.s32 $0x3;
	s5 =	smul.u32 $0xA00, s8  }
0x6: {  	s29 =	simm.s32 $0x4;
	s30 =	simm.s32 $0x5;
	s9 =	smul.u32 $0xA000, s8  }
0x7: {  	s31 =	simm.s32 $0x6;
	s1 =	sand.u32 $0x1, s1;
	s23 =	smul.u32 $0x28000, s8  }
0x8: {  	[smem:$0x7FF] =	sst s3;
	s4 =	smul.u32 $0xA0000, s1;
	s1 =	ssub.s32 $0x2, s1  }
0x9: {  	_ =	strace $0x8000004A;
	s24 =	sadd.s32 s5, s0;
	s25 =	sshrl.u32 s1, $0x1  }
0xa: {  	s26 =	sadd.s32 s9, s2;
	s6 =	sshrl.u32 s4, $0x3;
	s4 =	sadd.s32 s9, s4  }
0xb: {  	s1 =	ssub.s32 s1, s25;
	s5 =	sadd.s32 $0x18200, s24;
	s25 =	sshrl.u32 s26, $0x3  }
0xc: {  	s26 =	simm.s32 $0x2;
	s7 =	sadd.s32 s6, s0;
	s4 =	sshrl.u32 s4, $0x3  }
0xd: {  	s6 =	sshrl.u32 s23, $0x2;
	s9 =	smax.u32 s1, $0x1;
	s23 =	simm.s32 $0x10000  }
0xe: {  	s1 =	simm.s32 $0x8;
	s0 =	sadd.s32 s4, s0;
	s4 =	sadd.s32 s6, s2  }
0xf: {  	s6 =	sadd.s32 $0xE200, s24;
	s7 =	sadd.s32 $0x22200, s7;
	s24 =	simm.s32 $0x1  }
0x10: {  	s8 =	sadd.s32 $0x4A200, s0;
	s10 =	sadd.s32 $0x2000, s4;
	s11 =	sadd.s32 $0x4000, s4  }
0x11: {  	v0 =	vimm.f32 $0.0e+00;
	s12 =	sadd.s32 $0x6000, s4;
	s13 =	sadd.s32 $0x8000, s4;
	s0 =	simm.s32 $0x7  }
.LBB2_1:
0x12: {  	s22 =	simm.s32 $0x100;
	s20 =	simm.s32 $0x0  }
.LBB2_2:
0x13: {  	p0 =	sne.s32 s22, $0x7F00;
	[tilespmem:s20+$0x12030] =	vst v0;
	s16 =	smov.u32 s22;
	s22 =	sadd.s32 $0x100, s22  }
.Ltmp0:
0x14: {  	[tilespmem:s20+$0x12020] =	vst v0;
	(pc) =	sbr.rel @p0 .LBB2_2-.Ltmp0, $3  }
0x15: {  	[tilespmem:s20+$0x12000] =	vst v0  }
0x16: {  	[tilespmem:s20+$0x12010] =	vst v0;
	_ =	sdelay $0x1  }
0x17: {  	s20 =	sshra.s32 s16, $0x2  }
0x18: {  	[tilespmem:s20+$0x12030] =	vst v0  }
0x19: {  	[tilespmem:s20+$0x12020] =	vst v0  }
0x1a: {  	[tilespmem:s20+$0x12000] =	vst v0  }
0x1b: {  	[tilespmem:s20+$0x12010] =	vst v0  }
0x1c: {  	[spmem:s4] =	stream.linear.scatter [tilespmem:s14], [sflag:$0x9], $0x2000, $0x38;
	[tilespmem:$0x1E000] =	vst v63  }
0x1d: {  	_ =	swait.ge [sflag:s15], $0x2000  }
0x1e: {  	[sflag:s15] =	ssyncset.done $0x0  }
0x1f: {  	[sflag:s15] =	ssyncadd.s32 $0xFFFFE000  }
0x20: {  	[spmem:s10] =	stream.linear.scatter [tilespmem:s14], [sflag:$0x9], $0x2000, $0x38;
	[tilespmem:$0x1E000] =	vst v63  }
0x21: {  	_ =	swait.ge [sflag:s15], $0x2000  }
0x22: {  	[sflag:s15] =	ssyncset.done $0x0  }
0x23: {  	[sflag:s15] =	ssyncadd.s32 $0xFFFFE000  }
0x24: {  	[spmem:s11] =	stream.linear.scatter [tilespmem:s14], [sflag:$0x9], $0x2000, $0x38;
	[tilespmem:$0x1E000] =	vst v63  }
0x25: {  	_ =	swait.ge [sflag:s15], $0x2000  }
0x26: {  	[sflag:s15] =	ssyncset.done $0x0  }
0x27: {  	[sflag:s15] =	ssyncadd.s32 $0xFFFFE000  }
0x28: {  	[spmem:s12] =	stream.linear.scatter [tilespmem:s14], [sflag:$0x9], $0x2000, $0x38;
	[tilespmem:$0x1E000] =	vst v63  }
0x29: {  	_ =	swait.ge [sflag:s15], $0x2000  }
0x2a: {  	[sflag:s15] =	ssyncset.done $0x0  }
0x2b: {  	[sflag:s15] =	ssyncadd.s32 $0xFFFFE000  }
0x2c: {  	[spmem:s13] =	stream.linear.scatter [tilespmem:s14], [sflag:$0x9], $0x2000, $0x38;
	[tilespmem:$0x1E000] =	vst v63  }
0x2d: {  	_ =	swait.ge [sflag:s15], $0x2000  }
0x2e: {  	[sflag:s15] =	ssyncset.done $0x0  }
0x2f: {  	s16 =	simm.s32 $0x0;
	[sflag:s15] =	ssyncadd.s32 $0xFFFFE000  }
0x30: {  	[tilespmem:s16], [sflag:$0x9] =	stream.linear.gather [hbm4b:s5+s16], $0x5000, $0x38;
	[tilespmem:$0x1E000] =	vst v63  }
0x31: {  	_ =	swait.ge [sflag:s15], $0x5000  }
0x32: {  	[sflag:s15] =	ssyncset.done $0x0  }
0x33: {  	s22 =	simm.s32 $0x5000;
	[sflag:s15] =	ssyncadd.s32 $0xFFFFB000  }
0x34: {  	[tilespmem:s22], [sflag:$0x9] =	stream.linear.gather [hbm4b:s6+s16], $0x5000, $0x38;
	[tilespmem:$0x1E000] =	vst v63  }
0x35: {  	_ =	swait.ge [sflag:s15], $0x5000  }
0x36: {  	[sflag:s15] =	ssyncset.done $0x0  }
0x37: {  	[sflag:s15] =	ssyncadd.s32 $0xFFFFB000  }
0x38: {  	[bflag:$0x0] =	sbarrier.arrive $0xFFFF  }
0x39: {  	[tilespmem:s18], [sflag:$0x1] =	stream.indirect.gather [hbm4b:s7+s17], $0x40, s16, s17, $0xb8;
	[tilespmem:$0x1E000] =	vst v63  }
0x3a: {  	_ = 	snop  }
0x3b: {  	[tilespmem:s19], [sflag:$0x2] =	stream.indirect.gather [hbm4b:s7+s17], $0x40, s17, s17, $0xb8;
	[tilespmem:$0x1E000] =	vst v63  }
0x3c: {  	s22 =	simm.s32 $0x100  }
0x3d: {  	[tilespmem:s21], [sflag:$0x3] =	stream.indirect.gather [hbm4b:s7+s17], $0x40, s22, s17, $0xb8;
	[tilespmem:$0x1E000] =	vst v63  }
0x3e: {  	s20 =	simm.s32 $0x180  }
0x3f: {  	[tilespmem:s23], [sflag:$0x4] =	stream.indirect.gather [hbm4b:s7+s17], $0x40, s20, s17, $0xb8;
	[tilespmem:$0x1E000] =	vst v63  }
0x40: {  	_ =	swait.ge [sflag:s24], $0x2000  }
0x41: {  	[sflag:s24] =	ssyncset.done $0x0  }
0x42: {  	s22 =	simm.s32 $0x5000;
	[sflag:s24] =	ssyncadd.s32 $0xFFFFE000  }
0x43: {  	[spmem:s2] =	stream.indirect.scatter.add.f32 [tilespmem:s18], [sflag:$0x5], $0x40, s22, s17, $0xb8;
	[tilespmem:$0x1E000] =	vst v63  }
0x44: {  	_ =	swait.ge [sflag:s26], $0x2000  }
0x45: {  	[sflag:s26] =	ssyncset.done $0x0  }
0x46: {  	s20 =	simm.s32 $0x5080;
	[sflag:s26] =	ssyncadd.s32 $0xFFFFE000  }
0x47: {  	[spmem:s2] =	stream.indirect.scatter.add.f32 [tilespmem:s19], [sflag:$0x6], $0x40, s20, s17, $0xb8;
	[tilespmem:$0x1E000] =	vst v63  }
0x48: {  	_ =	swait.ge [sflag:s28], $0x2000  }
0x49: {  	[sflag:s28] =	ssyncset.done $0x0  }
0x4a: {  	s22 =	simm.s32 $0x5100;
	[sflag:s28] =	ssyncadd.s32 $0xFFFFE000  }
0x4b: {  	[spmem:s2] =	stream.indirect.scatter.add.f32 [tilespmem:s21], [sflag:$0x7], $0x40, s22, s17, $0xb8;
	[tilespmem:$0x1E000] =	vst v63  }
0x4c: {  	_ =	swait.ge [sflag:s29], $0x2000  }
0x4d: {  	[sflag:s29] =	ssyncset.done $0x0  }
0x4e: {  	s20 =	simm.s32 $0x5180;
	[sflag:s29] =	ssyncadd.s32 $0xFFFFE000  }
0x4f: {  	[spmem:s2] =	stream.indirect.scatter.add.f32 [tilespmem:s23], [sflag:$0x8], $0x40, s20, s17, $0xb8;
	[tilespmem:$0x1E000] =	vst v63  }
0x50: {  	_ =	swait.ge [sflag:s30], $0x2000  }
0x51: {  	[sflag:s30] =	ssyncset.done $0x0  }
0x52: {  	s22 =	simm.s32 $0x200;
	[sflag:s30] =	ssyncadd.s32 $0xFFFFE000  }
0x53: {  	[tilespmem:s18], [sflag:$0x1] =	stream.indirect.gather [hbm4b:s7+s17], $0x40, s22, s17, $0xb8;
	[tilespmem:$0x1E000] =	vst v63  }
0x54: {  	_ =	swait.ge [sflag:s31], $0x2000  }
0x55: {  	[sflag:s31] =	ssyncset.done $0x0  }
0x56: {  	s20 =	simm.s32 $0x280;
	[sflag:s31] =	ssyncadd.s32 $0xFFFFE000  }
0x57: {  	[tilespmem:s19], [sflag:$0x2] =	stream.indirect.gather [hbm4b:s7+s17], $0x40, s20, s17, $0xb8;
	[tilespmem:$0x1E000] =	vst v63  }
0x58: {  	_ =	swait.ge [sflag:s0], $0x2000  }
0x59: {  	[sflag:s0] =	ssyncset.done $0x0  }
0x5a: {  	s22 =	simm.s32 $0x300;
	[sflag:s0] =	ssyncadd.s32 $0xFFFFE000  }
0x5b: {  	[tilespmem:s21], [sflag:$0x3] =	stream.indirect.gather [hbm4b:s7+s17], $0x40, s22, s17, $0xb8;
	[tilespmem:$0x1E000] =	vst v63  }
0x5c: {  	_ =	swait.ge [sflag:s1], $0x2000  }
0x5d: {  	[sflag:s1] =	ssyncset.done $0x0  }
0x5e: {  	s20 =	simm.s32 $0x800;
	s22 =	simm.s32 $0x380;
	[sflag:s1] =	ssyncadd.s32 $0xFFFFE000  }
.LBB2_4:
0x5f: {  	[tilespmem:s23], [sflag:$0x4] =	stream.indirect.gather [hbm4b:s7+s17], $0x40, s22, s17, $0xb8;
	[tilespmem:$0x1E000] =	vst v63  }
0x60: {  	s16 =	smov.u32 s20  }
0x61: {  	p0 =	sne.s32 s20, $0x13000;
	s20 =	sadd.s32 $0x800, s20;
	_ =	swait.ge [sflag:s24], $0x2000  }
0x62: {  	s22 =	sshra.s32 s16, $0x2;
	[sflag:s24] =	ssyncset.done $0x0  }
0x63: {  	s16 =	sadd.s32 $0x5000, s22;
	[sflag:s24] =	ssyncadd.s32 $0xFFFFE000  }
0x64: {  	[spmem:s2] =	stream.indirect.scatter.add.f32 [tilespmem:s18], [sflag:$0x5], $0x40, s16, s17, $0xb8;
	[tilespmem:$0x1E000] =	vst v63  }
0x65: {  	_ =	swait.ge [sflag:s26], $0x2000  }
0x66: {  	[sflag:s26] =	ssyncset.done $0x0  }
0x67: {  	s16 =	sadd.s32 $0x5080, s22;
	[sflag:s26] =	ssyncadd.s32 $0xFFFFE000  }
0x68: {  	[spmem:s2] =	stream.indirect.scatter.add.f32 [tilespmem:s19], [sflag:$0x6], $0x40, s16, s17, $0xb8;
	[tilespmem:$0x1E000] =	vst v63  }
0x69: {  	_ =	swait.ge [sflag:s28], $0x2000  }
0x6a: {  	[sflag:s28] =	ssyncset.done $0x0  }
0x6b: {  	s16 =	sadd.s32 $0x5100, s22;
	[sflag:s28] =	ssyncadd.s32 $0xFFFFE000  }
0x6c: {  	[spmem:s2] =	stream.indirect.scatter.add.f32 [tilespmem:s21], [sflag:$0x7], $0x40, s16, s17, $0xb8;
	[tilespmem:$0x1E000] =	vst v63  }
0x6d: {  	_ =	swait.ge [sflag:s29], $0x2000  }
0x6e: {  	[sflag:s29] =	ssyncset.done $0x0  }
0x6f: {  	s16 =	sadd.s32 $0x5180, s22;
	[sflag:s29] =	ssyncadd.s32 $0xFFFFE000  }
0x70: {  	[spmem:s2] =	stream.indirect.scatter.add.f32 [tilespmem:s23], [sflag:$0x8], $0x40, s16, s17, $0xb8;
	[tilespmem:$0x1E000] =	vst v63  }
0x71: {  	_ =	swait.ge [sflag:s30], $0x2000  }
0x72: {  	[sflag:s30] =	ssyncset.done $0x0  }
0x73: {  	s16 =	sadd.s32 $0x200, s22;
	[sflag:s30] =	ssyncadd.s32 $0xFFFFE000  }
0x74: {  	[tilespmem:s18], [sflag:$0x1] =	stream.indirect.gather [hbm4b:s7+s17], $0x40, s16, s17, $0xb8;
	[tilespmem:$0x1E000] =	vst v63  }
0x75: {  	_ =	swait.ge [sflag:s31], $0x2000  }
0x76: {  	[sflag:s31] =	ssyncset.done $0x0  }
0x77: {  	s16 =	sadd.s32 $0x280, s22;
	[sflag:s31] =	ssyncadd.s32 $0xFFFFE000  }
0x78: {  	[tilespmem:s19], [sflag:$0x2] =	stream.indirect.gather [hbm4b:s7+s17], $0x40, s16, s17, $0xb8;
	[tilespmem:$0x1E000] =	vst v63  }
0x79: {  	_ =	swait.ge [sflag:s0], $0x2000  }
0x7a: {  	[sflag:s0] =	ssyncset.done $0x0  }
.Ltmp1:
0x7b: {  	s16 =	sadd.s32 $0x300, s22;
	[sflag:s0] =	ssyncadd.s32 $0xFFFFE000;
	(pc) =	sbr.rel @p0 .LBB2_4-.Ltmp1, $4  }
0x7c: {  	[tilespmem:s21], [sflag:$0x3] =	stream.indirect.gather [hbm4b:s7+s17], $0x40, s16, s17, $0xb8;
	[tilespmem:$0x1E000] =	vst v63  }
0x7d: {  	_ =	swait.ge [sflag:s1], $0x2000  }
0x7e: {  	[sflag:s1] =	ssyncset.done $0x0  }
0x7f: {  	s22 =	sadd.s32 $0x380, s22;
	[sflag:s1] =	ssyncadd.s32 $0xFFFFE000  }
0x80: {  	[tilespmem:s23], [sflag:$0x4] =	stream.indirect.gather [hbm4b:s7+s17], $0x40, s22, s17, $0xb8;
	[tilespmem:$0x1E000] =	vst v63  }
0x81: {  	_ =	swait.ge [sflag:s24], $0x2000  }
0x82: {  	[sflag:s24] =	ssyncset.done $0x0  }
0x83: {  	s16 =	simm.s32 $0x9E00;
	[sflag:s24] =	ssyncadd.s32 $0xFFFFE000  }
0x84: {  	[spmem:s2] =	stream.indirect.scatter.add.f32 [tilespmem:s18], [sflag:$0x5], $0x40, s16, s17, $0xb8;
	[tilespmem:$0x1E000] =	vst v63  }
0x85: {  	_ =	swait.ge [sflag:s26], $0x2000  }
0x86: {  	[sflag:s26] =	ssyncset.done $0x0  }
0x87: {  	s20 =	simm.s32 $0x9E80;
	[sflag:s26] =	ssyncadd.s32 $0xFFFFE000  }
0x88: {  	[spmem:s2] =	stream.indirect.scatter.add.f32 [tilespmem:s19], [sflag:$0x6], $0x40, s20, s17, $0xb8;
	[tilespmem:$0x1E000] =	vst v63  }
0x89: {  	_ =	swait.ge [sflag:s28], $0x2000  }
0x8a: {  	[sflag:s28] =	ssyncset.done $0x0  }
0x8b: {  	s22 =	simm.s32 $0x9F00;
	[sflag:s28] =	ssyncadd.s32 $0xFFFFE000  }
0x8c: {  	[spmem:s2] =	stream.indirect.scatter.add.f32 [tilespmem:s21], [sflag:$0x7], $0x40, s22, s17, $0xb8;
	[tilespmem:$0x1E000] =	vst v63  }
0x8d: {  	_ =	swait.ge [sflag:s29], $0x2000  }
0x8e: {  	[sflag:s29] =	ssyncset.done $0x0  }
0x8f: {  	s20 =	simm.s32 $0x9F80;
	[sflag:s29] =	ssyncadd.s32 $0xFFFFE000  }
0x90: {  	[spmem:s2] =	stream.indirect.scatter.add.f32 [tilespmem:s23], [sflag:$0x8], $0x40, s20, s17, $0xb8;
	[tilespmem:$0x1E000] =	vst v63  }
0x91: {  	_ =	swait.ge [sflag:s30], $0x2000  }
0x92: {  	[sflag:s30] =	ssyncset.done $0x0  }
0x93: {  	[sflag:s30] =	ssyncadd.s32 $0xFFFFE000  }
0x94: {  	_ =	swait.ge [sflag:s31], $0x2000  }
0x95: {  	[sflag:s31] =	ssyncset.done $0x0  }
0x96: {  	[sflag:s31] =	ssyncadd.s32 $0xFFFFE000  }
0x97: {  	_ =	swait.ge [sflag:s0], $0x2000  }
0x98: {  	[sflag:s0] =	ssyncset.done $0x0  }
0x99: {  	[sflag:s0] =	ssyncadd.s32 $0xFFFFE000  }
0x9a: {  	_ =	swait.ge [sflag:s1], $0x2000  }
0x9b: {  	s3 =	sadd.s32 $0x1, s3;
	s22 =	stileid.u32;
	[sflag:s1] =	ssyncset.done $0x0  }
0x9c: {  	p0 =	sne.s32 s3, s9;
	s16 =	sshll.u32 s22, $0x6;
	[sflag:s1] =	ssyncadd.s32 $0xFFFFE000  }
.Ltmp2:
0x9d: {  	s16 =	sor.u32 $0x1C09, s16;
	[bflag:$0x0] =	sbarrier.arrive $0xFFFF;
	(pc) =	sbr.rel @p0 .LBB2_1-.Ltmp2, $4  }
0x9e: {  	[hbm:s8], [sflag:s16] =	dma.local [spmem:s25], $0x1400  }
0x9f: {  	_ =	swait.ge [sflag:s15], $0x1400  }
0xa0: {  	[sflag:s15] =	ssyncset.done $0x0  }
0xa1: {  	[sflag:s15] =	ssyncadd.s32 $0xFFFFEC00  }
0xa2: {  	_ =	sfence.sel $0x180000  }
0xa3: {  	[bflag:$0x0] =	sbarrier.arrive $0xFFFF  }
0xa4: {  	_ =	strace $0x9000004A  }
0xa5: {  	s0 =	stileid.u32;
	[bflag:$0x2] =	sbarrier.arrive $0xFFFF  }
0xa6: {  	p0 =	sne.s32 s0, $0x0;
	s0 =	rddreg [dreg:$0x2]  }
0xa7: {  	s0 =	sadd.s32 @!p0 $0x100000, s0  }
0xa8: {  	[sflag:s0] =	ssyncadd.tile.s32 @!p0 $0x1;
	_ =	shalt  }
.Lfunc_end2:
_tile_overlayer_lowered:
.L_overlay_start_2:
0xa9: {  	(tag) =	ssettag $0x2  }
0xaa: {  	s0 =	rddreg [dreg:$0x0];
	s2 =	stileid.u32  }
0xab: {  	s1 =	rddreg [dreg:$0x1];
	p0 =	sne.s32 s2, $0x0  }
0xac: {  	s3 =	rddreg [dreg:$0x2];
	[bflag:$0x3] =	sbarrier.arrive $0xFFFF;
	s2 =	simm.s32 @!p0 $0x1C09  }
0xad: {  	[timem:s3], [sflag:s2] =	dma.local @!p0 [hbm:s0], s1  }
0xae: {  	s0 =	simm.s32 @!p0 $0x9  }
0xaf: {  	_ =	swait.ge @!p0 [sflag:s0], s1  }
0xb0: {  	s1 =	ssub.s32 @!p0 $0x0, s1;
	[sflag:s0] =	ssyncset.done @!p0 $0x0  }
0xb1: {  	[sflag:s0] =	ssyncadd.s32 @!p0 s1  }
0xb2: {  	[bflag:$0x3] =	sbarrier.arrive $0xFFFF  }
0xb3: {  	_ =	shalt  }

// kernel: kernel.14.cloned.1.call-start
scs
__scs_entry_jumppad:
0x0: {  	(pc) =	sbr.rel $0x88, $3  }
0x1: {  	(tag) =	ssettag $0x0;
	lr =	simm.s32 $0x1  }
0x2: {  	[smem:$0x3F93] =	sst lr;
	_ =	strace $0xD0000000  }
0x3: {  	_ = 	snop  }
0x4: {  	_ = 	snop  }
0x5: {  	_ = 	snop  }
0x6: {  	_ = 	snop  }
0x7: {  	_ = 	snop  }
__scs_overlays_trampoline_lowered:
0x8: {  	[smem:$0x3FA2] =	sst s0  }
0x9: {  	[smem:$0x3FA3] =	sst s1  }
0xa: {  	[smem:$0x3FA4] =	sst s2  }
0xb: {  	[smem:$0x3FA5] =	sst s3  }
0xc: {  	[smem:$0x3FA6] =	sst s4  }
0xd: {  	[smem:$0x3FA7] =	sst s5  }
0xe: {  	[smem:$0x3FA8] =	sst s6  }
0xf: {  	[smem:$0x3FA9] =	sst s7  }
0x10: {  	[smem:$0x3FAA] =	sst s8  }
0x11: {  	[smem:$0x3FAB] =	sst s9;
	s0 =	simm.s32 @!p0 $0x0  }
0x12: {  	s1 =	sld [smem:$0x3F91];
	s0 =	simm.s32 @p0 $0x1  }
0x13: {  	[smem:$0x3FAC] =	sst s0;
	s0 =	simm.s32 @!p1 $0x0  }
0x14: {  	s2 =	sld [smem:$0x3F90];
	s0 =	simm.s32 @p1 $0x1  }
0x15: {  	[smem:$0x3FAD] =	sst s0;
	s0 =	simm.s32 @!p2 $0x0  }
0x16: {  	s3 =	sld [smem:$0x3FDB];
	s0 =	simm.s32 @p2 $0x1  }
0x17: {  	s4 =	simm.s32 $0x1BF5;
	[smem:$0x3FAF] =	sst s0  }
0x18: {  	s0 =	sld [smem:$0x3F92];
	_ =	swait.ge [sflag:s4], $0x0  }
0x19: {  	s7 =	sld [smem:$0x3F93]  }
0x1a: {  	s8 =	sadd.s32 $0xFFFFE003, lr  }
0x1b: {  	s9 =	sadd.s32 $0xFFFFFEF7, lr;
	s5 =	simm.s32 $0xFFFFFFFF;
	p2 =	slt.u32 s8, $0xFFFFF086  }
0x1c: {  	p1 =	slt.u32 s9, $0xF7A;
	s5 =	simm.s32 @!p2 $0x0  }
0x1d: {  	s5 =	simm.s32 @p1 $0x1;
	p0 =	seq.s32 s7, s2  }
0x1e: {  	s7 =	smul.u32 @!p0 $0xF7A, s2;
	p2 =	seq.s32 @!p0 s5, $0x0  }
0x1f: {  	s9 =	smul.u32 $0xF7A, s1;
	s8 =	simm.s32 @!p0 $0x1BF5;
	p2 =	por !p2, p0  }
0x20: {  	[sflag:s8] =	ssyncset.s32 @!p0 $0xFFFFF086;
	s6 =	sadd.s32 @!p0 s3, s7;
	s7 =	simm.s32 @!p0 $0x108  }
0x21: {  	s3 =	sadd.s32 s3, s9;
	s6 =	sadd.s32 @!p0 $0x88, s6;
	s7 =	simm.s32 @p2 $0x1082  }
0x22: {  	[simem:s7], [sflag:s8] =	dma.local @!p0 [hbm:s6], $0xF7A  }
0x23: {  	s9 =	sor.u32 $0xD0000000, s2;
	s6 =	simm.s32 $0x108;
	_ =	swait.ge @!p0 [sflag:s8], $0x0  }
0x24: {  	s3 =	sadd.s32 $0x88, s3;
	s6 =	simm.s32 @!p1 $0x1082;
	[sflag:s4] =	ssyncset.s32 $0xFFFFF086  }
0x25: {  	[simem:s6], [sflag:s4] =	dma.local [hbm:s3], $0xF7A  }
0x26: {  	[smem:$0x3F93] =	sst s1;
	(tag) =	ssettag s2;
	_ =	strace s9  }
0x27: {  	s1 =	sld [smem:$0x3FA3]  }
0x28: {  	s2 =	sld [smem:$0x3FA4]  }
0x29: {  	s4 =	sld [smem:$0x3FA6]  }
0x2a: {  	p0 =	seq.s32 s5, $0x0;
	s5 =	sld [smem:$0x3FA7]  }
0x2b: {  	s6 =	sld [smem:$0x3FA8]  }
0x2c: {  	s7 =	sld [smem:$0x3FA9]  }
0x2d: {  	s3 =	simm.s32 $0x108;
	s8 =	sld [smem:$0x3FAA]  }
0x2e: {  	s3 =	simm.s32 @!p0 $0x1082;
	s9 =	sld [smem:$0x3FAB]  }
0x2f: {  	lr =	sadd.s32 s0, s3;
	s0 =	sld [smem:$0x3FA2]  }
0x30: {  	s3 =	sld [smem:$0x3FA5]  }
0x31: {  	[smem:$0x3FAE] =	sst s10  }
0x32: {  	s10 =	sld [smem:$0x3FAC];
	_ =	sdelay $0x3  }
0x33: {  	p0 =	seq.s32 s10, $0x1;
	s10 =	sld [smem:$0x3FAE];
	_ =	sdelay $0x3  }
0x34: {  	[smem:$0x3FAE] =	sst s10  }
0x35: {  	s10 =	sld [smem:$0x3FAD];
	_ =	sdelay $0x3  }
0x36: {  	p1 =	seq.s32 s10, $0x1;
	s10 =	sld [smem:$0x3FAE];
	_ =	sdelay $0x3  }
0x37: {  	[smem:$0x3FAE] =	sst s10  }
0x38: {  	s10 =	sld [smem:$0x3FAF]  }
0x39: {  	_ = 	snop;
	(pc) =	sbr.ind lr, $3  }
0x3a: {  	_ = 	snop  }
0x3b: {  	_ = 	snop  }
0x3c: {  	p2 =	seq.s32 s10, $0x1;
	s10 =	sld [smem:$0x3FAE]  }
0x3d: {  	_ =	shalt  }
0x3e: {  	_ =	shalt  }
0x3f: {  	_ =	shalt  }
0x40: {  	_ =	shalt  }
0x41: {  	_ =	shalt  }
0x42: {  	_ =	shalt  }
0x43: {  	_ =	shalt  }
0x44: {  	_ =	shalt  }
0x45: {  	_ =	shalt  }
0x46: {  	_ =	shalt  }
0x47: {  	_ =	shalt  }
0x48: {  	_ =	shalt  }
0x49: {  	_ =	shalt  }
0x4a: {  	_ =	shalt  }
0x4b: {  	_ =	shalt  }
0x4c: {  	_ =	shalt  }
0x4d: {  	_ =	shalt  }
0x4e: {  	_ =	shalt  }
0x4f: {  	_ =	shalt  }
0x50: {  	_ =	shalt  }
0x51: {  	_ =	shalt  }
0x52: {  	_ =	shalt  }
0x53: {  	_ =	shalt  }
0x54: {  	_ =	shalt  }
0x55: {  	_ =	shalt  }
0x56: {  	_ =	shalt  }
0x57: {  	_ =	shalt  }
0x58: {  	_ =	shalt  }
0x59: {  	_ =	shalt  }
0x5a: {  	_ =	shalt  }
0x5b: {  	_ =	shalt  }
0x5c: {  	_ =	shalt  }
0x5d: {  	_ =	shalt  }
0x5e: {  	_ =	shalt  }
0x5f: {  	_ =	shalt  }
0x60: {  	_ =	shalt  }
0x61: {  	_ =	shalt  }
0x62: {  	_ =	shalt  }
0x63: {  	_ =	shalt  }
0x64: {  	_ =	shalt  }
0x65: {  	_ =	shalt  }
0x66: {  	_ =	shalt  }
0x67: {  	_ =	shalt  }
0x68: {  	_ =	shalt  }
0x69: {  	_ =	shalt  }
0x6a: {  	_ =	shalt  }
0x6b: {  	_ =	shalt  }
0x6c: {  	_ =	shalt  }
0x6d: {  	_ =	shalt  }
0x6e: {  	_ =	shalt  }
0x6f: {  	_ =	shalt  }
0x70: {  	_ =	shalt  }
0x71: {  	_ =	shalt  }
0x72: {  	_ =	shalt  }
0x73: {  	_ =	shalt  }
0x74: {  	_ =	shalt  }
0x75: {  	_ =	shalt  }
0x76: {  	_ =	shalt  }
0x77: {  	_ =	shalt  }
0x78: {  	_ =	shalt  }
0x79: {  	_ =	shalt  }
0x7a: {  	_ =	shalt  }
0x7b: {  	_ =	shalt  }
0x7c: {  	_ =	shalt  }
0x7d: {  	_ =	shalt  }
0x7e: {  	_ =	shalt  }
0x7f: {  	_ =	shalt  }
0x80: {  	_ =	shalt  }
0x81: {  	_ =	shalt  }
0x82: {  	_ =	shalt  }
0x83: {  	_ =	shalt  }
0x84: {  	_ =	shalt  }
0x85: {  	_ =	shalt  }
0x86: {  	_ =	shalt  }
0x87: {  	_ =	shalt  }
.Lfunc_end0:
.L_simem_size_0:
called_computation.2_lowered:
.L_overlay_start_0:
0x88: {  	s2 =	sld [smem:$0x3FD9]  }
0x89: {  	s3 =	sld [smem:$0x3FFE];
	_ =	sdelay $0x1  }
0x8a: {  	s1 =	srdreg.scid  }
0x8b: {  	s0 =	sand.u32 $0x1, s1  }
0x8c: {  	s16 =	sshll.u32 s0, $0xA;
	s2 =	sadd.s32 s3, s2  }
0x8d: {  	s2 =	sadd.s32 s2, s16  }
0x8e: {  	[smem:$0x3FBA] =	sst s2  }
0x8f: {  	_ = 	snop  }
0x90: {  	(tm) =	ssettm $0x1  }
0x91: {  	s17 =	sld [smem:$0x3FFB];
	_ =	sdelay $0x3  }
0x92: {  	_ =	strace s17  }
0x93: {  	s2 =	sld [smem:$0x3FFC];
	_ =	sdelay $0x3  }
0x94: {  	_ =	strace s2  }
0x95: {  	s2 =	sld [smem:$0x3FFD];
	_ =	sdelay $0x3  }
0x96: {  	_ =	strace s2  }
0x97: {  	_ =	strace $0x8FFFFFFF  }
0x98: {  	s18 =	sld [smem:$0x3FDB];
	_ =	sdelay $0x1  }
0x99: {  	s19 =	simm.s32 $_scs_section_size  }
0x9a: {  	s4 =	simm.s32 $_size__tile_overlayer_lowered;
	s5 =	simm.s32 $_tile_overlayer_lowered  }
0x9b: {  	s22 =	simm.s32 $0x1BFF;
	s21 =	sshll.u32 s5, $0x1;
	s2 =	sadd.s32 s19, s18  }
0x9c: {  	s6 =	simm.s32 $0x0;
	s20 =	sshll.u32 s4, $0x1;
	s4 =	sadd.s32 s21, s2  }
0x9d: {  	[timem:s6], [sflag:s22] =	dma.local [hbm:s4], s20  }
0x9e: {  	_ =	swait.ge [sflag:s22], s20  }
0x9f: {  	s3 =	ssub.s32 $0x0, s20;
	[sflag:s22] =	ssyncset.done $0x0  }
0xa0: {  	[sflag:s22] =	ssyncadd.s32 s3;
	_ =	sdelay $0x1  }
0xa1: {  	s23 =	simm.s32 $0x1B8B  }
0xa2: {  	_ =	swait.ge [sflag:s23], $0x1  }
0xa3: {  	[sflag:s23] =	ssyncset.done $0x0  }
0xa4: {  	s25 =	simm.s32 $0x1B8E;
	s24 =	sld [smem:$0x3FFE];
	[sflag:s23] =	ssyncadd.s32 $0xFFFFFFFF  }
0xa5: {  	s26 =	simm.s32 $execute0_lowered;
	[smem:$0x3FD2] =	sst s25  }
0xa6: {  	s4 =	sshll.u32 s26, $0x1;
	_ =	strace $0x8000004C;
	[dreg:$0x1] =	wrdreg $0xFFFFFFFF  }
0xa7: {  	s28 =	simm.s32 $_size_execute0_lowered;
	s2 =	sadd.s32 s2, s4;
	[dreg:$0x0] =	wrdreg $0x0  }
0xa8: {  	s4 =	sshll.u32 s28, $0x1;
	[dreg:$0x2] =	wrdreg s2  }
0xa9: {  	[dreg:$0x3] =	wrdreg s4  }
0xaa: {  	[dreg:$0x4] =	wrdreg $0xC0  }
0xab: {  	_ =	task [dreg:s6], $0x5FFFF  }
0xac: {  	[dreg:$0x1] =	wrdreg $0xFFFFFFFF  }
0xad: {  	[dreg:$0x0] =	wrdreg $0x60  }
0xae: {  	[dreg:$0x2] =	wrdreg s24  }
0xaf: {  	[dreg:$0x3] =	wrdreg $0x140000  }
0xb0: {  	[dreg:$0x4] =	wrdreg $0x9  }
0xb1: {  	_ =	task.clear_ibuf [dreg:s6], $0x5FFFF;
	_ =	strace $0x9000004C  }
0xb2: {  	s29 =	simm.s32 $0x9;
	_ =	strace $0x8000004E  }
0xb3: {  	_ =	swait.ge [sflag:s29], $0x1  }
0xb4: {  	[sflag:s29] =	ssyncadd.s32 $0xFFFFFFFF  }
0xb5: {  	_ =	strace $0x9000004E  }
0xb6: {  	_ =	sfence  }
0xb7: {  	s30 =	sld [smem:$0x0];
	_ =	sdelay $0x2  }
0xb8: {  	s31 =	sshll.u32 s1, $0xD;
	s1 =	sshrl.u32 s1, $0x2  }
0xb9: {  	s3 =	sand.u32 $0x4000, s31;
	s1 =	sadd.s32 s1, s30  }
0xba: {  	s0 =	sor.u32 s3, s0;
	s1 =	sshll.u32 s1, $0x11  }
0xbb: {  	s0 =	sor.u32 s1, s0  }
0xbc: {  	s0 =	sadd.s32 $0x8F2B, s0  }
0xbd: {  	[sflag:s0] =	ssyncadd.remote.s32 $0x1  }
0xbe: {  	_ =	sfence.sel $0xFFFF  }
0xbf: {  	[dreg:$0x0] =	wrdreg $0xFFFFFFFF;
	(pc) =	sbr.abs _section_cstart, $3  }
0xc0: {  	[dreg:$0x1] =	wrdreg $0xFFFFFFFF  }
0xc1: {  	_ =	task.clear_ibuf [dreg:s6], $0x2FFFF;
	_ =	strace $0x9FFFFFFF  }
0xc2: {  	(tm) =	ssettm $0x7FFFFFFF  }
0xc3: {  	_ =	shalt  }
tec
execute0_lowered:
.L_overlay_start_1:
0x0: {  	(tag) =	ssettag $0x1  }
0x1: {  	s0 =	rddreg [dreg:$0x0];
	s1 =	srdreg.scid  }
0x2: {  	s2 =	rddreg [dreg:$0x1];
	s8 =	stileid.u32  }
0x3: {  	s3 =	simm.s32 $0x0;
	s14 =	simm.s32 $0x12000;
	s15 =	simm.s32 $0x9  }
0x4: {  	s17 =	simm.s32 $0x80;
	s18 =	simm.s32 $0xA000;
	s19 =	simm.s32 $0xC000  }
0x5: {  	s21 =	simm.s32 $0xE000;
	s28 =	simm.s32 $0x3;
	s5 =	smul.u32 $0xA00, s8  }
0x6: {  	s29 =	simm.s32 $0x4;
	s30 =	simm.s32 $0x5;
	s9 =	smul.u32 $0xA000, s8  }
0x7: {  	s31 =	simm.s32 $0x6;
	s1 =	sand.u32 $0x1, s1;
	s23 =	smul.u32 $0x28000, s8  }
0x8: {  	[smem:$0x7FF] =	sst s3;
	s4 =	smul.u32 $0xA0000, s1;
	s1 =	ssub.s32 $0x2, s1  }
0x9: {  	_ =	strace $0x8000004D;
	s24 =	sadd.s32 s5, s0;
	s25 =	sshrl.u32 s1, $0x1  }
0xa: {  	s26 =	sadd.s32 s9, s2;
	s6 =	sshrl.u32 s4, $0x3;
	s4 =	sadd.s32 s9, s4  }
0xb: {  	s1 =	ssub.s32 s1, s25;
	s5 =	sadd.s32 $0x18200, s24;
	s25 =	sshrl.u32 s26, $0x3  }
0xc: {  	s26 =	simm.s32 $0x2;
	s7 =	sadd.s32 s6, s0;
	s4 =	sshrl.u32 s4, $0x3  }
0xd: {  	s6 =	sshrl.u32 s23, $0x2;
	s9 =	smax.u32 s1, $0x1;
	s23 =	simm.s32 $0x10000  }
0xe: {  	s1 =	simm.s32 $0x8;
	s0 =	sadd.s32 s4, s0;
	s4 =	sadd.s32 s6, s2  }
0xf: {  	s6 =	sadd.s32 $0xE200, s24;
	s7 =	sadd.s32 $0x22200, s7;
	s24 =	simm.s32 $0x1  }
0x10: {  	s8 =	sadd.s32 $0x4A200, s0;
	s10 =	sadd.s32 $0x2000, s4;
	s11 =	sadd.s32 $0x4000, s4  }
0x11: {  	v0 =	vimm.f32 $0.0e+00;
	s12 =	sadd.s32 $0x6000, s4;
	s13 =	sadd.s32 $0x8000, s4;
	s0 =	simm.s32 $0x7  }
.LBB2_1:
0x12: {  	s22 =	simm.s32 $0x100;
	s20 =	simm.s32 $0x0  }
.LBB2_2:
0x13: {  	p0 =	sne.s32 s22, $0x7F00;
	[tilespmem:s20+$0x12030] =	vst v0;
	s16 =	smov.u32 s22;
	s22 =	sadd.s32 $0x100, s22  }
.Ltmp0:
0x14: {  	[tilespmem:s20+$0x12020] =	vst v0;
	(pc) =	sbr.rel @p0 .LBB2_2-.Ltmp0, $3  }
0x15: {  	[tilespmem:s20+$0x12000] =	vst v0  }
0x16: {  	[tilespmem:s20+$0x12010] =	vst v0;
	_ =	sdelay $0x1  }
0x17: {  	s20 =	sshra.s32 s16, $0x2  }
0x18: {  	[tilespmem:s20+$0x12030] =	vst v0  }
0x19: {  	[tilespmem:s20+$0x12020] =	vst v0  }
0x1a: {  	[tilespmem:s20+$0x12000] =	vst v0  }
0x1b: {  	[tilespmem:s20+$0x12010] =	vst v0  }
0x1c: {  	[spmem:s4] =	stream.linear.scatter [tilespmem:s14], [sflag:$0x9], $0x2000, $0x38;
	[tilespmem:$0x1E000] =	vst v63  }
0x1d: {  	_ =	swait.ge [sflag:s15], $0x2000  }
0x1e: {  	[sflag:s15] =	ssyncset.done $0x0  }
0x1f: {  	[sflag:s15] =	ssyncadd.s32 $0xFFFFE000  }
0x20: {  	[spmem:s10] =	stream.linear.scatter [tilespmem:s14], [sflag:$0x9], $0x2000, $0x38;
	[tilespmem:$0x1E000] =	vst v63  }
0x21: {  	_ =	swait.ge [sflag:s15], $0x2000  }
0x22: {  	[sflag:s15] =	ssyncset.done $0x0  }
0x23: {  	[sflag:s15] =	ssyncadd.s32 $0xFFFFE000  }
0x24: {  	[spmem:s11] =	stream.linear.scatter [tilespmem:s14], [sflag:$0x9], $0x2000, $0x38;
	[tilespmem:$0x1E000] =	vst v63  }
0x25: {  	_ =	swait.ge [sflag:s15], $0x2000  }
0x26: {  	[sflag:s15] =	ssyncset.done $0x0  }
0x27: {  	[sflag:s15] =	ssyncadd.s32 $0xFFFFE000  }
0x28: {  	[spmem:s12] =	stream.linear.scatter [tilespmem:s14], [sflag:$0x9], $0x2000, $0x38;
	[tilespmem:$0x1E000] =	vst v63  }
0x29: {  	_ =	swait.ge [sflag:s15], $0x2000  }
0x2a: {  	[sflag:s15] =	ssyncset.done $0x0  }
0x2b: {  	[sflag:s15] =	ssyncadd.s32 $0xFFFFE000  }
0x2c: {  	[spmem:s13] =	stream.linear.scatter [tilespmem:s14], [sflag:$0x9], $0x2000, $0x38;
	[tilespmem:$0x1E000] =	vst v63  }
0x2d: {  	_ =	swait.ge [sflag:s15], $0x2000  }
0x2e: {  	[sflag:s15] =	ssyncset.done $0x0  }
0x2f: {  	s16 =	simm.s32 $0x0;
	[sflag:s15] =	ssyncadd.s32 $0xFFFFE000  }
0x30: {  	[tilespmem:s16], [sflag:$0x9] =	stream.linear.gather [hbm4b:s5+s16], $0x5000, $0x38;
	[tilespmem:$0x1E000] =	vst v63  }
0x31: {  	_ =	swait.ge [sflag:s15], $0x5000  }
0x32: {  	[sflag:s15] =	ssyncset.done $0x0  }
0x33: {  	s22 =	simm.s32 $0x5000;
	[sflag:s15] =	ssyncadd.s32 $0xFFFFB000  }
0x34: {  	[tilespmem:s22], [sflag:$0x9] =	stream.linear.gather [hbm4b:s6+s16], $0x5000, $0x38;
	[tilespmem:$0x1E000] =	vst v63  }
0x35: {  	_ =	swait.ge [sflag:s15], $0x5000  }
0x36: {  	[sflag:s15] =	ssyncset.done $0x0  }
0x37: {  	[sflag:s15] =	ssyncadd.s32 $0xFFFFB000  }
0x38: {  	[bflag:$0x0] =	sbarrier.arrive $0xFFFF  }
0x39: {  	[tilespmem:s18], [sflag:$0x1] =	stream.indirect.gather [hbm4b:s7+s17], $0x40, s16, s17, $0xb8;
	[tilespmem:$0x1E000] =	vst v63  }
0x3a: {  	_ = 	snop  }
0x3b: {  	[tilespmem:s19], [sflag:$0x2] =	stream.indirect.gather [hbm4b:s7+s17], $0x40, s17, s17, $0xb8;
	[tilespmem:$0x1E000] =	vst v63  }
0x3c: {  	s22 =	simm.s32 $0x100  }
0x3d: {  	[tilespmem:s21], [sflag:$0x3] =	stream.indirect.gather [hbm4b:s7+s17], $0x40, s22, s17, $0xb8;
	[tilespmem:$0x1E000] =	vst v63  }
0x3e: {  	s20 =	simm.s32 $0x180  }
0x3f: {  	[tilespmem:s23], [sflag:$0x4] =	stream.indirect.gather [hbm4b:s7+s17], $0x40, s20, s17, $0xb8;
	[tilespmem:$0x1E000] =	vst v63  }
0x40: {  	_ =	swait.ge [sflag:s24], $0x2000  }
0x41: {  	[sflag:s24] =	ssyncset.done $0x0  }
0x42: {  	s22 =	simm.s32 $0x5000;
	[sflag:s24] =	ssyncadd.s32 $0xFFFFE000  }
0x43: {  	[spmem:s2] =	stream.indirect.scatter.add.f32 [tilespmem:s18], [sflag:$0x5], $0x40, s22, s17, $0xb8;
	[tilespmem:$0x1E000] =	vst v63  }
0x44: {  	_ =	swait.ge [sflag:s26], $0x2000  }
0x45: {  	[sflag:s26] =	ssyncset.done $0x0  }
0x46: {  	s20 =	simm.s32 $0x5080;
	[sflag:s26] =	ssyncadd.s32 $0xFFFFE000  }
0x47: {  	[spmem:s2] =	stream.indirect.scatter.add.f32 [tilespmem:s19], [sflag:$0x6], $0x40, s20, s17, $0xb8;
	[tilespmem:$0x1E000] =	vst v63  }
0x48: {  	_ =	swait.ge [sflag:s28], $0x2000  }
0x49: {  	[sflag:s28] =	ssyncset.done $0x0  }
0x4a: {  	s22 =	simm.s32 $0x5100;
	[sflag:s28] =	ssyncadd.s32 $0xFFFFE000  }
0x4b: {  	[spmem:s2] =	stream.indirect.scatter.add.f32 [tilespmem:s21], [sflag:$0x7], $0x40, s22, s17, $0xb8;
	[tilespmem:$0x1E000] =	vst v63  }
0x4c: {  	_ =	swait.ge [sflag:s29], $0x2000  }
0x4d: {  	[sflag:s29] =	ssyncset.done $0x0  }
0x4e: {  	s20 =	simm.s32 $0x5180;
	[sflag:s29] =	ssyncadd.s32 $0xFFFFE000  }
0x4f: {  	[spmem:s2] =	stream.indirect.scatter.add.f32 [tilespmem:s23], [sflag:$0x8], $0x40, s20, s17, $0xb8;
	[tilespmem:$0x1E000] =	vst v63  }
0x50: {  	_ =	swait.ge [sflag:s30], $0x2000  }
0x51: {  	[sflag:s30] =	ssyncset.done $0x0  }
0x52: {  	s22 =	simm.s32 $0x200;
	[sflag:s30] =	ssyncadd.s32 $0xFFFFE000  }
0x53: {  	[tilespmem:s18], [sflag:$0x1] =	stream.indirect.gather [hbm4b:s7+s17], $0x40, s22, s17, $0xb8;
	[tilespmem:$0x1E000] =	vst v63  }
0x54: {  	_ =	swait.ge [sflag:s31], $0x2000  }
0x55: {  	[sflag:s31] =	ssyncset.done $0x0  }
0x56: {  	s20 =	simm.s32 $0x280;
	[sflag:s31] =	ssyncadd.s32 $0xFFFFE000  }
0x57: {  	[tilespmem:s19], [sflag:$0x2] =	stream.indirect.gather [hbm4b:s7+s17], $0x40, s20, s17, $0xb8;
	[tilespmem:$0x1E000] =	vst v63  }
0x58: {  	_ =	swait.ge [sflag:s0], $0x2000  }
0x59: {  	[sflag:s0] =	ssyncset.done $0x0  }
0x5a: {  	s22 =	simm.s32 $0x300;
	[sflag:s0] =	ssyncadd.s32 $0xFFFFE000  }
0x5b: {  	[tilespmem:s21], [sflag:$0x3] =	stream.indirect.gather [hbm4b:s7+s17], $0x40, s22, s17, $0xb8;
	[tilespmem:$0x1E000] =	vst v63  }
0x5c: {  	_ =	swait.ge [sflag:s1], $0x2000  }
0x5d: {  	[sflag:s1] =	ssyncset.done $0x0  }
0x5e: {  	s20 =	simm.s32 $0x800;
	s22 =	simm.s32 $0x380;
	[sflag:s1] =	ssyncadd.s32 $0xFFFFE000  }
.LBB2_4:
0x5f: {  	[tilespmem:s23], [sflag:$0x4] =	stream.indirect.gather [hbm4b:s7+s17], $0x40, s22, s17, $0xb8;
	[tilespmem:$0x1E000] =	vst v63  }
0x60: {  	s16 =	smov.u32 s20  }
0x61: {  	p0 =	sne.s32 s20, $0x13000;
	s20 =	sadd.s32 $0x800, s20;
	_ =	swait.ge [sflag:s24], $0x2000  }
0x62: {  	s22 =	sshra.s32 s16, $0x2;
	[sflag:s24] =	ssyncset.done $0x0  }
0x63: {  	s16 =	sadd.s32 $0x5000, s22;
	[sflag:s24] =	ssyncadd.s32 $0xFFFFE000  }
0x64: {  	[spmem:s2] =	stream.indirect.scatter.add.f32 [tilespmem:s18], [sflag:$0x5], $0x40, s16, s17, $0xb8;
	[tilespmem:$0x1E000] =	vst v63  }
0x65: {  	_ =	swait.ge [sflag:s26], $0x2000  }
0x66: {  	[sflag:s26] =	ssyncset.done $0x0  }
0x67: {  	s16 =	sadd.s32 $0x5080, s22;
	[sflag:s26] =	ssyncadd.s32 $0xFFFFE000  }
0x68: {  	[spmem:s2] =	stream.indirect.scatter.add.f32 [tilespmem:s19], [sflag:$0x6], $0x40, s16, s17, $0xb8;
	[tilespmem:$0x1E000] =	vst v63  }
0x69: {  	_ =	swait.ge [sflag:s28], $0x2000  }
0x6a: {  	[sflag:s28] =	ssyncset.done $0x0  }
0x6b: {  	s16 =	sadd.s32 $0x5100, s22;
	[sflag:s28] =	ssyncadd.s32 $0xFFFFE000  }
0x6c: {  	[spmem:s2] =	stream.indirect.scatter.add.f32 [tilespmem:s21], [sflag:$0x7], $0x40, s16, s17, $0xb8;
	[tilespmem:$0x1E000] =	vst v63  }
0x6d: {  	_ =	swait.ge [sflag:s29], $0x2000  }
0x6e: {  	[sflag:s29] =	ssyncset.done $0x0  }
0x6f: {  	s16 =	sadd.s32 $0x5180, s22;
	[sflag:s29] =	ssyncadd.s32 $0xFFFFE000  }
0x70: {  	[spmem:s2] =	stream.indirect.scatter.add.f32 [tilespmem:s23], [sflag:$0x8], $0x40, s16, s17, $0xb8;
	[tilespmem:$0x1E000] =	vst v63  }
0x71: {  	_ =	swait.ge [sflag:s30], $0x2000  }
0x72: {  	[sflag:s30] =	ssyncset.done $0x0  }
0x73: {  	s16 =	sadd.s32 $0x200, s22;
	[sflag:s30] =	ssyncadd.s32 $0xFFFFE000  }
0x74: {  	[tilespmem:s18], [sflag:$0x1] =	stream.indirect.gather [hbm4b:s7+s17], $0x40, s16, s17, $0xb8;
	[tilespmem:$0x1E000] =	vst v63  }
0x75: {  	_ =	swait.ge [sflag:s31], $0x2000  }
0x76: {  	[sflag:s31] =	ssyncset.done $0x0  }
0x77: {  	s16 =	sadd.s32 $0x280, s22;
	[sflag:s31] =	ssyncadd.s32 $0xFFFFE000  }
0x78: {  	[tilespmem:s19], [sflag:$0x2] =	stream.indirect.gather [hbm4b:s7+s17], $0x40, s16, s17, $0xb8;
	[tilespmem:$0x1E000] =	vst v63  }
0x79: {  	_ =	swait.ge [sflag:s0], $0x2000  }
0x7a: {  	[sflag:s0] =	ssyncset.done $0x0  }
.Ltmp1:
0x7b: {  	s16 =	sadd.s32 $0x300, s22;
	[sflag:s0] =	ssyncadd.s32 $0xFFFFE000;
	(pc) =	sbr.rel @p0 .LBB2_4-.Ltmp1, $4  }
0x7c: {  	[tilespmem:s21], [sflag:$0x3] =	stream.indirect.gather [hbm4b:s7+s17], $0x40, s16, s17, $0xb8;
	[tilespmem:$0x1E000] =	vst v63  }
0x7d: {  	_ =	swait.ge [sflag:s1], $0x2000  }
0x7e: {  	[sflag:s1] =	ssyncset.done $0x0  }
0x7f: {  	s22 =	sadd.s32 $0x380, s22;
	[sflag:s1] =	ssyncadd.s32 $0xFFFFE000  }
0x80: {  	[tilespmem:s23], [sflag:$0x4] =	stream.indirect.gather [hbm4b:s7+s17], $0x40, s22, s17, $0xb8;
	[tilespmem:$0x1E000] =	vst v63  }
0x81: {  	_ =	swait.ge [sflag:s24], $0x2000  }
0x82: {  	[sflag:s24] =	ssyncset.done $0x0  }
0x83: {  	s16 =	simm.s32 $0x9E00;
	[sflag:s24] =	ssyncadd.s32 $0xFFFFE000  }
0x84: {  	[spmem:s2] =	stream.indirect.scatter.add.f32 [tilespmem:s18], [sflag:$0x5], $0x40, s16, s17, $0xb8;
	[tilespmem:$0x1E000] =	vst v63  }
0x85: {  	_ =	swait.ge [sflag:s26], $0x2000  }
0x86: {  	[sflag:s26] =	ssyncset.done $0x0  }
0x87: {  	s20 =	simm.s32 $0x9E80;
	[sflag:s26] =	ssyncadd.s32 $0xFFFFE000  }
0x88: {  	[spmem:s2] =	stream.indirect.scatter.add.f32 [tilespmem:s19], [sflag:$0x6], $0x40, s20, s17, $0xb8;
	[tilespmem:$0x1E000] =	vst v63  }
0x89: {  	_ =	swait.ge [sflag:s28], $0x2000  }
0x8a: {  	[sflag:s28] =	ssyncset.done $0x0  }
0x8b: {  	s22 =	simm.s32 $0x9F00;
	[sflag:s28] =	ssyncadd.s32 $0xFFFFE000  }
0x8c: {  	[spmem:s2] =	stream.indirect.scatter.add.f32 [tilespmem:s21], [sflag:$0x7], $0x40, s22, s17, $0xb8;
	[tilespmem:$0x1E000] =	vst v63  }
0x8d: {  	_ =	swait.ge [sflag:s29], $0x2000  }
0x8e: {  	[sflag:s29] =	ssyncset.done $0x0  }
0x8f: {  	s20 =	simm.s32 $0x9F80;
	[sflag:s29] =	ssyncadd.s32 $0xFFFFE000  }
0x90: {  	[spmem:s2] =	stream.indirect.scatter.add.f32 [tilespmem:s23], [sflag:$0x8], $0x40, s20, s17, $0xb8;
	[tilespmem:$0x1E000] =	vst v63  }
0x91: {  	_ =	swait.ge [sflag:s30], $0x2000  }
0x92: {  	[sflag:s30] =	ssyncset.done $0x0  }
0x93: {  	[sflag:s30] =	ssyncadd.s32 $0xFFFFE000  }
0x94: {  	_ =	swait.ge [sflag:s31], $0x2000  }
0x95: {  	[sflag:s31] =	ssyncset.done $0x0  }
0x96: {  	[sflag:s31] =	ssyncadd.s32 $0xFFFFE000  }
0x97: {  	_ =	swait.ge [sflag:s0], $0x2000  }
0x98: {  	[sflag:s0] =	ssyncset.done $0x0  }
0x99: {  	[sflag:s0] =	ssyncadd.s32 $0xFFFFE000  }
0x9a: {  	_ =	swait.ge [sflag:s1], $0x2000  }
0x9b: {  	s3 =	sadd.s32 $0x1, s3;
	s22 =	stileid.u32;
	[sflag:s1] =	ssyncset.done $0x0  }
0x9c: {  	p0 =	sne.s32 s3, s9;
	s16 =	sshll.u32 s22, $0x6;
	[sflag:s1] =	ssyncadd.s32 $0xFFFFE000  }
.Ltmp2:
0x9d: {  	s16 =	sor.u32 $0x1C09, s16;
	[bflag:$0x0] =	sbarrier.arrive $0xFFFF;
	(pc) =	sbr.rel @p0 .LBB2_1-.Ltmp2, $4  }
0x9e: {  	[hbm:s8], [sflag:s16] =	dma.local [spmem:s25], $0x1400  }
0x9f: {  	_ =	swait.ge [sflag:s15], $0x1400  }
0xa0: {  	[sflag:s15] =	ssyncset.done $0x0  }
0xa1: {  	[sflag:s15] =	ssyncadd.s32 $0xFFFFEC00  }
0xa2: {  	_ =	sfence.sel $0x180000  }
0xa3: {  	[bflag:$0x0] =	sbarrier.arrive $0xFFFF  }
0xa4: {  	_ =	strace $0x9000004D  }
0xa5: {  	s0 =	stileid.u32;
	[bflag:$0x2] =	sbarrier.arrive $0xFFFF  }
0xa6: {  	p0 =	sne.s32 s0, $0x0;
	s0 =	rddreg [dreg:$0x2]  }
0xa7: {  	s0 =	sadd.s32 @!p0 $0x100000, s0  }
0xa8: {  	[sflag:s0] =	ssyncadd.tile.s32 @!p0 $0x1;
	_ =	shalt  }
.Lfunc_end2:
_tile_overlayer_lowered:
.L_overlay_start_2:
0xa9: {  	(tag) =	ssettag $0x2  }
0xaa: {  	s0 =	rddreg [dreg:$0x0];
	s2 =	stileid.u32  }
0xab: {  	s1 =	rddreg [dreg:$0x1];
	p0 =	sne.s32 s2, $0x0  }
0xac: {  	s3 =	rddreg [dreg:$0x2];
	[bflag:$0x3] =	sbarrier.arrive $0xFFFF;
	s2 =	simm.s32 @!p0 $0x1C09  }
0xad: {  	[timem:s3], [sflag:s2] =	dma.local @!p0 [hbm:s0], s1  }
0xae: {  	s0 =	simm.s32 @!p0 $0x9  }
0xaf: {  	_ =	swait.ge @!p0 [sflag:s0], s1  }
0xb0: {  	s1 =	ssub.s32 @!p0 $0x0, s1;
	[sflag:s0] =	ssyncset.done @!p0 $0x0  }
0xb1: {  	[sflag:s0] =	ssyncadd.s32 @!p0 s1  }
0xb2: {  	[bflag:$0x3] =	sbarrier.arrive $0xFFFF  }
0xb3: {  	_ =	shalt  }

// kernel: kernel.8.cloned.1.call-start
scs
__scs_entry_jumppad:
0x0: {  	(pc) =	sbr.rel $0x88, $3  }
0x1: {  	(tag) =	ssettag $0x0;
	lr =	simm.s32 $0x1  }
0x2: {  	[smem:$0x3F93] =	sst lr;
	_ =	strace $0xD0000000  }
0x3: {  	_ = 	snop  }
0x4: {  	_ = 	snop  }
0x5: {  	_ = 	snop  }
0x6: {  	_ = 	snop  }
0x7: {  	_ = 	snop  }
__scs_overlays_trampoline_lowered:
0x8: {  	[smem:$0x3FA2] =	sst s0  }
0x9: {  	[smem:$0x3FA3] =	sst s1  }
0xa: {  	[smem:$0x3FA4] =	sst s2  }
0xb: {  	[smem:$0x3FA5] =	sst s3  }
0xc: {  	[smem:$0x3FA6] =	sst s4  }
0xd: {  	[smem:$0x3FA7] =	sst s5  }
0xe: {  	[smem:$0x3FA8] =	sst s6  }
0xf: {  	[smem:$0x3FA9] =	sst s7  }
0x10: {  	[smem:$0x3FAA] =	sst s8  }
0x11: {  	[smem:$0x3FAB] =	sst s9;
	s0 =	simm.s32 @!p0 $0x0  }
0x12: {  	s1 =	sld [smem:$0x3F91];
	s0 =	simm.s32 @p0 $0x1  }
0x13: {  	[smem:$0x3FAC] =	sst s0;
	s0 =	simm.s32 @!p1 $0x0  }
0x14: {  	s2 =	sld [smem:$0x3F90];
	s0 =	simm.s32 @p1 $0x1  }
0x15: {  	[smem:$0x3FAD] =	sst s0;
	s0 =	simm.s32 @!p2 $0x0  }
0x16: {  	s3 =	sld [smem:$0x3FDB];
	s0 =	simm.s32 @p2 $0x1  }
0x17: {  	s4 =	simm.s32 $0x1BF5;
	[smem:$0x3FAF] =	sst s0  }
0x18: {  	s0 =	sld [smem:$0x3F92];
	_ =	swait.ge [sflag:s4], $0x0  }
0x19: {  	s7 =	sld [smem:$0x3F93]  }
0x1a: {  	s8 =	sadd.s32 $0xFFFFE003, lr  }
0x1b: {  	s9 =	sadd.s32 $0xFFFFFEF7, lr;
	s5 =	simm.s32 $0xFFFFFFFF;
	p2 =	slt.u32 s8, $0xFFFFF086  }
0x1c: {  	p1 =	slt.u32 s9, $0xF7A;
	s5 =	simm.s32 @!p2 $0x0  }
0x1d: {  	s5 =	simm.s32 @p1 $0x1;
	p0 =	seq.s32 s7, s2  }
0x1e: {  	s7 =	smul.u32 @!p0 $0xF7A, s2;
	p2 =	seq.s32 @!p0 s5, $0x0  }
0x1f: {  	s9 =	smul.u32 $0xF7A, s1;
	s8 =	simm.s32 @!p0 $0x1BF5;
	p2 =	por !p2, p0  }
0x20: {  	[sflag:s8] =	ssyncset.s32 @!p0 $0xFFFFF086;
	s6 =	sadd.s32 @!p0 s3, s7;
	s7 =	simm.s32 @!p0 $0x108  }
0x21: {  	s3 =	sadd.s32 s3, s9;
	s6 =	sadd.s32 @!p0 $0x88, s6;
	s7 =	simm.s32 @p2 $0x1082  }
0x22: {  	[simem:s7], [sflag:s8] =	dma.local @!p0 [hbm:s6], $0xF7A  }
0x23: {  	s9 =	sor.u32 $0xD0000000, s2;
	s6 =	simm.s32 $0x108;
	_ =	swait.ge @!p0 [sflag:s8], $0x0  }
0x24: {  	s3 =	sadd.s32 $0x88, s3;
	s6 =	simm.s32 @!p1 $0x1082;
	[sflag:s4] =	ssyncset.s32 $0xFFFFF086  }
0x25: {  	[simem:s6], [sflag:s4] =	dma.local [hbm:s3], $0xF7A  }
0x26: {  	[smem:$0x3F93] =	sst s1;
	(tag) =	ssettag s2;
	_ =	strace s9  }
0x27: {  	s1 =	sld [smem:$0x3FA3]  }
0x28: {  	s2 =	sld [smem:$0x3FA4]  }
0x29: {  	s4 =	sld [smem:$0x3FA6]  }
0x2a: {  	p0 =	seq.s32 s5, $0x0;
	s5 =	sld [smem:$0x3FA7]  }
0x2b: {  	s6 =	sld [smem:$0x3FA8]  }
0x2c: {  	s7 =	sld [smem:$0x3FA9]  }
0x2d: {  	s3 =	simm.s32 $0x108;
	s8 =	sld [smem:$0x3FAA]  }
0x2e: {  	s3 =	simm.s32 @!p0 $0x1082;
	s9 =	sld [smem:$0x3FAB]  }
0x2f: {  	lr =	sadd.s32 s0, s3;
	s0 =	sld [smem:$0x3FA2]  }
0x30: {  	s3 =	sld [smem:$0x3FA5]  }
0x31: {  	[smem:$0x3FAE] =	sst s10  }
0x32: {  	s10 =	sld [smem:$0x3FAC];
	_ =	sdelay $0x3  }
0x33: {  	p0 =	seq.s32 s10, $0x1;
	s10 =	sld [smem:$0x3FAE];
	_ =	sdelay $0x3  }
0x34: {  	[smem:$0x3FAE] =	sst s10  }
0x35: {  	s10 =	sld [smem:$0x3FAD];
	_ =	sdelay $0x3  }
0x36: {  	p1 =	seq.s32 s10, $0x1;
	s10 =	sld [smem:$0x3FAE];
	_ =	sdelay $0x3  }
0x37: {  	[smem:$0x3FAE] =	sst s10  }
0x38: {  	s10 =	sld [smem:$0x3FAF]  }
0x39: {  	_ = 	snop;
	(pc) =	sbr.ind lr, $3  }
0x3a: {  	_ = 	snop  }
0x3b: {  	_ = 	snop  }
0x3c: {  	p2 =	seq.s32 s10, $0x1;
	s10 =	sld [smem:$0x3FAE]  }
0x3d: {  	_ =	shalt  }
0x3e: {  	_ =	shalt  }
0x3f: {  	_ =	shalt  }
0x40: {  	_ =	shalt  }
0x41: {  	_ =	shalt  }
0x42: {  	_ =	shalt  }
0x43: {  	_ =	shalt  }
0x44: {  	_ =	shalt  }
0x45: {  	_ =	shalt  }
0x46: {  	_ =	shalt  }
0x47: {  	_ =	shalt  }
0x48: {  	_ =	shalt  }
0x49: {  	_ =	shalt  }
0x4a: {  	_ =	shalt  }
0x4b: {  	_ =	shalt  }
0x4c: {  	_ =	shalt  }
0x4d: {  	_ =	shalt  }
0x4e: {  	_ =	shalt  }
0x4f: {  	_ =	shalt  }
0x50: {  	_ =	shalt  }
0x51: {  	_ =	shalt  }
0x52: {  	_ =	shalt  }
0x53: {  	_ =	shalt  }
0x54: {  	_ =	shalt  }
0x55: {  	_ =	shalt  }
0x56: {  	_ =	shalt  }
0x57: {  	_ =	shalt  }
0x58: {  	_ =	shalt  }
0x59: {  	_ =	shalt  }
0x5a: {  	_ =	shalt  }
0x5b: {  	_ =	shalt  }
0x5c: {  	_ =	shalt  }
0x5d: {  	_ =	shalt  }
0x5e: {  	_ =	shalt  }
0x5f: {  	_ =	shalt  }
0x60: {  	_ =	shalt  }
0x61: {  	_ =	shalt  }
0x62: {  	_ =	shalt  }
0x63: {  	_ =	shalt  }
0x64: {  	_ =	shalt  }
0x65: {  	_ =	shalt  }
0x66: {  	_ =	shalt  }
0x67: {  	_ =	shalt  }
0x68: {  	_ =	shalt  }
0x69: {  	_ =	shalt  }
0x6a: {  	_ =	shalt  }
0x6b: {  	_ =	shalt  }
0x6c: {  	_ =	shalt  }
0x6d: {  	_ =	shalt  }
0x6e: {  	_ =	shalt  }
0x6f: {  	_ =	shalt  }
0x70: {  	_ =	shalt  }
0x71: {  	_ =	shalt  }
0x72: {  	_ =	shalt  }
0x73: {  	_ =	shalt  }
0x74: {  	_ =	shalt  }
0x75: {  	_ =	shalt  }
0x76: {  	_ =	shalt  }
0x77: {  	_ =	shalt  }
0x78: {  	_ =	shalt  }
0x79: {  	_ =	shalt  }
0x7a: {  	_ =	shalt  }
0x7b: {  	_ =	shalt  }
0x7c: {  	_ =	shalt  }
0x7d: {  	_ =	shalt  }
0x7e: {  	_ =	shalt  }
0x7f: {  	_ =	shalt  }
0x80: {  	_ =	shalt  }
0x81: {  	_ =	shalt  }
0x82: {  	_ =	shalt  }
0x83: {  	_ =	shalt  }
0x84: {  	_ =	shalt  }
0x85: {  	_ =	shalt  }
0x86: {  	_ =	shalt  }
0x87: {  	_ =	shalt  }
.Lfunc_end0:
.L_simem_size_0:
called_computation_lowered:
.L_overlay_start_0:
0x88: {  	s2 =	sld [smem:$0x3FD9]  }
0x89: {  	s3 =	sld [smem:$0x3FFE];
	_ =	sdelay $0x1  }
0x8a: {  	s1 =	srdreg.scid  }
0x8b: {  	s0 =	sand.u32 $0x1, s1  }
0x8c: {  	s14 =	sshll.u32 s0, $0xA;
	s2 =	sadd.s32 s3, s2  }
0x8d: {  	s2 =	sadd.s32 s2, s14  }
0x8e: {  	[smem:$0x3FBA] =	sst s2  }
0x8f: {  	_ = 	snop  }
0x90: {  	s2 =	sld [smem:$0x3FD0];
	_ =	sdelay $0x2  }
0x91: {  	s15 =	simm.s32 $0xA;
	s4 =	simm.s32 $0x10  }
0x92: {  	[smem:s4], [sflag:s15] =	dma.local [hbm:s2], $0x1  }
0x93: {  	_ =	swait.eq [sflag:s15], $0x1  }
0x94: {  	[sflag:s15] =	ssyncset.done $0x0  }
0x95: {  	[sflag:s15] =	ssyncadd.s32 $0xFFFFFFFF  }
0x96: {  	s16 =	sld [smem:$0x10];
	(tm) =	ssettm $0x1  }
0x97: {  	s17 =	sld [smem:$0x3FFB];
	_ =	sdelay $0x3  }
0x98: {  	_ =	strace s17  }
0x99: {  	s3 =	sld [smem:$0x3FFC];
	_ =	sdelay $0x3  }
0x9a: {  	_ =	strace s3  }
0x9b: {  	s3 =	sld [smem:$0x3FFD];
	_ =	sdelay $0x3  }
0x9c: {  	_ =	strace s3  }
0x9d: {  	_ =	strace $0x8FFFFFFF  }
0x9e: {  	s18 =	sld [smem:$0x3FDB];
	_ =	sdelay $0x1  }
0x9f: {  	s19 =	simm.s32 $_scs_section_size  }
0xa0: {  	s5 =	simm.s32 $_size__tile_overlayer_lowered;
	s6 =	simm.s32 $_tile_overlayer_lowered  }
0xa1: {  	s22 =	simm.s32 $0x1BFF;
	s21 =	sshll.u32 s6, $0x1;
	s3 =	sadd.s32 s19, s18  }
0xa2: {  	s7 =	simm.s32 $0x0;
	s20 =	sshll.u32 s5, $0x1;
	s5 =	sadd.s32 s21, s3  }
0xa3: {  	[timem:s7], [sflag:s22] =	dma.local [hbm:s5], s20  }
0xa4: {  	_ =	swait.ge [sflag:s22], s20  }
0xa5: {  	s4 =	ssub.s32 $0x0, s20;
	[sflag:s22] =	ssyncset.done $0x0  }
0xa6: {  	[sflag:s22] =	ssyncadd.s32 s4;
	_ =	sdelay $0x1  }
0xa7: {  	s23 =	simm.s32 $0x1B8B  }
0xa8: {  	_ =	swait.ge [sflag:s23], $0x1  }
0xa9: {  	[sflag:s23] =	ssyncset.done $0x0  }
0xaa: {  	s25 =	simm.s32 $0x1B8E;
	s24 =	sld [smem:$0x3FFE];
	[sflag:s23] =	ssyncadd.s32 $0xFFFFFFFF  }
0xab: {  	s26 =	simm.s32 $execute0_lowered;
	[smem:$0x3FD2] =	sst s25  }
0xac: {  	s5 =	sshll.u32 s26, $0x1;
	_ =	strace $0x80000046;
	[dreg:$0x1] =	wrdreg $0xFFFFFFFF  }
0xad: {  	s28 =	simm.s32 $_size_execute0_lowered;
	s3 =	sadd.s32 s3, s5;
	[dreg:$0x0] =	wrdreg $0x0  }
0xae: {  	s5 =	sshll.u32 s28, $0x1;
	[dreg:$0x2] =	wrdreg s3  }
0xaf: {  	[dreg:$0x3] =	wrdreg s5  }
0xb0: {  	[dreg:$0x4] =	wrdreg $0xC0  }
0xb1: {  	_ =	task [dreg:s7], $0x5FFFF  }
0xb2: {  	[dreg:$0x1] =	wrdreg $0xFFFFFFFF  }
0xb3: {  	[dreg:$0x0] =	wrdreg $0x60  }
0xb4: {  	[dreg:$0x2] =	wrdreg s24  }
0xb5: {  	[dreg:$0x3] =	wrdreg s16  }
0xb6: {  	[dreg:$0x4] =	wrdreg $0x53000  }
0xb7: {  	[dreg:$0x5] =	wrdreg $0x55800  }
0xb8: {  	[dreg:$0x6] =	wrdreg $0x9  }
0xb9: {  	_ =	task.clear_ibuf [dreg:s7], $0x7FFFF;
	_ =	strace $0x90000046  }
0xba: {  	s29 =	simm.s32 $0x9;
	_ =	strace $0x80000048  }
0xbb: {  	_ =	swait.ge [sflag:s29], $0x1  }
0xbc: {  	[sflag:s29] =	ssyncadd.s32 $0xFFFFFFFF  }
0xbd: {  	_ =	strace $0x90000048  }
0xbe: {  	_ =	sfence  }
0xbf: {  	s30 =	sld [smem:$0x0];
	_ =	sdelay $0x2  }
0xc0: {  	s31 =	sshll.u32 s1, $0xD;
	s1 =	sshrl.u32 s1, $0x2  }
0xc1: {  	s3 =	sand.u32 $0x4000, s31;
	s1 =	sadd.s32 s1, s30  }
0xc2: {  	s0 =	sor.u32 s3, s0;
	s1 =	sshll.u32 s1, $0x11  }
0xc3: {  	s0 =	sor.u32 s1, s0  }
0xc4: {  	s0 =	sadd.s32 $0x8F2B, s0  }
0xc5: {  	[sflag:s0] =	ssyncadd.remote.s32 $0x1  }
0xc6: {  	_ =	sfence.sel $0xFFFF  }
0xc7: {  	[dreg:$0x0] =	wrdreg $0xFFFFFFFF;
	(pc) =	sbr.abs _section_cstart, $3  }
0xc8: {  	[dreg:$0x1] =	wrdreg $0xFFFFFFFF  }
0xc9: {  	_ =	task.clear_ibuf [dreg:s7], $0x2FFFF;
	_ =	strace $0x9FFFFFFF  }
0xca: {  	(tm) =	ssettm $0x7FFFFFFF  }
0xcb: {  	_ =	shalt  }
tec
execute0_lowered:
.L_overlay_start_1:
0x0: {  	(tag) =	ssettag $0x1  }
0x1: {  	s5 =	rddreg [dreg:$0x0]  }
0x2: {  	s8 =	rddreg [dreg:$0x1];
	s1 =	srdreg.scid  }
0x3: {  	s0 =	stileid.u32;
	s2 =	rddreg [dreg:$0x2]  }
0x4: {  	s3 =	rddreg [dreg:$0x3];
	s4 =	simm.s32 $0x0;
	s14 =	simm.s32 $0x2800  }
0x5: {  	s15 =	simm.s32 $0x80;
	s16 =	simm.s32 $0x5000;
	s17 =	simm.s32 $0x2880  }
0x6: {  	s18 =	simm.s32 $0x1;
	s19 =	simm.s32 $0x3;
	s20 =	simm.s32 $0x2  }
0x7: {  	s21 =	simm.s32 $0x4;
	s23 =	simm.s32 $0x20;
	s7 =	smul.u32 $0x5000, s0  }
0x8: {  	s24 =	simm.s32 $0x10;
	s25 =	simm.s32 $0x0;
	s28 =	smul.u32 $0x500, s0  }
0x9: {  	s6 =	sand.u32 $0x1, s1;
	s1 =	rddreg [dreg:$0x4];
	s30 =	smul.u32 $0x280, s0  }
0xa: {  	[smem:$0x7FF] =	sst s4;
	s22 =	sshll.u32 s0, $0x6;
	s9 =	smul.u32 $0x2800, s6  }
0xb: {  	s10 =	smul.u32 $0x5000, s6;
	_ =	strace $0x80000047;
	s6 =	ssub.s32 $0x2, s6  }
0xc: {  	s22 =	sor.u32 $0x1C05, s22;
	s12 =	sshrl.u32 s6, $0x1;
	s7 =	sadd.s32 s9, s7  }
0xd: {  	s29 =	sadd.s32 s28, s10;
	s12 =	ssub.s32 s6, s12;
	s11 =	sshrl.u32 s7, $0x3  }
0xe: {  	s6 =	sadd.s32 s30, s3;
	s7 =	sshrl.u32 s29, $0x3;
	s31 =	sadd.s32 s11, s5  }
0xf: {  	s13 =	sadd.s32 s7, s5;
	s5 =	sadd.s32 s30, s2;
	s8 =	sadd.s32 s8, s11  }
0x10: {  	s11 =	smax.u32 s12, $0x1;
	s12 =	simm.s32 $0x5080;
	s7 =	sadd.s32 $0x2E00, s31  }
0x11: {  	v0 =	vimm.f32 $1.000000000e+00;
	v1 =	vimm.f32 $0.0e+00;
	s9 =	sadd.s32 $0xCE00, s13;
	s10 =	sadd.s32 $0xCE10, s13;
	s13 =	simm.s32 $0x5  }
.LBB2_1:
0x12: {  	[tilespmem:$0x5000] =	vst v0  }
0x13: {  	[tilespmem:$0x5010] =	vst v0  }
0x14: {  	[tilespmem:$0x5020] =	vst v0  }
0x15: {  	[tilespmem:$0x5030] =	vst v0  }
0x16: {  	[tilespmem:$0x5040] =	vst v0  }
0x17: {  	[tilespmem:$0x5050] =	vst v0  }
0x18: {  	[tilespmem:$0x5060] =	vst v0  }
0x19: {  	[tilespmem:$0x5070] =	vst v0  }
0x1a: {  	[tilespmem:$0x5080] =	vst v1  }
0x1b: {  	[tilespmem:$0x5090] =	vst v1  }
0x1c: {  	[tilespmem:$0x50A0] =	vst v1  }
0x1d: {  	[tilespmem:$0x50B0] =	vst v1  }
0x1e: {  	[tilespmem:$0x50C0] =	vst v1  }
0x1f: {  	[tilespmem:$0x50D0] =	vst v1  }
0x20: {  	[tilespmem:$0x50E0] =	vst v1  }
0x21: {  	[tilespmem:$0x50F0] =	vst v1  }
0x22: {  	[tilespmem:$0x5100] =	vst v1  }
0x23: {  	[tilespmem:$0x5110] =	vst v1  }
0x24: {  	[tilespmem:$0x5120] =	vst v1  }
0x25: {  	[tilespmem:$0x5130] =	vst v1  }
0x26: {  	[tilespmem:$0x5140] =	vst v1  }
0x27: {  	[tilespmem:$0x5150] =	vst v1  }
0x28: {  	[tilespmem:$0x5160] =	vst v1  }
0x29: {  	[tilespmem:$0x5170] =	vst v1  }
0x2a: {  	[tilespmem:$0x5180] =	vst v1  }
0x2b: {  	[tilespmem:$0x5190] =	vst v1  }
0x2c: {  	[tilespmem:$0x51A0] =	vst v1  }
0x2d: {  	[tilespmem:$0x51B0] =	vst v1  }
0x2e: {  	[tilespmem:$0x51C0] =	vst v1  }
0x2f: {  	[tilespmem:$0x51D0] =	vst v1  }
0x30: {  	[tilespmem:$0x51E0] =	vst v1  }
0x31: {  	[tilespmem:$0x51F0] =	vst v1  }
0x32: {  	[tilespmem:$0x5200] =	vst v1  }
0x33: {  	[tilespmem:$0x5210] =	vst v1  }
0x34: {  	[tilespmem:$0x5220] =	vst v1  }
0x35: {  	[tilespmem:$0x5230] =	vst v1  }
0x36: {  	[tilespmem:$0x5240] =	vst v1  }
0x37: {  	[tilespmem:$0x5250] =	vst v1  }
0x38: {  	[tilespmem:$0x5260] =	vst v1  }
0x39: {  	[tilespmem:$0x5270] =	vst v1  }
0x3a: {  	[tilespmem:$0x5280] =	vst v1  }
0x3b: {  	[tilespmem:$0x5290] =	vst v1  }
0x3c: {  	[tilespmem:$0x52A0] =	vst v1  }
0x3d: {  	[tilespmem:$0x52B0] =	vst v1  }
0x3e: {  	[tilespmem:$0x52C0] =	vst v1  }
0x3f: {  	[tilespmem:$0x52D0] =	vst v1  }
0x40: {  	[tilespmem:$0x52E0] =	vst v1  }
0x41: {  	[tilespmem:$0x52F0] =	vst v1  }
0x42: {  	[spmem:s5] =	stream.linear.scatter [tilespmem:s12], [sflag:$0x5], $0x280, $0x38;
	[tilespmem:$0x5800] =	vst v63  }
0x43: {  	_ =	swait.ge [sflag:s13], $0x280  }
0x44: {  	[sflag:s13] =	ssyncset.done $0x0  }
0x45: {  	[sflag:s13] =	ssyncadd.s32 $0xFFFFFD80  }
0x46: {  	[spmem:s6] =	stream.linear.scatter [tilespmem:s12], [sflag:$0x5], $0x280, $0x38;
	[tilespmem:$0x5800] =	vst v63  }
0x47: {  	_ =	swait.ge [sflag:s13], $0x280  }
0x48: {  	[sflag:s13] =	ssyncset.done $0x0  }
0x49: {  	[sflag:s13] =	ssyncadd.s32 $0xFFFFFD80  }
0x4a: {  	[tilespmem:s4], [sflag:$0x5] =	stream.linear.gather [hbm4b:s7+s4], $0x2800, $0x38;
	[tilespmem:$0x5800] =	vst v63  }
0x4b: {  	_ =	swait.ge [sflag:s13], $0x2800  }
0x4c: {  	[sflag:s13] =	ssyncset.done $0x0  }
0x4d: {  	[sflag:s13] =	ssyncadd.s32 $0xFFFFD800  }
0x4e: {  	[tilespmem:s14], [sflag:$0x5] =	stream.linear.gather [hbm4b:s8+s4], $0x2800, $0x38;
	[tilespmem:$0x5800] =	vst v63  }
0x4f: {  	_ =	swait.ge [sflag:s13], $0x2800  }
0x50: {  	[sflag:s13] =	ssyncset.done $0x0  }
0x51: {  	[sflag:s13] =	ssyncadd.s32 $0xFFFFD800  }
0x52: {  	[bflag:$0x0] =	sbarrier.arrive $0xFFFF  }
0x53: {  	[spmem:s2] =	stream.indirect.scatter.add.f32 [tilespmem:s16], [sflag:$0x1], $0x1, s4, s15, $0xb8;
	[tilespmem:$0x5800] =	vst v63  }
0x54: {  	_ = 	snop  }
0x55: {  	[spmem:s3] =	stream.indirect.scatter.add.f32 [tilespmem:s16], [sflag:$0x3], $0x1, s14, s15, $0xb8;
	[tilespmem:$0x5800] =	vst v63  }
0x56: {  	_ = 	snop  }
0x57: {  	[spmem:s2] =	stream.indirect.scatter.add.f32 [tilespmem:s16], [sflag:$0x2], $0x1, s15, s15, $0xb8;
	[tilespmem:$0x5800] =	vst v63  }
0x58: {  	_ = 	snop  }
0x59: {  	[spmem:s3] =	stream.indirect.scatter.add.f32 [tilespmem:s16], [sflag:$0x4], $0x1, s17, s15, $0xb8;
	[tilespmem:$0x5800] =	vst v63  }
0x5a: {  	_ =	swait.ge [sflag:s18], $0x80  }
0x5b: {  	[sflag:s18] =	ssyncset.done $0x0  }
0x5c: {  	[sflag:s18] =	ssyncadd.s32 $0xFFFFFF80  }
0x5d: {  	_ =	swait.ge [sflag:s19], $0x80  }
0x5e: {  	[sflag:s19] =	ssyncset.done $0x0  }
0x5f: {  	s26 =	simm.s32 $0x100;
	[sflag:s19] =	ssyncadd.s32 $0xFFFFFF80  }
0x60: {  	[spmem:s2] =	stream.indirect.scatter.add.f32 [tilespmem:s16], [sflag:$0x1], $0x1, s26, s15, $0xb8;
	[tilespmem:$0x5800] =	vst v63  }
0x61: {  	s30 =	simm.s32 $0x2900  }
0x62: {  	[spmem:s3] =	stream.indirect.scatter.add.f32 [tilespmem:s16], [sflag:$0x3], $0x1, s30, s15, $0xb8;
	[tilespmem:$0x5800] =	vst v63  }
0x63: {  	_ =	swait.ge [sflag:s20], $0x80  }
0x64: {  	[sflag:s20] =	ssyncset.done $0x0  }
0x65: {  	[sflag:s20] =	ssyncadd.s32 $0xFFFFFF80  }
0x66: {  	_ =	swait.ge [sflag:s21], $0x80  }
0x67: {  	s31 =	simm.s32 $0x180;
	[sflag:s21] =	ssyncset.done $0x0  }
0x68: {  	s28 =	simm.s32 $0x2980;
	s26 =	simm.s32 $0xFFFF6800;
	[sflag:s21] =	ssyncadd.s32 $0xFFFFFF80  }
0x69: {  	[spmem:s2] =	stream.indirect.scatter.add.f32 [tilespmem:s16], [sflag:$0x2], $0x1, s31, s15, $0xb8;
	[tilespmem:$0x5800] =	vst v63  }
.LBB2_2:
0x6a: {  	[spmem:s3] =	stream.indirect.scatter.add.f32 [tilespmem:s16], [sflag:$0x4], $0x1, s28, s15, $0xb8;
	[tilespmem:$0x5800] =	vst v63  }
0x6b: {  	s28 =	smov.u32 s26  }
0x6c: {  	p0 =	sne.s32 s26, $0xFFFFFC00;
	s26 =	sadd.s32 $0x400, s26;
	_ =	swait.ge [sflag:s18], $0x80  }
0x6d: {  	[sflag:s18] =	ssyncset.done $0x0  }
0x6e: {  	[sflag:s18] =	ssyncadd.s32 $0xFFFFFF80  }
0x6f: {  	_ =	swait.ge [sflag:s19], $0x80  }
0x70: {  	s28 =	sshra.s32 s28, $0x2;
	[sflag:s19] =	ssyncset.done $0x0  }
0x71: {  	s29 =	sadd.s32 $0x2800, s28;
	[sflag:s19] =	ssyncadd.s32 $0xFFFFFF80  }
0x72: {  	[spmem:s2] =	stream.indirect.scatter.add.f32 [tilespmem:s16], [sflag:$0x1], $0x1, s29, s15, $0xb8;
	[tilespmem:$0x5800] =	vst v63  }
0x73: {  	s29 =	sadd.s32 $0x5000, s28  }
0x74: {  	[spmem:s3] =	stream.indirect.scatter.add.f32 [tilespmem:s16], [sflag:$0x3], $0x1, s29, s15, $0xb8;
	[tilespmem:$0x5800] =	vst v63  }
0x75: {  	_ =	swait.ge [sflag:s20], $0x80  }
0x76: {  	[sflag:s20] =	ssyncset.done $0x0  }
0x77: {  	[sflag:s20] =	ssyncadd.s32 $0xFFFFFF80  }
.Ltmp0:
0x78: {  	_ =	swait.ge [sflag:s21], $0x80;
	(pc) =	sbr.rel @p0 .LBB2_2-.Ltmp0, $4  }
0x79: {  	[sflag:s21] =	ssyncset.done $0x0  }
0x7a: {  	s29 =	sadd.s32 $0x2880, s28;
	[sflag:s21] =	ssyncadd.s32 $0xFFFFFF80  }
0x7b: {  	[spmem:s2] =	stream.indirect.scatter.add.f32 [tilespmem:s16], [sflag:$0x2], $0x1, s29, s15, $0xb8;
	[tilespmem:$0x5800] =	vst v63  }
0x7c: {  	s28 =	sadd.s32 $0x5080, s28  }
0x7d: {  	[spmem:s3] =	stream.indirect.scatter.add.f32 [tilespmem:s16], [sflag:$0x4], $0x1, s28, s15, $0xb8;
	[tilespmem:$0x5800] =	vst v63  }
0x7e: {  	_ =	swait.ge [sflag:s18], $0x80  }
0x7f: {  	[sflag:s18] =	ssyncset.done $0x0  }
0x80: {  	[sflag:s18] =	ssyncadd.s32 $0xFFFFFF80  }
0x81: {  	_ =	swait.ge [sflag:s19], $0x80  }
0x82: {  	[sflag:s19] =	ssyncset.done $0x0  }
0x83: {  	[sflag:s19] =	ssyncadd.s32 $0xFFFFFF80  }
0x84: {  	_ =	swait.ge [sflag:s20], $0x80  }
0x85: {  	[sflag:s20] =	ssyncset.done $0x0  }
0x86: {  	[sflag:s20] =	ssyncadd.s32 $0xFFFFFF80  }
0x87: {  	_ =	swait.ge [sflag:s21], $0x80  }
0x88: {  	[sflag:s21] =	ssyncset.done $0x0  }
0x89: {  	[sflag:s21] =	ssyncadd.s32 $0xFFFFFF80  }
0x8a: {  	s26 =	sshrl.u32 s5, $0x3;
	[bflag:$0x0] =	sbarrier.arrive $0xFFFF  }
0x8b: {  	[hbm:s9@s23], [sflag:s22] =	dma.strided [spmem:s26@s24], $0x50, s18, $0x10   }
0x8c: {  	s25 =	sadd.s32 $0x1, s25;
	_ =	swait.ge [sflag:s13], $0x50  }
0x8d: {  	p0 =	sne.s32 s25, s11;
	[sflag:s13] =	ssyncset.done $0x0  }
.Ltmp1:
0x8e: {  	s31 =	sshrl.u32 s6, $0x3;
	[sflag:s13] =	ssyncadd.s32 $0xFFFFFFB0;
	(pc) =	sbr.rel @p0 .LBB2_1-.Ltmp1, $4  }
0x8f: {  	[hbm:s10@s23], [sflag:s22] =	dma.strided [spmem:s31@s24], $0x50, s18, $0x10   }
0x90: {  	_ =	swait.ge [sflag:s13], $0x50  }
0x91: {  	[sflag:s13] =	ssyncset.done $0x0  }
0x92: {  	[sflag:s13] =	ssyncadd.s32 $0xFFFFFFB0  }
0x93: {  	_ =	sfence.sel $0x180000  }
0x94: {  	[bflag:$0x0] =	sbarrier.arrive $0xFFFF  }
0x95: {  	p0 =	sne.s32 s0, $0x0;
	_ =	strace $0x90000047  }
0x96: {  	s0 =	sadd.s32 @!p0 $0x100000, s1;
	[bflag:$0x2] =	sbarrier.arrive $0xFFFF  }
0x97: {  	[sflag:s0] =	ssyncadd.tile.s32 @!p0 $0x1;
	_ =	shalt  }
.Lfunc_end2:
_tile_overlayer_lowered:
.L_overlay_start_2:
0x98: {  	(tag) =	ssettag $0x2  }
0x99: {  	s0 =	rddreg [dreg:$0x0];
	s2 =	stileid.u32  }
0x9a: {  	s1 =	rddreg [dreg:$0x1];
	p0 =	sne.s32 s2, $0x0  }
0x9b: {  	s3 =	rddreg [dreg:$0x2];
	[bflag:$0x3] =	sbarrier.arrive $0xFFFF;
	s2 =	simm.s32 @!p0 $0x1C05  }
0x9c: {  	[timem:s3], [sflag:s2] =	dma.local @!p0 [hbm:s0], s1  }
0x9d: {  	s0 =	simm.s32 @!p0 $0x5  }
0x9e: {  	_ =	swait.ge @!p0 [sflag:s0], s1  }
0x9f: {  	s1 =	ssub.s32 @!p0 $0x0, s1;
	[sflag:s0] =	ssyncset.done @!p0 $0x0  }
0xa0: {  	[sflag:s0] =	ssyncadd.s32 @!p0 s1  }
0xa1: {  	[bflag:$0x3] =	sbarrier.arrive $0xFFFF  }
0xa2: {  	_ =	shalt  }

</sc_bundles>
